<compile_context>
chip_gen: v7x
topology: tpu7x:2x2x1
jax: 0.10.2.dev20260603
libtpu: 0.0.44.dev20260713+nightly
codegen_flags: <defaults>
</compile_context>

<pallas_src>
import functools

import jax
import jax.numpy as jnp
from jax import lax
from jax.experimental import pallas as pl
from jax.experimental.pallas import tpu as pltpu
from jax.experimental.pallas import tpu_sc as plsc

_FEAT = 768
_HID = 256
_K = 8192
_NS = 10
_MOM = 0.999
_N = 4608

_BT = 256
_BK = 1024

_NW = 32
_TW = _N // _NW
_C = 24
_NCH = _TW // _C


def _prep_body(cent_ref, w1_ref, b1_ref, w2_ref, b2_ref,
               ew1_ref, eb1_ref, ew2_ref, eb2_ref,
               cn_ref, c2_ref, uw1_ref, ub1_ref, uw2_ref, ub2_ref):
    c = cent_ref[...]
    nrm = jnp.sqrt(jnp.sum(c * c, axis=1, keepdims=True))
    cn = c / (nrm + 1e-12)
    cn_ref[...] = cn
    c2_ref[...] = jnp.sum(cn * cn, axis=1, keepdims=True)

    @pl.when(pl.program_id(0) == 0)
    def _():
        uw1_ref[...] = ew1_ref[...] * _MOM + w1_ref[...] * (1.0 - _MOM)
        ub1_ref[...] = eb1_ref[...] * _MOM + b1_ref[...] * (1.0 - _MOM)
        uw2_ref[...] = ew2_ref[...] * _MOM + w2_ref[...] * (1.0 - _MOM)
        ub2_ref[...] = eb2_ref[...] * _MOM + b2_ref[...] * (1.0 - _MOM)


def _fused_body(xo_ref, xa_ref, w1_ref, b1_ref, w2_ref, b2_ref,
                uw1_ref, ub1_ref, uw2_ref, ub2_ref, cn_ref, c2_ref,
                z1_ref, n1_ref, idx_ref, loss_ref):
    i = pl.program_id(0)
    xo = xo_ref[...]
    h1 = jnp.maximum(
        jnp.dot(xo, w1_ref[...], preferred_element_type=jnp.float32)
        + b1_ref[...], 0.0)
    z1 = jnp.dot(h1, w2_ref[...], preferred_element_type=jnp.float32) \
        + b2_ref[...]
    z1_ref[...] = z1
    nr1 = jnp.sqrt(jnp.sum(z1 * z1, axis=1, keepdims=True))
    n1 = z1 / (nr1 + 1e-12)
    n1_ref[...] = n1

    xa = xa_ref[...]
    h2 = jnp.maximum(
        jnp.dot(xa, uw1_ref[...], preferred_element_type=jnp.float32)
        + ub1_ref[...], 0.0)
    za = jnp.dot(h2, uw2_ref[...], preferred_element_type=jnp.float32) \
        + ub2_ref[...]
    nr2 = jnp.sqrt(jnp.sum(za * za, axis=1, keepdims=True))
    n2 = za / (nr2 + 1e-12)
    d = n1 - n2
    part = jnp.sum(d * d).reshape(1, 1)

    @pl.when(i == 0)
    def _():
        loss_ref[...] = jnp.zeros((1, 1), jnp.float32)
    loss_ref[...] += part
    @pl.when(i == pl.num_programs(0) - 1)
    def _():
        loss_ref[...] = loss_ref[...] / float(_N * _HID)

    mm = lax.dot_general(n1, cn_ref[...], (((1,), (1,)), ((), ())),
                         preferred_element_type=jnp.float32)
    dist = c2_ref[...] - 2.0 * mm
    dmin = jnp.min(dist, axis=1, keepdims=True)
    ii = lax.broadcasted_iota(jnp.int32, dist.shape, 1)
    cand = jnp.where(dist == dmin, ii, _K)
    idx_ref[...] = jnp.min(cand, axis=1, keepdims=True)


@functools.cache
def _make_sc_gather():
    @functools.partial(
        pl.kernel,
        out_type=[jax.ShapeDtypeStruct((_N, _NS, _HID), jnp.float32),
                  jax.ShapeDtypeStruct((_N, _HID), jnp.float32)],
        mesh=plsc.VectorSubcoreMesh(core_axis_name="c", subcore_axis_name="s"),
        scratch_types=[
            pltpu.VMEM((_C,), jnp.int32),
            pltpu.VMEM((_C,), jnp.int32),
            pltpu.VMEM((_C, 8, _HID), jnp.float32),
            pltpu.VMEM((_C, 8, _HID), jnp.float32),
            pltpu.VMEM((2, _C, _HID), jnp.float32),
            pltpu.VMEM((2, _C, _HID), jnp.float32),
            pltpu.VMEM((_C, _HID), jnp.float32),
            pltpu.SemaphoreType.DMA,
            pltpu.SemaphoreType.DMA,
            pltpu.SemaphoreType.DMA,
            pltpu.SemaphoreType.DMA,
        ],
    )
    def _sc_gather(queue_hbm, cent_hbm, idx_hbm, z1_hbm, pos_hbm, proxy_hbm,
                   ic0, ic1, qs0, qs1, qt0, qt1, cbuf,
                   semg0, semg1, semw0, semw1):
        wid = lax.axis_index("s") * 2 + lax.axis_index("c")
        base = wid * _TW
        ics = (ic0, ic1)
        qss = (qs0, qs1)
        qts = (qt0, qt1)
        semgs = (semg0, semg1)
        semws = (semw0, semw1)
        gath = [None, None]
        wout = [None, None]

        def start_chunk(j):
            b = j % 2
            if wout[b] is not None:
                for w in wout[b]:
                    w.wait()
                wout[b] = None
            tb = base + j * _C
            ic = ics[b]
            pltpu.sync_copy(idx_hbm.at[pl.ds(tb, _C)], ic)
            gath[b] = [
                pltpu.async_copy(queue_hbm.at[:, pl.ds(0, 8)].at[ic],
                                 qss[b], semgs[b]),
                pltpu.async_copy(queue_hbm.at[:, _NS - 2].at[ic],
                                 qts[b].at[0], semgs[b]),
                pltpu.async_copy(z1_hbm.at[pl.ds(tb, _C)],
                                 qts[b].at[1], semgs[b]),
            ]

        def finish_chunk(j):
            b = j % 2
            tb = base + j * _C
            ic = ics[b]
            for w in gath[b]:
                w.wait()
            gath[b] = None
            wout[b] = [
                pltpu.async_copy(qss[b], pos_hbm.at[pl.ds(tb, _C),
                                                    pl.ds(0, 8)], semws[b]),
                pltpu.async_copy(qts[b].at[0],
                                 pos_hbm.at[pl.ds(tb, _C), _NS - 2], semws[b]),
                pltpu.async_copy(qts[b].at[1],
                                 pos_hbm.at[pl.ds(tb, _C), _NS - 1], semws[b]),
            ]
            pltpu.sync_copy(cent_hbm.at[ic], cbuf)
            pltpu.sync_copy(cbuf, proxy_hbm.at[pl.ds(tb, _C)])

        for j in range(_NCH):
            start_chunk(j)
            if j >= 1:
                finish_chunk(j - 1)
        finish_chunk(_NCH - 1)
        for wlist in wout:
            if wlist is not None:
                for w in wlist:
                    w.wait()

    return _sc_gather


def kernel(img, aug_img, W1, b1, W2, b2, eW1, eb1, eW2, eb2, centroid, queue):
    xo = jnp.transpose(img, (0, 2, 3, 1)).reshape(-1, _FEAT)
    xa = jnp.transpose(aug_img, (0, 2, 3, 1)).reshape(-1, _FEAT)
    b1r = b1.reshape(1, _FEAT)
    b2r = b2.reshape(1, _HID)
    eb1r = eb1.reshape(1, _FEAT)
    eb2r = eb2.reshape(1, _HID)

    _full = lambda shape: pl.BlockSpec(shape, lambda i: (0,) * len(shape))

    cn, c2, uW1, ub1, uW2, ub2 = pl.pallas_call(
        _prep_body,
        grid=(_K // _BK,),
        in_specs=[pl.BlockSpec((_BK, _HID), lambda i: (i, 0)),
                  _full((_FEAT, _FEAT)), _full((1, _FEAT)),
                  _full((_FEAT, _HID)), _full((1, _HID)),
                  _full((_FEAT, _FEAT)), _full((1, _FEAT)),
                  _full((_FEAT, _HID)), _full((1, _HID))],
        out_specs=[pl.BlockSpec((_BK, _HID), lambda i: (i, 0)),
                   pl.BlockSpec((_BK, 1), lambda i: (i, 0)),
                   _full((_FEAT, _FEAT)), _full((1, _FEAT)),
                   _full((_FEAT, _HID)), _full((1, _HID))],
        out_shape=[jax.ShapeDtypeStruct((_K, _HID), jnp.float32),
                   jax.ShapeDtypeStruct((_K, 1), jnp.float32),
                   jax.ShapeDtypeStruct((_FEAT, _FEAT), jnp.float32),
                   jax.ShapeDtypeStruct((1, _FEAT), jnp.float32),
                   jax.ShapeDtypeStruct((_FEAT, _HID), jnp.float32),
                   jax.ShapeDtypeStruct((1, _HID), jnp.float32)],
    )(centroid, W1, b1r, W2, b2r, eW1, eb1r, eW2, eb2r)

    z1, n1, idx, loss = pl.pallas_call(
        _fused_body,
        grid=(_N // _BT,),
        in_specs=[pl.BlockSpec((_BT, _FEAT), lambda i: (i, 0)),
                  pl.BlockSpec((_BT, _FEAT), lambda i: (i, 0)),
                  _full((_FEAT, _FEAT)), _full((1, _FEAT)),
                  _full((_FEAT, _HID)), _full((1, _HID)),
                  _full((_FEAT, _FEAT)), _full((1, _FEAT)),
                  _full((_FEAT, _HID)), _full((1, _HID)),
                  _full((_K, _HID)), _full((1, _K))],
        out_specs=[pl.BlockSpec((_BT, _HID), lambda i: (i, 0)),
                   pl.BlockSpec((_BT, _HID), lambda i: (i, 0)),
                   pl.BlockSpec((_BT, 1), lambda i: (i, 0)),
                   _full((1, 1))],
        out_shape=[jax.ShapeDtypeStruct((_N, _HID), jnp.float32),
                   jax.ShapeDtypeStruct((_N, _HID), jnp.float32),
                   jax.ShapeDtypeStruct((_N, 1), jnp.int32),
                   jax.ShapeDtypeStruct((1, 1), jnp.float32)],
    )(xo, xa, W1, b1r, W2, b2r, uW1, ub1, uW2, ub2, cn, c2.reshape(1, _K))

    positives, pos_proxy = _make_sc_gather()(
        queue, centroid, idx.reshape(_N), z1)

    out = jnp.transpose(n1.reshape(8, 24, 24, _HID), (0, 3, 1, 2))
    loss1 = loss[0, 0]
    return (out, pos_proxy, positives, loss1)

# --- scband reference (transcript-rebuilt; emitter-appended) ---
"""Pipeline reference for scband-dionema-89824946029011 (READ-ONLY COPY).

The authoritative reference and input builder live on the scoring server;
editing this copy changes nothing except your own understanding.
"""

import jax, jax.numpy as jnp
import numpy as np

FEAT = 768
HID = 256
K = 8192
NS = 10
MOM = 0.999


def _flatten(x):
    b, d, h, w = x.shape
    return jnp.transpose(x, (0, 2, 3, 1)).reshape(-1, d)


def _normalize_flat(x):
    xf = _flatten(x)
    return xf / (jnp.linalg.norm(xf, axis=-1, keepdims=True) + 1e-12)


def _head(x, W1, b1, W2, b2):
    # SegmentationHead modeled as 1x1 conv -> ReLU -> 1x1 conv (per-pixel MLP)
    b, d, h, w = x.shape
    xf = jnp.transpose(x, (0, 2, 3, 1)).reshape(-1, d)
    y = jnp.maximum(xf @ W1 + b1, 0.0)
    y = y @ W2 + b2
    return jnp.transpose(y.reshape(b, h, w, HID), (0, 3, 1, 2))


def setup_inputs(seed: int = 0) -> dict:
    key = jax.random.key(seed)
    ks = [jax.random.fold_in(key, i) for i in range(12)]
    img = jax.random.normal(ks[0], (8, FEAT, 24, 24), dtype=jnp.float32)
    aug_img = jax.random.normal(ks[1], (8, FEAT, 24, 24), dtype=jnp.float32)
    W1 = jax.random.normal(ks[2], (FEAT, FEAT), dtype=jnp.float32) * 0.02
    b1 = jnp.zeros((FEAT,), dtype=jnp.float32)
    W2 = jax.random.normal(ks[3], (FEAT, HID), dtype=jnp.float32) * 0.02
    b2 = jnp.zeros((HID,), dtype=jnp.float32)
    eW1 = jax.random.normal(ks[4], (FEAT, FEAT), dtype=jnp.float32) * 0.02
    eb1 = jnp.zeros((FEAT,), dtype=jnp.float32)
    eW2 = jax.random.normal(ks[5], (FEAT, HID), dtype=jnp.float32) * 0.02
    eb2 = jnp.zeros((HID,), dtype=jnp.float32)
    centroid = jax.random.normal(ks[6], (K, HID), dtype=jnp.float32)
    queue = jax.random.normal(ks[7], (K, NS, HID), dtype=jnp.float32)
    return {
        'img': img, 'aug_img': aug_img,
        'W1': W1, 'b1': b1, 'W2': W2, 'b2': b2,
        'eW1': eW1, 'eb1': eb1, 'eW2': eW2, 'eb2': eb2,
        'centroid': centroid, 'queue': queue,
    }


def reference(img, aug_img, W1, b1, W2, b2, eW1, eb1, eW2, eb2, centroid, queue):
    sg = jax.lax.stop_gradient
    # extractor (DINO) treated as precomputed: img/aug_img ARE dino features (b, feat, h, w)
    dino_feat_ori = img
    dino_feat_aug = aug_img
    # dropout in eval mode -> identity
    z1_1 = _head(dino_feat_ori, W1, b1, W2, b2)
    b, d, h, w = z1_1.shape
    norm_z1_1 = _normalize_flat(z1_1)
    # momentum update of ema head (torch.no_grad)
    uW1 = eW1 * MOM + sg(W1) * (1.0 - MOM)
    ub1 = eb1 * MOM + sg(b1) * (1.0 - MOM)
    uW2 = eW2 * MOM + sg(W2) * (1.0 - MOM)
    ub2 = eb2 * MOM + sg(b2) * (1.0 - MOM)
    z1_2 = _head(dino_feat_aug, uW1, ub1, uW2, ub2)
    norm_z1_2 = sg(_normalize_flat(z1_2))
    loss1 = jnp.mean((norm_z1_1 - norm_z1_2) ** 2)
    # VQ: distance of each token to each (normalized) centroid
    centroid_norm = centroid / (jnp.linalg.norm(centroid, axis=-1, keepdims=True) + 1e-12)
    distance = (jnp.sum(norm_z1_1 ** 2, axis=1, keepdims=True)
                + jnp.sum(centroid_norm ** 2, axis=1)
                - 2.0 * (norm_z1_1 @ centroid_norm.T))
    idx = jnp.argmin(distance, axis=-1)
    pos_proxy = jnp.take(centroid, idx, axis=0)
    positives = jnp.take(queue, idx, axis=0)
    positives = positives.at[:, -1, :].set(_flatten(z1_1))
    out = jnp.transpose(norm_z1_1.reshape(b, h, w, d), (0, 3, 1, 2))
    return (out, pos_proxy, positives, loss1)

if __name__ == "__main__":
    import jax
    _d = setup_inputs()
    print(jax.jit(kernel)(*tuple(_d.values())))

</pallas_src>

<mosaic_0001>
#map = affine_map<(d0, d1) -> (0, 0, 0)>
#map1 = affine_map<(d0, d1) -> (0, 0)>
#map2 = affine_map<(d0, d1) -> (0)>
module attributes {stable_mosaic.version = 14 : i64} {
  func.func @_sc_gather(%arg0: i32, %arg1: i32, %arg2: memref<8192x10x256xf32, #tpu.memory_space<hbm>>, %arg3: memref<8192x256xf32, #tpu.memory_space<hbm>>, %arg4: memref<4608xi32, #tpu.memory_space<hbm>>, %arg5: memref<4608x256xf32, #tpu.memory_space<hbm>>, %arg6: memref<4608x10x256xf32, #tpu.memory_space<hbm>>, %arg7: memref<4608x256xf32, #tpu.memory_space<hbm>>, %arg8: memref<24xi32, #tpu.memory_space<vmem>>, %arg9: memref<24xi32, #tpu.memory_space<vmem>>, %arg10: memref<24x8x256xf32, #tpu.memory_space<vmem>>, %arg11: memref<24x8x256xf32, #tpu.memory_space<vmem>>, %arg12: memref<2x24x256xf32, #tpu.memory_space<vmem>>, %arg13: memref<2x24x256xf32, #tpu.memory_space<vmem>>, %arg14: memref<24x256xf32, #tpu.memory_space<vmem>>, %arg15: memref<!tpu.dma_semaphore, #tpu.memory_space<semaphore_mem>>, %arg16: memref<!tpu.dma_semaphore, #tpu.memory_space<semaphore_mem>>, %arg17: memref<!tpu.dma_semaphore, #tpu.memory_space<semaphore_mem>>, %arg18: memref<!tpu.dma_semaphore, #tpu.memory_space<semaphore_mem>>) attributes {dimension_semantics = [#tpu.dimension_semantics<core_parallel>, #tpu.dimension_semantics<subcore_parallel>], iteration_bounds = array<i64: 2, 16>, scalar_prefetch = 0 : i64, scratch_operands = 11 : i64, tpu.core_type = #tpu.core_type<sc_vector_subcore>, window_params = [{transform_indices = #map}, {transform_indices = #map1}, {transform_indices = #map2}, {transform_indices = #map1}, {transform_indices = #map}, {transform_indices = #map1}]} {
    %mul3A = arith.constant 2 : i32
    %mul3A_0 = arith.muli %arg1, %mul3A : i32
    %add3A = arith.addi %mul3A_0, %arg0 : i32
    %mul3A_1 = arith.constant 144 : i32
    %mul3A_2 = arith.muli %add3A, %mul3A_1 : i32
    %add3A_3 = arith.constant 0 : i32
    %add3A_4 = arith.addi %mul3A_2, %add3A_3 : i32
    "tpu.region"() ({
      %run_scoped3A = tpu.sem_alloc : memref<!tpu.dma_semaphore, #tpu.memory_space<semaphore_mem>>
      %dma_start3A_889 = tpu.memref_slice %arg4[%add3A_4] : memref<4608xi32, #tpu.memory_space<hbm>> -> memref<24xi32, #tpu.memory_space<hbm>>
      %dma_start3A_890 = tpu.memref_slice %arg4[%add3A_4] : memref<4608xi32, #tpu.memory_space<hbm>> -> memref<24xi32, #tpu.memory_space<hbm>>
      tpu.enqueue_dma source(%dma_start3A_890 : memref<24xi32, #tpu.memory_space<hbm>>) target(%arg8 : memref<24xi32, #tpu.memory_space<vmem>>) target_semaphore(%run_scoped3A : memref<!tpu.dma_semaphore, #tpu.memory_space<semaphore_mem>>)
      %dma_wait3A_891 = tpu.memref_slice %arg4[%add3A_4] : memref<4608xi32, #tpu.memory_space<hbm>> -> memref<24xi32, #tpu.memory_space<hbm>>
      %dma_wait3A_892 = tpu.memref_slice %arg4[%add3A_4] : memref<4608xi32, #tpu.memory_space<hbm>> -> memref<24xi32, #tpu.memory_space<hbm>>
      tpu.wait_dma2 semaphore(%run_scoped3A : memref<!tpu.dma_semaphore, #tpu.memory_space<semaphore_mem>>) src(%dma_wait3A_892 : memref<24xi32, #tpu.memory_space<hbm>>) dst(%arg8 : memref<24xi32, #tpu.memory_space<vmem>>)
      tpu.yield
    }) : () -> ()
    %dma_start3A = arith.constant 0 : i32
    %dma_start3A_5 = arith.constant 0 : i32
    %dma_start3A_6 = arith.constant 0 : i32
    %dma_start3A_7 = tpu.memref_slice %arg2[%dma_start3A, %dma_start3A_5, %dma_start3A_6] : memref<8192x10x256xf32, #tpu.memory_space<hbm>> -> memref<8192x8x256xf32, #tpu.memory_space<hbm>>
    %dma_start3A_8 = arith.constant 0 : i32
    %dma_start3A_9 = arith.constant 0 : i32
    %dma_start3A_10 = arith.constant 0 : i32
    %dma_start3A_11 = tpu.memref_slice %dma_start3A_7[%dma_start3A_8, %dma_start3A_9, %dma_start3A_10] : memref<8192x8x256xf32, #tpu.memory_space<hbm>> -> memref<8192x8x256xf32, #tpu.memory_space<hbm>>
    tpu.enqueue_indirect_dma source(%dma_start3A_11 : memref<8192x8x256xf32, #tpu.memory_space<hbm>>) target(%arg10 : memref<24x8x256xf32, #tpu.memory_space<vmem>>) offsets(%arg8 : memref<24xi32, #tpu.memory_space<vmem>>) semaphore(%arg15 : memref<!tpu.dma_semaphore, #tpu.memory_space<semaphore_mem>>)
    %dma_start3A_12 = arith.constant 8 : i32
    %dma_start3A_13 = arith.constant 0 : i32
    %dma_start3A_14 = arith.constant 0 : i32
    %dma_start3A_15 = arith.constant 0 : i32
    %dma_start3A_16 = tpu.memref_slice %arg12[%dma_start3A_13, %dma_start3A_14, %dma_start3A_15] : memref<2x24x256xf32, #tpu.memory_space<vmem>> -> memref<1x24x256xf32, #tpu.memory_space<vmem>>
    %dma_start3A_17 = tpu.memref_squeeze %dma_start3A_16 : memref<1x24x256xf32, #tpu.memory_space<vmem>> -> memref<24x256xf32, #tpu.memory_space<vmem>>
    %dma_start3A_18 = arith.constant 0 : i32
    %dma_start3A_19 = arith.constant 0 : i32
    %dma_start3A_20 = tpu.memref_slice %arg2[%dma_start3A_18, %dma_start3A_12, %dma_start3A_19] : memref<8192x10x256xf32, #tpu.memory_space<hbm>> -> memref<8192x1x256xf32, #tpu.memory_space<hbm>>
    %dma_start3A_21 = tpu.memref_squeeze %dma_start3A_20 : memref<8192x1x256xf32, #tpu.memory_space<hbm>> -> memref<8192x256xf32, #tpu.memory_space<hbm>>
    %dma_start3A_22 = arith.constant 0 : i32
    %dma_start3A_23 = arith.constant 0 : i32
    %dma_start3A_24 = tpu.memref_slice %dma_start3A_21[%dma_start3A_22, %dma_start3A_23] : memref<8192x256xf32, #tpu.memory_space<hbm>> -> memref<8192x256xf32, #tpu.memory_space<hbm>>
    tpu.enqueue_indirect_dma source(%dma_start3A_24 : memref<8192x256xf32, #tpu.memory_space<hbm>>) target(%dma_start3A_17 : memref<24x256xf32, #tpu.memory_space<vmem>>) offsets(%arg8 : memref<24xi32, #tpu.memory_space<vmem>>) semaphore(%arg15 : memref<!tpu.dma_semaphore, #tpu.memory_space<semaphore_mem>>)
    %dma_start3A_25 = arith.constant 1 : i32
    %dma_start3A_26 = arith.constant 0 : i32
    %dma_start3A_27 = arith.constant 0 : i32
    %dma_start3A_28 = tpu.memref_slice %arg12[%dma_start3A_25, %dma_start3A_26, %dma_start3A_27] : memref<2x24x256xf32, #tpu.memory_space<vmem>> -> memref<1x24x256xf32, #tpu.memory_space<vmem>>
    %dma_start3A_29 = tpu.memref_squeeze %dma_start3A_28 : memref<1x24x256xf32, #tpu.memory_space<vmem>> -> memref<24x256xf32, #tpu.memory_space<vmem>>
    %dma_start3A_30 = arith.constant 0 : i32
    %dma_start3A_31 = tpu.memref_slice %arg5[%add3A_4, %dma_start3A_30] : memref<4608x256xf32, #tpu.memory_space<hbm>> -> memref<24x256xf32, #tpu.memory_space<hbm>>
    %dma_start3A_32 = arith.constant 0 : i32
    %dma_start3A_33 = arith.constant 0 : i32
    %dma_start3A_34 = tpu.memref_slice %arg12[%dma_start3A_25, %dma_start3A_32, %dma_start3A_33] : memref<2x24x256xf32, #tpu.memory_space<vmem>> -> memref<1x24x256xf32, #tpu.memory_space<vmem>>
    %dma_start3A_35 = tpu.memref_squeeze %dma_start3A_34 : memref<1x24x256xf32, #tpu.memory_space<vmem>> -> memref<24x256xf32, #tpu.memory_space<vmem>>
    %dma_start3A_36 = arith.constant 0 : i32
    %dma_start3A_37 = tpu.memref_slice %arg5[%add3A_4, %dma_start3A_36] : memref<4608x256xf32, #tpu.memory_space<hbm>> -> memref<24x256xf32, #tpu.memory_space<hbm>>
    tpu.enqueue_dma source(%dma_start3A_37 : memref<24x256xf32, #tpu.memory_space<hbm>>) target(%dma_start3A_35 : memref<24x256xf32, #tpu.memory_space<vmem>>) target_semaphore(%arg15 : memref<!tpu.dma_semaphore, #tpu.memory_space<semaphore_mem>>)
    %add3A_38 = arith.constant 24 : i32
    %add3A_39 = arith.addi %mul3A_2, %add3A_38 : i32
    "tpu.region"() ({
      %run_scoped3A = tpu.sem_alloc : memref<!tpu.dma_semaphore, #tpu.memory_space<semaphore_mem>>
      %dma_start3A_889 = tpu.memref_slice %arg4[%add3A_39] : memref<4608xi32, #tpu.memory_space<hbm>> -> memref<24xi32, #tpu.memory_space<hbm>>
      %dma_start3A_890 = tpu.memref_slice %arg4[%add3A_39] : memref<4608xi32, #tpu.memory_space<hbm>> -> memref<24xi32, #tpu.memory_space<hbm>>
      tpu.enqueue_dma source(%dma_start3A_890 : memref<24xi32, #tpu.memory_space<hbm>>) target(%arg9 : memref<24xi32, #tpu.memory_space<vmem>>) target_semaphore(%run_scoped3A : memref<!tpu.dma_semaphore, #tpu.memory_space<semaphore_mem>>)
      %dma_wait3A_891 = tpu.memref_slice %arg4[%add3A_39] : memref<4608xi32, #tpu.memory_space<hbm>> -> memref<24xi32, #tpu.memory_space<hbm>>
      %dma_wait3A_892 = tpu.memref_slice %arg4[%add3A_39] : memref<4608xi32, #tpu.memory_space<hbm>> -> memref<24xi32, #tpu.memory_space<hbm>>
      tpu.wait_dma2 semaphore(%run_scoped3A : memref<!tpu.dma_semaphore, #tpu.memory_space<semaphore_mem>>) src(%dma_wait3A_892 : memref<24xi32, #tpu.memory_space<hbm>>) dst(%arg9 : memref<24xi32, #tpu.memory_space<vmem>>)
      tpu.yield
    }) : () -> ()
    %dma_start3A_40 = arith.constant 0 : i32
    %dma_start3A_41 = arith.constant 0 : i32
    %dma_start3A_42 = arith.constant 0 : i32
    %dma_start3A_43 = tpu.memref_slice %arg2[%dma_start3A_40, %dma_start3A_41, %dma_start3A_42] : memref<8192x10x256xf32, #tpu.memory_space<hbm>> -> memref<8192x8x256xf32, #tpu.memory_space<hbm>>
    %dma_start3A_44 = arith.constant 0 : i32
    %dma_start3A_45 = arith.constant 0 : i32
    %dma_start3A_46 = arith.constant 0 : i32
    %dma_start3A_47 = tpu.memref_slice %dma_start3A_43[%dma_start3A_44, %dma_start3A_45, %dma_start3A_46] : memref<8192x8x256xf32, #tpu.memory_space<hbm>> -> memref<8192x8x256xf32, #tpu.memory_space<hbm>>
    tpu.enqueue_indirect_dma source(%dma_start3A_47 : memref<8192x8x256xf32, #tpu.memory_space<hbm>>) target(%arg11 : memref<24x8x256xf32, #tpu.memory_space<vmem>>) offsets(%arg9 : memref<24xi32, #tpu.memory_space<vmem>>) semaphore(%arg16 : memref<!tpu.dma_semaphore, #tpu.memory_space<semaphore_mem>>)
    %dma_start3A_48 = arith.constant 8 : i32
    %dma_start3A_49 = arith.constant 0 : i32
    %dma_start3A_50 = arith.constant 0 : i32
    %dma_start3A_51 = arith.constant 0 : i32
    %dma_start3A_52 = tpu.memref_slice %arg13[%dma_start3A_49, %dma_start3A_50, %dma_start3A_51] : memref<2x24x256xf32, #tpu.memory_space<vmem>> -> memref<1x24x256xf32, #tpu.memory_space<vmem>>
    %dma_start3A_53 = tpu.memref_squeeze %dma_start3A_52 : memref<1x24x256xf32, #tpu.memory_space<vmem>> -> memref<24x256xf32, #tpu.memory_space<vmem>>
    %dma_start3A_54 = arith.constant 0 : i32
    %dma_start3A_55 = arith.constant 0 : i32
    %dma_start3A_56 = tpu.memref_slice %arg2[%dma_start3A_54, %dma_start3A_48, %dma_start3A_55] : memref<8192x10x256xf32, #tpu.memory_space<hbm>> -> memref<8192x1x256xf32, #tpu.memory_space<hbm>>
    %dma_start3A_57 = tpu.memref_squeeze %dma_start3A_56 : memref<8192x1x256xf32, #tpu.memory_space<hbm>> -> memref<8192x256xf32, #tpu.memory_space<hbm>>
    %dma_start3A_58 = arith.constant 0 : i32
    %dma_start3A_59 = arith.constant 0 : i32
    %dma_start3A_60 = tpu.memref_slice %dma_start3A_57[%dma_start3A_58, %dma_start3A_59] : memref<8192x256xf32, #tpu.memory_space<hbm>> -> memref<8192x256xf32, #tpu.memory_space<hbm>>
    tpu.enqueue_indirect_dma source(%dma_start3A_60 : memref<8192x256xf32, #tpu.memory_space<hbm>>) target(%dma_start3A_53 : memref<24x256xf32, #tpu.memory_space<vmem>>) offsets(%arg9 : memref<24xi32, #tpu.memory_space<vmem>>) semaphore(%arg16 : memref<!tpu.dma_semaphore, #tpu.memory_space<semaphore_mem>>)
    %dma_start3A_61 = arith.constant 1 : i32
    %dma_start3A_62 = arith.constant 0 : i32
    %dma_start3A_63 = arith.constant 0 : i32
    %dma_start3A_64 = tpu.memref_slice %arg13[%dma_start3A_61, %dma_start3A_62, %dma_start3A_63] : memref<2x24x256xf32, #tpu.memory_space<vmem>> -> memref<1x24x256xf32, #tpu.memory_space<vmem>>
    %dma_start3A_65 = tpu.memref_squeeze %dma_start3A_64 : memref<1x24x256xf32, #tpu.memory_space<vmem>> -> memref<24x256xf32, #tpu.memory_space<vmem>>
    %dma_start3A_66 = arith.constant 0 : i32
    %dma_start3A_67 = tpu.memref_slice %arg5[%add3A_39, %dma_start3A_66] : memref<4608x256xf32, #tpu.memory_space<hbm>> -> memref<24x256xf32, #tpu.memory_space<hbm>>
    %dma_start3A_68 = arith.constant 0 : i32
    %dma_start3A_69 = arith.constant 0 : i32
    %dma_start3A_70 = tpu.memref_slice %arg13[%dma_start3A_61, %dma_start3A_68, %dma_start3A_69] : memref<2x24x256xf32, #tpu.memory_space<vmem>> -> memref<1x24x256xf32, #tpu.memory_space<vmem>>
    %dma_start3A_71 = tpu.memref_squeeze %dma_start3A_70 : memref<1x24x256xf32, #tpu.memory_space<vmem>> -> memref<24x256xf32, #tpu.memory_space<vmem>>
    %dma_start3A_72 = arith.constant 0 : i32
    %dma_start3A_73 = tpu.memref_slice %arg5[%add3A_39, %dma_start3A_72] : memref<4608x256xf32, #tpu.memory_space<hbm>> -> memref<24x256xf32, #tpu.memory_space<hbm>>
    tpu.enqueue_dma source(%dma_start3A_73 : memref<24x256xf32, #tpu.memory_space<hbm>>) target(%dma_start3A_71 : memref<24x256xf32, #tpu.memory_space<vmem>>) target_semaphore(%arg16 : memref<!tpu.dma_semaphore, #tpu.memory_space<semaphore_mem>>)
    %add3A_74 = arith.constant 0 : i32
    %add3A_75 = arith.addi %mul3A_2, %add3A_74 : i32
    %dma_wait3A = arith.constant 0 : i32
    %dma_wait3A_76 = arith.constant 0 : i32
    %dma_wait3A_77 = arith.constant 0 : i32
    %dma_wait3A_78 = tpu.memref_slice %arg2[%dma_wait3A, %dma_wait3A_76, %dma_wait3A_77] : memref<8192x10x256xf32, #tpu.memory_space<hbm>> -> memref<8192x8x256xf32, #tpu.memory_space<hbm>>
    %dma_wait3A_79 = arith.constant 0 : i32
    %dma_wait3A_80 = arith.constant 0 : i32
    %dma_wait3A_81 = arith.constant 0 : i32
    %dma_wait3A_82 = tpu.memref_slice %dma_wait3A_78[%dma_wait3A_79, %dma_wait3A_80, %dma_wait3A_81] : memref<8192x8x256xf32, #tpu.memory_space<hbm>> -> memref<8192x8x256xf32, #tpu.memory_space<hbm>>
    tpu.wait_indirect_dma semaphore(%arg15 : memref<!tpu.dma_semaphore, #tpu.memory_space<semaphore_mem>>) src(%dma_wait3A_82 : memref<8192x8x256xf32, #tpu.memory_space<hbm>>) dst(%arg10 : memref<24x8x256xf32, #tpu.memory_space<vmem>>)
    %dma_wait3A_83 = arith.constant 8 : i32
    %dma_wait3A_84 = arith.constant 0 : i32
    %dma_wait3A_85 = arith.constant 0 : i32
    %dma_wait3A_86 = arith.constant 0 : i32
    %dma_wait3A_87 = tpu.memref_slice %arg12[%dma_wait3A_84, %dma_wait3A_85, %dma_wait3A_86] : memref<2x24x256xf32, #tpu.memory_space<vmem>> -> memref<1x24x256xf32, #tpu.memory_space<vmem>>
    %dma_wait3A_88 = tpu.memref_squeeze %dma_wait3A_87 : memref<1x24x256xf32, #tpu.memory_space<vmem>> -> memref<24x256xf32, #tpu.memory_space<vmem>>
    %dma_wait3A_89 = arith.constant 0 : i32
    %dma_wait3A_90 = arith.constant 0 : i32
    %dma_wait3A_91 = tpu.memref_slice %arg2[%dma_wait3A_89, %dma_wait3A_83, %dma_wait3A_90] : memref<8192x10x256xf32, #tpu.memory_space<hbm>> -> memref<8192x1x256xf32, #tpu.memory_space<hbm>>
    %dma_wait3A_92 = tpu.memref_squeeze %dma_wait3A_91 : memref<8192x1x256xf32, #tpu.memory_space<hbm>> -> memref<8192x256xf32, #tpu.memory_space<hbm>>
    %dma_wait3A_93 = arith.constant 0 : i32
    %dma_wait3A_94 = arith.constant 0 : i32
    %dma_wait3A_95 = tpu.memref_slice %dma_wait3A_92[%dma_wait3A_93, %dma_wait3A_94] : memref<8192x256xf32, #tpu.memory_space<hbm>> -> memref<8192x256xf32, #tpu.memory_space<hbm>>
    tpu.wait_indirect_dma semaphore(%arg15 : memref<!tpu.dma_semaphore, #tpu.memory_space<semaphore_mem>>) src(%dma_wait3A_95 : memref<8192x256xf32, #tpu.memory_space<hbm>>) dst(%dma_wait3A_88 : memref<24x256xf32, #tpu.memory_space<vmem>>)
    %dma_wait3A_96 = arith.constant 1 : i32
    %dma_wait3A_97 = arith.constant 0 : i32
    %dma_wait3A_98 = arith.constant 0 : i32
    %dma_wait3A_99 = tpu.memref_slice %arg12[%dma_wait3A_96, %dma_wait3A_97, %dma_wait3A_98] : memref<2x24x256xf32, #tpu.memory_space<vmem>> -> memref<1x24x256xf32, #tpu.memory_space<vmem>>
    %dma_wait3A_100 = tpu.memref_squeeze %dma_wait3A_99 : memref<1x24x256xf32, #tpu.memory_space<vmem>> -> memref<24x256xf32, #tpu.memory_space<vmem>>
    %dma_wait3A_101 = arith.constant 0 : i32
    %dma_wait3A_102 = tpu.memref_slice %arg5[%add3A_4, %dma_wait3A_101] : memref<4608x256xf32, #tpu.memory_space<hbm>> -> memref<24x256xf32, #tpu.memory_space<hbm>>
    %dma_wait3A_103 = arith.constant 0 : i32
    %dma_wait3A_104 = arith.constant 0 : i32
    %dma_wait3A_105 = tpu.memref_slice %arg12[%dma_wait3A_96, %dma_wait3A_103, %dma_wait3A_104] : memref<2x24x256xf32, #tpu.memory_space<vmem>> -> memref<1x24x256xf32, #tpu.memory_space<vmem>>
    %dma_wait3A_106 = tpu.memref_squeeze %dma_wait3A_105 : memref<1x24x256xf32, #tpu.memory_space<vmem>> -> memref<24x256xf32, #tpu.memory_space<vmem>>
    %dma_wait3A_107 = arith.constant 0 : i32
    %dma_wait3A_108 = tpu.memref_slice %arg5[%add3A_4, %dma_wait3A_107] : memref<4608x256xf32, #tpu.memory_space<hbm>> -> memref<24x256xf32, #tpu.memory_space<hbm>>
    tpu.wait_dma2 semaphore(%arg15 : memref<!tpu.dma_semaphore, #tpu.memory_space<semaphore_mem>>) src(%dma_wait3A_108 : memref<24x256xf32, #tpu.memory_space<hbm>>) dst(%dma_wait3A_106 : memref<24x256xf32, #tpu.memory_space<vmem>>)
    %dma_start3A_109 = arith.constant 0 : i32
    %dma_start3A_110 = arith.constant 0 : i32
    %dma_start3A_111 = tpu.memref_slice %arg6[%add3A_75, %dma_start3A_109, %dma_start3A_110] : memref<4608x10x256xf32, #tpu.memory_space<hbm>> -> memref<24x8x256xf32, #tpu.memory_space<hbm>>
    %dma_start3A_112 = arith.constant 0 : i32
    %dma_start3A_113 = arith.constant 0 : i32
    %dma_start3A_114 = tpu.memref_slice %arg6[%add3A_75, %dma_start3A_112, %dma_start3A_113] : memref<4608x10x256xf32, #tpu.memory_space<hbm>> -> memref<24x8x256xf32, #tpu.memory_space<hbm>>
    tpu.enqueue_dma source(%arg10 : memref<24x8x256xf32, #tpu.memory_space<vmem>>) target(%dma_start3A_114 : memref<24x8x256xf32, #tpu.memory_space<hbm>>) target_semaphore(%arg17 : memref<!tpu.dma_semaphore, #tpu.memory_space<semaphore_mem>>)
    %dma_start3A_115 = arith.constant 0 : i32
    %dma_start3A_116 = arith.constant 8 : i32
    %dma_start3A_117 = arith.constant 0 : i32
    %dma_start3A_118 = arith.constant 0 : i32
    %dma_start3A_119 = tpu.memref_slice %arg12[%dma_start3A_115, %dma_start3A_117, %dma_start3A_118] : memref<2x24x256xf32, #tpu.memory_space<vmem>> -> memref<1x24x256xf32, #tpu.memory_space<vmem>>
    %dma_start3A_120 = tpu.memref_squeeze %dma_start3A_119 : memref<1x24x256xf32, #tpu.memory_space<vmem>> -> memref<24x256xf32, #tpu.memory_space<vmem>>
    %dma_start3A_121 = arith.constant 0 : i32
    %dma_start3A_122 = tpu.memref_slice %arg6[%add3A_75, %dma_start3A_116, %dma_start3A_121] : memref<4608x10x256xf32, #tpu.memory_space<hbm>> -> memref<24x1x256xf32, #tpu.memory_space<hbm>>
    %dma_start3A_123 = tpu.memref_squeeze %dma_start3A_122 : memref<24x1x256xf32, #tpu.memory_space<hbm>> -> memref<24x256xf32, #tpu.memory_space<hbm>>
    %dma_start3A_124 = arith.constant 0 : i32
    %dma_start3A_125 = tpu.memref_slice %arg6[%add3A_75, %dma_start3A_116, %dma_start3A_124] : memref<4608x10x256xf32, #tpu.memory_space<hbm>> -> memref<24x1x256xf32, #tpu.memory_space<hbm>>
    %dma_start3A_126 = tpu.memref_squeeze %dma_start3A_125 : memref<24x1x256xf32, #tpu.memory_space<hbm>> -> memref<24x256xf32, #tpu.memory_space<hbm>>
    %dma_start3A_127 = arith.constant 0 : i32
    %dma_start3A_128 = arith.constant 0 : i32
    %dma_start3A_129 = tpu.memref_slice %arg12[%dma_start3A_115, %dma_start3A_127, %dma_start3A_128] : memref<2x24x256xf32, #tpu.memory_space<vmem>> -> memref<1x24x256xf32, #tpu.memory_space<vmem>>
    %dma_start3A_130 = tpu.memref_squeeze %dma_start3A_129 : memref<1x24x256xf32, #tpu.memory_space<vmem>> -> memref<24x256xf32, #tpu.memory_space<vmem>>
    tpu.enqueue_dma source(%dma_start3A_130 : memref<24x256xf32, #tpu.memory_space<vmem>>) target(%dma_start3A_126 : memref<24x256xf32, #tpu.memory_space<hbm>>) target_semaphore(%arg17 : memref<!tpu.dma_semaphore, #tpu.memory_space<semaphore_mem>>)
    %dma_start3A_131 = arith.constant 1 : i32
    %dma_start3A_132 = arith.constant 9 : i32
    %dma_start3A_133 = arith.constant 0 : i32
    %dma_start3A_134 = arith.constant 0 : i32
    %dma_start3A_135 = tpu.memref_slice %arg12[%dma_start3A_131, %dma_start3A_133, %dma_start3A_134] : memref<2x24x256xf32, #tpu.memory_space<vmem>> -> memref<1x24x256xf32, #tpu.memory_space<vmem>>
    %dma_start3A_136 = tpu.memref_squeeze %dma_start3A_135 : memref<1x24x256xf32, #tpu.memory_space<vmem>> -> memref<24x256xf32, #tpu.memory_space<vmem>>
    %dma_start3A_137 = arith.constant 0 : i32
    %dma_start3A_138 = tpu.memref_slice %arg6[%add3A_75, %dma_start3A_132, %dma_start3A_137] : memref<4608x10x256xf32, #tpu.memory_space<hbm>> -> memref<24x1x256xf32, #tpu.memory_space<hbm>>
    %dma_start3A_139 = tpu.memref_squeeze %dma_start3A_138 : memref<24x1x256xf32, #tpu.memory_space<hbm>> -> memref<24x256xf32, #tpu.memory_space<hbm>>
    %dma_start3A_140 = arith.constant 0 : i32
    %dma_start3A_141 = tpu.memref_slice %arg6[%add3A_75, %dma_start3A_132, %dma_start3A_140] : memref<4608x10x256xf32, #tpu.memory_space<hbm>> -> memref<24x1x256xf32, #tpu.memory_space<hbm>>
    %dma_start3A_142 = tpu.memref_squeeze %dma_start3A_141 : memref<24x1x256xf32, #tpu.memory_space<hbm>> -> memref<24x256xf32, #tpu.memory_space<hbm>>
    %dma_start3A_143 = arith.constant 0 : i32
    %dma_start3A_144 = arith.constant 0 : i32
    %dma_start3A_145 = tpu.memref_slice %arg12[%dma_start3A_131, %dma_start3A_143, %dma_start3A_144] : memref<2x24x256xf32, #tpu.memory_space<vmem>> -> memref<1x24x256xf32, #tpu.memory_space<vmem>>
    %dma_start3A_146 = tpu.memref_squeeze %dma_start3A_145 : memref<1x24x256xf32, #tpu.memory_space<vmem>> -> memref<24x256xf32, #tpu.memory_space<vmem>>
    tpu.enqueue_dma source(%dma_start3A_146 : memref<24x256xf32, #tpu.memory_space<vmem>>) target(%dma_start3A_142 : memref<24x256xf32, #tpu.memory_space<hbm>>) target_semaphore(%arg17 : memref<!tpu.dma_semaphore, #tpu.memory_space<semaphore_mem>>)
    "tpu.region"() ({
      %run_scoped3A = tpu.sem_alloc : memref<!tpu.dma_semaphore, #tpu.memory_space<semaphore_mem>>
      %dma_start3A_889 = arith.constant 0 : i32
      %dma_start3A_890 = arith.constant 0 : i32
      %dma_start3A_891 = tpu.memref_slice %arg3[%dma_start3A_889, %dma_start3A_890] : memref<8192x256xf32, #tpu.memory_space<hbm>> -> memref<8192x256xf32, #tpu.memory_space<hbm>>
      tpu.enqueue_indirect_dma source(%dma_start3A_891 : memref<8192x256xf32, #tpu.memory_space<hbm>>) target(%arg14 : memref<24x256xf32, #tpu.memory_space<vmem>>) offsets(%arg8 : memref<24xi32, #tpu.memory_space<vmem>>) semaphore(%run_scoped3A : memref<!tpu.dma_semaphore, #tpu.memory_space<semaphore_mem>>)
      %dma_wait3A_892 = arith.constant 0 : i32
      %dma_wait3A_893 = arith.constant 0 : i32
      %dma_wait3A_894 = tpu.memref_slice %arg3[%dma_wait3A_892, %dma_wait3A_893] : memref<8192x256xf32, #tpu.memory_space<hbm>> -> memref<8192x256xf32, #tpu.memory_space<hbm>>
      tpu.wait_indirect_dma semaphore(%run_scoped3A : memref<!tpu.dma_semaphore, #tpu.memory_space<semaphore_mem>>) src(%dma_wait3A_894 : memref<8192x256xf32, #tpu.memory_space<hbm>>) dst(%arg14 : memref<24x256xf32, #tpu.memory_space<vmem>>)
      tpu.yield
    }) : () -> ()
    "tpu.region"() ({
      %run_scoped3A = tpu.sem_alloc : memref<!tpu.dma_semaphore, #tpu.memory_space<semaphore_mem>>
      %dma_start3A_889 = arith.constant 0 : i32
      %dma_start3A_890 = tpu.memref_slice %arg7[%add3A_75, %dma_start3A_889] : memref<4608x256xf32, #tpu.memory_space<hbm>> -> memref<24x256xf32, #tpu.memory_space<hbm>>
      %dma_start3A_891 = arith.constant 0 : i32
      %dma_start3A_892 = tpu.memref_slice %arg7[%add3A_75, %dma_start3A_891] : memref<4608x256xf32, #tpu.memory_space<hbm>> -> memref<24x256xf32, #tpu.memory_space<hbm>>
      tpu.enqueue_dma source(%arg14 : memref<24x256xf32, #tpu.memory_space<vmem>>) target(%dma_start3A_892 : memref<24x256xf32, #tpu.memory_space<hbm>>) target_semaphore(%run_scoped3A : memref<!tpu.dma_semaphore, #tpu.memory_space<semaphore_mem>>)
      %dma_wait3A_893 = arith.constant 0 : i32
      %dma_wait3A_894 = tpu.memref_slice %arg7[%add3A_75, %dma_wait3A_893] : memref<4608x256xf32, #tpu.memory_space<hbm>> -> memref<24x256xf32, #tpu.memory_space<hbm>>
      %dma_wait3A_895 = arith.constant 0 : i32
      %dma_wait3A_896 = tpu.memref_slice %arg7[%add3A_75, %dma_wait3A_895] : memref<4608x256xf32, #tpu.memory_space<hbm>> -> memref<24x256xf32, #tpu.memory_space<hbm>>
      tpu.wait_dma2 semaphore(%run_scoped3A : memref<!tpu.dma_semaphore, #tpu.memory_space<semaphore_mem>>) src(%arg14 : memref<24x256xf32, #tpu.memory_space<vmem>>) dst(%dma_wait3A_896 : memref<24x256xf32, #tpu.memory_space<hbm>>)
      tpu.yield
    }) : () -> ()
    %dma_wait3A_147 = arith.constant 0 : i32
    %dma_wait3A_148 = arith.constant 0 : i32
    %dma_wait3A_149 = tpu.memref_slice %arg6[%add3A_75, %dma_wait3A_147, %dma_wait3A_148] : memref<4608x10x256xf32, #tpu.memory_space<hbm>> -> memref<24x8x256xf32, #tpu.memory_space<hbm>>
    %dma_wait3A_150 = arith.constant 0 : i32
    %dma_wait3A_151 = arith.constant 0 : i32
    %dma_wait3A_152 = tpu.memref_slice %arg6[%add3A_75, %dma_wait3A_150, %dma_wait3A_151] : memref<4608x10x256xf32, #tpu.memory_space<hbm>> -> memref<24x8x256xf32, #tpu.memory_space<hbm>>
    tpu.wait_dma2 semaphore(%arg17 : memref<!tpu.dma_semaphore, #tpu.memory_space<semaphore_mem>>) src(%arg10 : memref<24x8x256xf32, #tpu.memory_space<vmem>>) dst(%dma_wait3A_152 : memref<24x8x256xf32, #tpu.memory_space<hbm>>)
    %dma_wait3A_153 = arith.constant 0 : i32
    %dma_wait3A_154 = arith.constant 8 : i32
    %dma_wait3A_155 = arith.constant 0 : i32
    %dma_wait3A_156 = arith.constant 0 : i32
    %dma_wait3A_157 = tpu.memref_slice %arg12[%dma_wait3A_153, %dma_wait3A_155, %dma_wait3A_156] : memref<2x24x256xf32, #tpu.memory_space<vmem>> -> memref<1x24x256xf32, #tpu.memory_space<vmem>>
    %dma_wait3A_158 = tpu.memref_squeeze %dma_wait3A_157 : memref<1x24x256xf32, #tpu.memory_space<vmem>> -> memref<24x256xf32, #tpu.memory_space<vmem>>
    %dma_wait3A_159 = arith.constant 0 : i32
    %dma_wait3A_160 = tpu.memref_slice %arg6[%add3A_75, %dma_wait3A_154, %dma_wait3A_159] : memref<4608x10x256xf32, #tpu.memory_space<hbm>> -> memref<24x1x256xf32, #tpu.memory_space<hbm>>
    %dma_wait3A_161 = tpu.memref_squeeze %dma_wait3A_160 : memref<24x1x256xf32, #tpu.memory_space<hbm>> -> memref<24x256xf32, #tpu.memory_space<hbm>>
    %dma_wait3A_162 = arith.constant 0 : i32
    %dma_wait3A_163 = tpu.memref_slice %arg6[%add3A_75, %dma_wait3A_154, %dma_wait3A_162] : memref<4608x10x256xf32, #tpu.memory_space<hbm>> -> memref<24x1x256xf32, #tpu.memory_space<hbm>>
    %dma_wait3A_164 = tpu.memref_squeeze %dma_wait3A_163 : memref<24x1x256xf32, #tpu.memory_space<hbm>> -> memref<24x256xf32, #tpu.memory_space<hbm>>
    %dma_wait3A_165 = arith.constant 0 : i32
    %dma_wait3A_166 = arith.constant 0 : i32
    %dma_wait3A_167 = tpu.memref_slice %arg12[%dma_wait3A_153, %dma_wait3A_165, %dma_wait3A_166] : memref<2x24x256xf32, #tpu.memory_space<vmem>> -> memref<1x24x256xf32, #tpu.memory_space<vmem>>
    %dma_wait3A_168 = tpu.memref_squeeze %dma_wait3A_167 : memref<1x24x256xf32, #tpu.memory_space<vmem>> -> memref<24x256xf32, #tpu.memory_space<vmem>>
    tpu.wait_dma2 semaphore(%arg17 : memref<!tpu.dma_semaphore, #tpu.memory_space<semaphore_mem>>) src(%dma_wait3A_168 : memref<24x256xf32, #tpu.memory_space<vmem>>) dst(%dma_wait3A_164 : memref<24x256xf32, #tpu.memory_space<hbm>>)
    %dma_wait3A_169 = arith.constant 1 : i32
    %dma_wait3A_170 = arith.constant 9 : i32
    %dma_wait3A_171 = arith.constant 0 : i32
    %dma_wait3A_172 = arith.constant 0 : i32
    %dma_wait3A_173 = tpu.memref_slice %arg12[%dma_wait3A_169, %dma_wait3A_171, %dma_wait3A_172] : memref<2x24x256xf32, #tpu.memory_space<vmem>> -> memref<1x24x256xf32, #tpu.memory_space<vmem>>
    %dma_wait3A_174 = tpu.memref_squeeze %dma_wait3A_173 : memref<1x24x256xf32, #tpu.memory_space<vmem>> -> memref<24x256xf32, #tpu.memory_space<vmem>>
    %dma_wait3A_175 = arith.constant 0 : i32
    %dma_wait3A_176 = tpu.memref_slice %arg6[%add3A_75, %dma_wait3A_170, %dma_wait3A_175] : memref<4608x10x256xf32, #tpu.memory_space<hbm>> -> memref<24x1x256xf32, #tpu.memory_space<hbm>>
    %dma_wait3A_177 = tpu.memref_squeeze %dma_wait3A_176 : memref<24x1x256xf32, #tpu.memory_space<hbm>> -> memref<24x256xf32, #tpu.memory_space<hbm>>
    %dma_wait3A_178 = arith.constant 0 : i32
    %dma_wait3A_179 = tpu.memref_slice %arg6[%add3A_75, %dma_wait3A_170, %dma_wait3A_178] : memref<4608x10x256xf32, #tpu.memory_space<hbm>> -> memref<24x1x256xf32, #tpu.memory_space<hbm>>
    %dma_wait3A_180 = tpu.memref_squeeze %dma_wait3A_179 : memref<24x1x256xf32, #tpu.memory_space<hbm>> -> memref<24x256xf32, #tpu.memory_space<hbm>>
    %dma_wait3A_181 = arith.constant 0 : i32
    %dma_wait3A_182 = arith.constant 0 : i32
    %dma_wait3A_183 = tpu.memref_slice %arg12[%dma_wait3A_169, %dma_wait3A_181, %dma_wait3A_182] : memref<2x24x256xf32, #tpu.memory_space<vmem>> -> memref<1x24x256xf32, #tpu.memory_space<vmem>>
    %dma_wait3A_184 = tpu.memref_squeeze %dma_wait3A_183 : memref<1x24x256xf32, #tpu.memory_space<vmem>> -> memref<24x256xf32, #tpu.memory_space<vmem>>
    tpu.wait_dma2 semaphore(%arg17 : memref<!tpu.dma_semaphore, #tpu.memory_space<semaphore_mem>>) src(%dma_wait3A_184 : memref<24x256xf32, #tpu.memory_space<vmem>>) dst(%dma_wait3A_180 : memref<24x256xf32, #tpu.memory_space<hbm>>)
    %add3A_185 = arith.constant 48 : i32
    %add3A_186 = arith.addi %mul3A_2, %add3A_185 : i32
    "tpu.region"() ({
      %run_scoped3A = tpu.sem_alloc : memref<!tpu.dma_semaphore, #tpu.memory_space<semaphore_mem>>
      %dma_start3A_889 = tpu.memref_slice %arg4[%add3A_186] : memref<4608xi32, #tpu.memory_space<hbm>> -> memref<24xi32, #tpu.memory_space<hbm>>
      %dma_start3A_890 = tpu.memref_slice %arg4[%add3A_186] : memref<4608xi32, #tpu.memory_space<hbm>> -> memref<24xi32, #tpu.memory_space<hbm>>
      tpu.enqueue_dma source(%dma_start3A_890 : memref<24xi32, #tpu.memory_space<hbm>>) target(%arg8 : memref<24xi32, #tpu.memory_space<vmem>>) target_semaphore(%run_scoped3A : memref<!tpu.dma_semaphore, #tpu.memory_space<semaphore_mem>>)
      %dma_wait3A_891 = tpu.memref_slice %arg4[%add3A_186] : memref<4608xi32, #tpu.memory_space<hbm>> -> memref<24xi32, #tpu.memory_space<hbm>>
      %dma_wait3A_892 = tpu.memref_slice %arg4[%add3A_186] : memref<4608xi32, #tpu.memory_space<hbm>> -> memref<24xi32, #tpu.memory_space<hbm>>
      tpu.wait_dma2 semaphore(%run_scoped3A : memref<!tpu.dma_semaphore, #tpu.memory_space<semaphore_mem>>) src(%dma_wait3A_892 : memref<24xi32, #tpu.memory_space<hbm>>) dst(%arg8 : memref<24xi32, #tpu.memory_space<vmem>>)
      tpu.yield
    }) : () -> ()
    %dma_start3A_187 = arith.constant 0 : i32
    %dma_start3A_188 = arith.constant 0 : i32
    %dma_start3A_189 = arith.constant 0 : i32
    %dma_start3A_190 = tpu.memref_slice %arg2[%dma_start3A_187, %dma_start3A_188, %dma_start3A_189] : memref<8192x10x256xf32, #tpu.memory_space<hbm>> -> memref<8192x8x256xf32, #tpu.memory_space<hbm>>
    %dma_start3A_191 = arith.constant 0 : i32
    %dma_start3A_192 = arith.constant 0 : i32
    %dma_start3A_193 = arith.constant 0 : i32
    %dma_start3A_194 = tpu.memref_slice %dma_start3A_190[%dma_start3A_191, %dma_start3A_192, %dma_start3A_193] : memref<8192x8x256xf32, #tpu.memory_space<hbm>> -> memref<8192x8x256xf32, #tpu.memory_space<hbm>>
    tpu.enqueue_indirect_dma source(%dma_start3A_194 : memref<8192x8x256xf32, #tpu.memory_space<hbm>>) target(%arg10 : memref<24x8x256xf32, #tpu.memory_space<vmem>>) offsets(%arg8 : memref<24xi32, #tpu.memory_space<vmem>>) semaphore(%arg15 : memref<!tpu.dma_semaphore, #tpu.memory_space<semaphore_mem>>)
    %dma_start3A_195 = arith.constant 8 : i32
    %dma_start3A_196 = arith.constant 0 : i32
    %dma_start3A_197 = arith.constant 0 : i32
    %dma_start3A_198 = arith.constant 0 : i32
    %dma_start3A_199 = tpu.memref_slice %arg12[%dma_start3A_196, %dma_start3A_197, %dma_start3A_198] : memref<2x24x256xf32, #tpu.memory_space<vmem>> -> memref<1x24x256xf32, #tpu.memory_space<vmem>>
    %dma_start3A_200 = tpu.memref_squeeze %dma_start3A_199 : memref<1x24x256xf32, #tpu.memory_space<vmem>> -> memref<24x256xf32, #tpu.memory_space<vmem>>
    %dma_start3A_201 = arith.constant 0 : i32
    %dma_start3A_202 = arith.constant 0 : i32
    %dma_start3A_203 = tpu.memref_slice %arg2[%dma_start3A_201, %dma_start3A_195, %dma_start3A_202] : memref<8192x10x256xf32, #tpu.memory_space<hbm>> -> memref<8192x1x256xf32, #tpu.memory_space<hbm>>
    %dma_start3A_204 = tpu.memref_squeeze %dma_start3A_203 : memref<8192x1x256xf32, #tpu.memory_space<hbm>> -> memref<8192x256xf32, #tpu.memory_space<hbm>>
    %dma_start3A_205 = arith.constant 0 : i32
    %dma_start3A_206 = arith.constant 0 : i32
    %dma_start3A_207 = tpu.memref_slice %dma_start3A_204[%dma_start3A_205, %dma_start3A_206] : memref<8192x256xf32, #tpu.memory_space<hbm>> -> memref<8192x256xf32, #tpu.memory_space<hbm>>
    tpu.enqueue_indirect_dma source(%dma_start3A_207 : memref<8192x256xf32, #tpu.memory_space<hbm>>) target(%dma_start3A_200 : memref<24x256xf32, #tpu.memory_space<vmem>>) offsets(%arg8 : memref<24xi32, #tpu.memory_space<vmem>>) semaphore(%arg15 : memref<!tpu.dma_semaphore, #tpu.memory_space<semaphore_mem>>)
    %dma_start3A_208 = arith.constant 1 : i32
    %dma_start3A_209 = arith.constant 0 : i32
    %dma_start3A_210 = arith.constant 0 : i32
    %dma_start3A_211 = tpu.memref_slice %arg12[%dma_start3A_208, %dma_start3A_209, %dma_start3A_210] : memref<2x24x256xf32, #tpu.memory_space<vmem>> -> memref<1x24x256xf32, #tpu.memory_space<vmem>>
    %dma_start3A_212 = tpu.memref_squeeze %dma_start3A_211 : memref<1x24x256xf32, #tpu.memory_space<vmem>> -> memref<24x256xf32, #tpu.memory_space<vmem>>
    %dma_start3A_213 = arith.constant 0 : i32
    %dma_start3A_214 = tpu.memref_slice %arg5[%add3A_186, %dma_start3A_213] : memref<4608x256xf32, #tpu.memory_space<hbm>> -> memref<24x256xf32, #tpu.memory_space<hbm>>
    %dma_start3A_215 = arith.constant 0 : i32
    %dma_start3A_216 = arith.constant 0 : i32
    %dma_start3A_217 = tpu.memref_slice %arg12[%dma_start3A_208, %dma_start3A_215, %dma_start3A_216] : memref<2x24x256xf32, #tpu.memory_space<vmem>> -> memref<1x24x256xf32, #tpu.memory_space<vmem>>
    %dma_start3A_218 = tpu.memref_squeeze %dma_start3A_217 : memref<1x24x256xf32, #tpu.memory_space<vmem>> -> memref<24x256xf32, #tpu.memory_space<vmem>>
    %dma_start3A_219 = arith.constant 0 : i32
    %dma_start3A_220 = tpu.memref_slice %arg5[%add3A_186, %dma_start3A_219] : memref<4608x256xf32, #tpu.memory_space<hbm>> -> memref<24x256xf32, #tpu.memory_space<hbm>>
    tpu.enqueue_dma source(%dma_start3A_220 : memref<24x256xf32, #tpu.memory_space<hbm>>) target(%dma_start3A_218 : memref<24x256xf32, #tpu.memory_space<vmem>>) target_semaphore(%arg15 : memref<!tpu.dma_semaphore, #tpu.memory_space<semaphore_mem>>)
    %add3A_221 = arith.constant 24 : i32
    %add3A_222 = arith.addi %mul3A_2, %add3A_221 : i32
    %dma_wait3A_223 = arith.constant 0 : i32
    %dma_wait3A_224 = arith.constant 0 : i32
    %dma_wait3A_225 = arith.constant 0 : i32
    %dma_wait3A_226 = tpu.memref_slice %arg2[%dma_wait3A_223, %dma_wait3A_224, %dma_wait3A_225] : memref<8192x10x256xf32, #tpu.memory_space<hbm>> -> memref<8192x8x256xf32, #tpu.memory_space<hbm>>
    %dma_wait3A_227 = arith.constant 0 : i32
    %dma_wait3A_228 = arith.constant 0 : i32
    %dma_wait3A_229 = arith.constant 0 : i32
    %dma_wait3A_230 = tpu.memref_slice %dma_wait3A_226[%dma_wait3A_227, %dma_wait3A_228, %dma_wait3A_229] : memref<8192x8x256xf32, #tpu.memory_space<hbm>> -> memref<8192x8x256xf32, #tpu.memory_space<hbm>>
    tpu.wait_indirect_dma semaphore(%arg16 : memref<!tpu.dma_semaphore, #tpu.memory_space<semaphore_mem>>) src(%dma_wait3A_230 : memref<8192x8x256xf32, #tpu.memory_space<hbm>>) dst(%arg11 : memref<24x8x256xf32, #tpu.memory_space<vmem>>)
    %dma_wait3A_231 = arith.constant 8 : i32
    %dma_wait3A_232 = arith.constant 0 : i32
    %dma_wait3A_233 = arith.constant 0 : i32
    %dma_wait3A_234 = arith.constant 0 : i32
    %dma_wait3A_235 = tpu.memref_slice %arg13[%dma_wait3A_232, %dma_wait3A_233, %dma_wait3A_234] : memref<2x24x256xf32, #tpu.memory_space<vmem>> -> memref<1x24x256xf32, #tpu.memory_space<vmem>>
    %dma_wait3A_236 = tpu.memref_squeeze %dma_wait3A_235 : memref<1x24x256xf32, #tpu.memory_space<vmem>> -> memref<24x256xf32, #tpu.memory_space<vmem>>
    %dma_wait3A_237 = arith.constant 0 : i32
    %dma_wait3A_238 = arith.constant 0 : i32
    %dma_wait3A_239 = tpu.memref_slice %arg2[%dma_wait3A_237, %dma_wait3A_231, %dma_wait3A_238] : memref<8192x10x256xf32, #tpu.memory_space<hbm>> -> memref<8192x1x256xf32, #tpu.memory_space<hbm>>
    %dma_wait3A_240 = tpu.memref_squeeze %dma_wait3A_239 : memref<8192x1x256xf32, #tpu.memory_space<hbm>> -> memref<8192x256xf32, #tpu.memory_space<hbm>>
    %dma_wait3A_241 = arith.constant 0 : i32
    %dma_wait3A_242 = arith.constant 0 : i32
    %dma_wait3A_243 = tpu.memref_slice %dma_wait3A_240[%dma_wait3A_241, %dma_wait3A_242] : memref<8192x256xf32, #tpu.memory_space<hbm>> -> memref<8192x256xf32, #tpu.memory_space<hbm>>
    tpu.wait_indirect_dma semaphore(%arg16 : memref<!tpu.dma_semaphore, #tpu.memory_space<semaphore_mem>>) src(%dma_wait3A_243 : memref<8192x256xf32, #tpu.memory_space<hbm>>) dst(%dma_wait3A_236 : memref<24x256xf32, #tpu.memory_space<vmem>>)
    %dma_wait3A_244 = arith.constant 1 : i32
    %dma_wait3A_245 = arith.constant 0 : i32
    %dma_wait3A_246 = arith.constant 0 : i32
    %dma_wait3A_247 = tpu.memref_slice %arg13[%dma_wait3A_244, %dma_wait3A_245, %dma_wait3A_246] : memref<2x24x256xf32, #tpu.memory_space<vmem>> -> memref<1x24x256xf32, #tpu.memory_space<vmem>>
    %dma_wait3A_248 = tpu.memref_squeeze %dma_wait3A_247 : memref<1x24x256xf32, #tpu.memory_space<vmem>> -> memref<24x256xf32, #tpu.memory_space<vmem>>
    %dma_wait3A_249 = arith.constant 0 : i32
    %dma_wait3A_250 = tpu.memref_slice %arg5[%add3A_39, %dma_wait3A_249] : memref<4608x256xf32, #tpu.memory_space<hbm>> -> memref<24x256xf32, #tpu.memory_space<hbm>>
    %dma_wait3A_251 = arith.constant 0 : i32
    %dma_wait3A_252 = arith.constant 0 : i32
    %dma_wait3A_253 = tpu.memref_slice %arg13[%dma_wait3A_244, %dma_wait3A_251, %dma_wait3A_252] : memref<2x24x256xf32, #tpu.memory_space<vmem>> -> memref<1x24x256xf32, #tpu.memory_space<vmem>>
    %dma_wait3A_254 = tpu.memref_squeeze %dma_wait3A_253 : memref<1x24x256xf32, #tpu.memory_space<vmem>> -> memref<24x256xf32, #tpu.memory_space<vmem>>
    %dma_wait3A_255 = arith.constant 0 : i32
    %dma_wait3A_256 = tpu.memref_slice %arg5[%add3A_39, %dma_wait3A_255] : memref<4608x256xf32, #tpu.memory_space<hbm>> -> memref<24x256xf32, #tpu.memory_space<hbm>>
    tpu.wait_dma2 semaphore(%arg16 : memref<!tpu.dma_semaphore, #tpu.memory_space<semaphore_mem>>) src(%dma_wait3A_256 : memref<24x256xf32, #tpu.memory_space<hbm>>) dst(%dma_wait3A_254 : memref<24x256xf32, #tpu.memory_space<vmem>>)
    %dma_start3A_257 = arith.constant 0 : i32
    %dma_start3A_258 = arith.constant 0 : i32
    %dma_start3A_259 = tpu.memref_slice %arg6[%add3A_222, %dma_start3A_257, %dma_start3A_258] : memref<4608x10x256xf32, #tpu.memory_space<hbm>> -> memref<24x8x256xf32, #tpu.memory_space<hbm>>
    %dma_start3A_260 = arith.constant 0 : i32
    %dma_start3A_261 = arith.constant 0 : i32
    %dma_start3A_262 = tpu.memref_slice %arg6[%add3A_222, %dma_start3A_260, %dma_start3A_261] : memref<4608x10x256xf32, #tpu.memory_space<hbm>> -> memref<24x8x256xf32, #tpu.memory_space<hbm>>
    tpu.enqueue_dma source(%arg11 : memref<24x8x256xf32, #tpu.memory_space<vmem>>) target(%dma_start3A_262 : memref<24x8x256xf32, #tpu.memory_space<hbm>>) target_semaphore(%arg18 : memref<!tpu.dma_semaphore, #tpu.memory_space<semaphore_mem>>)
    %dma_start3A_263 = arith.constant 0 : i32
    %dma_start3A_264 = arith.constant 8 : i32
    %dma_start3A_265 = arith.constant 0 : i32
    %dma_start3A_266 = arith.constant 0 : i32
    %dma_start3A_267 = tpu.memref_slice %arg13[%dma_start3A_263, %dma_start3A_265, %dma_start3A_266] : memref<2x24x256xf32, #tpu.memory_space<vmem>> -> memref<1x24x256xf32, #tpu.memory_space<vmem>>
    %dma_start3A_268 = tpu.memref_squeeze %dma_start3A_267 : memref<1x24x256xf32, #tpu.memory_space<vmem>> -> memref<24x256xf32, #tpu.memory_space<vmem>>
    %dma_start3A_269 = arith.constant 0 : i32
    %dma_start3A_270 = tpu.memref_slice %arg6[%add3A_222, %dma_start3A_264, %dma_start3A_269] : memref<4608x10x256xf32, #tpu.memory_space<hbm>> -> memref<24x1x256xf32, #tpu.memory_space<hbm>>
    %dma_start3A_271 = tpu.memref_squeeze %dma_start3A_270 : memref<24x1x256xf32, #tpu.memory_space<hbm>> -> memref<24x256xf32, #tpu.memory_space<hbm>>
    %dma_start3A_272 = arith.constant 0 : i32
    %dma_start3A_273 = tpu.memref_slice %arg6[%add3A_222, %dma_start3A_264, %dma_start3A_272] : memref<4608x10x256xf32, #tpu.memory_space<hbm>> -> memref<24x1x256xf32, #tpu.memory_space<hbm>>
    %dma_start3A_274 = tpu.memref_squeeze %dma_start3A_273 : memref<24x1x256xf32, #tpu.memory_space<hbm>> -> memref<24x256xf32, #tpu.memory_space<hbm>>
    %dma_start3A_275 = arith.constant 0 : i32
    %dma_start3A_276 = arith.constant 0 : i32
    %dma_start3A_277 = tpu.memref_slice %arg13[%dma_start3A_263, %dma_start3A_275, %dma_start3A_276] : memref<2x24x256xf32, #tpu.memory_space<vmem>> -> memref<1x24x256xf32, #tpu.memory_space<vmem>>
    %dma_start3A_278 = tpu.memref_squeeze %dma_start3A_277 : memref<1x24x256xf32, #tpu.memory_space<vmem>> -> memref<24x256xf32, #tpu.memory_space<vmem>>
    tpu.enqueue_dma source(%dma_start3A_278 : memref<24x256xf32, #tpu.memory_space<vmem>>) target(%dma_start3A_274 : memref<24x256xf32, #tpu.memory_space<hbm>>) target_semaphore(%arg18 : memref<!tpu.dma_semaphore, #tpu.memory_space<semaphore_mem>>)
    %dma_start3A_279 = arith.constant 1 : i32
    %dma_start3A_280 = arith.constant 9 : i32
    %dma_start3A_281 = arith.constant 0 : i32
    %dma_start3A_282 = arith.constant 0 : i32
    %dma_start3A_283 = tpu.memref_slice %arg13[%dma_start3A_279, %dma_start3A_281, %dma_start3A_282] : memref<2x24x256xf32, #tpu.memory_space<vmem>> -> memref<1x24x256xf32, #tpu.memory_space<vmem>>
    %dma_start3A_284 = tpu.memref_squeeze %dma_start3A_283 : memref<1x24x256xf32, #tpu.memory_space<vmem>> -> memref<24x256xf32, #tpu.memory_space<vmem>>
    %dma_start3A_285 = arith.constant 0 : i32
    %dma_start3A_286 = tpu.memref_slice %arg6[%add3A_222, %dma_start3A_280, %dma_start3A_285] : memref<4608x10x256xf32, #tpu.memory_space<hbm>> -> memref<24x1x256xf32, #tpu.memory_space<hbm>>
    %dma_start3A_287 = tpu.memref_squeeze %dma_start3A_286 : memref<24x1x256xf32, #tpu.memory_space<hbm>> -> memref<24x256xf32, #tpu.memory_space<hbm>>
    %dma_start3A_288 = arith.constant 0 : i32
    %dma_start3A_289 = tpu.memref_slice %arg6[%add3A_222, %dma_start3A_280, %dma_start3A_288] : memref<4608x10x256xf32, #tpu.memory_space<hbm>> -> memref<24x1x256xf32, #tpu.memory_space<hbm>>
    %dma_start3A_290 = tpu.memref_squeeze %dma_start3A_289 : memref<24x1x256xf32, #tpu.memory_space<hbm>> -> memref<24x256xf32, #tpu.memory_space<hbm>>
    %dma_start3A_291 = arith.constant 0 : i32
    %dma_start3A_292 = arith.constant 0 : i32
    %dma_start3A_293 = tpu.memref_slice %arg13[%dma_start3A_279, %dma_start3A_291, %dma_start3A_292] : memref<2x24x256xf32, #tpu.memory_space<vmem>> -> memref<1x24x256xf32, #tpu.memory_space<vmem>>
    %dma_start3A_294 = tpu.memref_squeeze %dma_start3A_293 : memref<1x24x256xf32, #tpu.memory_space<vmem>> -> memref<24x256xf32, #tpu.memory_space<vmem>>
    tpu.enqueue_dma source(%dma_start3A_294 : memref<24x256xf32, #tpu.memory_space<vmem>>) target(%dma_start3A_290 : memref<24x256xf32, #tpu.memory_space<hbm>>) target_semaphore(%arg18 : memref<!tpu.dma_semaphore, #tpu.memory_space<semaphore_mem>>)
    "tpu.region"() ({
      %run_scoped3A = tpu.sem_alloc : memref<!tpu.dma_semaphore, #tpu.memory_space<semaphore_mem>>
      %dma_start3A_889 = arith.constant 0 : i32
      %dma_start3A_890 = arith.constant 0 : i32
      %dma_start3A_891 = tpu.memref_slice %arg3[%dma_start3A_889, %dma_start3A_890] : memref<8192x256xf32, #tpu.memory_space<hbm>> -> memref<8192x256xf32, #tpu.memory_space<hbm>>
      tpu.enqueue_indirect_dma source(%dma_start3A_891 : memref<8192x256xf32, #tpu.memory_space<hbm>>) target(%arg14 : memref<24x256xf32, #tpu.memory_space<vmem>>) offsets(%arg9 : memref<24xi32, #tpu.memory_space<vmem>>) semaphore(%run_scoped3A : memref<!tpu.dma_semaphore, #tpu.memory_space<semaphore_mem>>)
      %dma_wait3A_892 = arith.constant 0 : i32
      %dma_wait3A_893 = arith.constant 0 : i32
      %dma_wait3A_894 = tpu.memref_slice %arg3[%dma_wait3A_892, %dma_wait3A_893] : memref<8192x256xf32, #tpu.memory_space<hbm>> -> memref<8192x256xf32, #tpu.memory_space<hbm>>
      tpu.wait_indirect_dma semaphore(%run_scoped3A : memref<!tpu.dma_semaphore, #tpu.memory_space<semaphore_mem>>) src(%dma_wait3A_894 : memref<8192x256xf32, #tpu.memory_space<hbm>>) dst(%arg14 : memref<24x256xf32, #tpu.memory_space<vmem>>)
      tpu.yield
    }) : () -> ()
    "tpu.region"() ({
      %run_scoped3A = tpu.sem_alloc : memref<!tpu.dma_semaphore, #tpu.memory_space<semaphore_mem>>
      %dma_start3A_889 = arith.constant 0 : i32
      %dma_start3A_890 = tpu.memref_slice %arg7[%add3A_222, %dma_start3A_889] : memref<4608x256xf32, #tpu.memory_space<hbm>> -> memref<24x256xf32, #tpu.memory_space<hbm>>
      %dma_start3A_891 = arith.constant 0 : i32
      %dma_start3A_892 = tpu.memref_slice %arg7[%add3A_222, %dma_start3A_891] : memref<4608x256xf32, #tpu.memory_space<hbm>> -> memref<24x256xf32, #tpu.memory_space<hbm>>
      tpu.enqueue_dma source(%arg14 : memref<24x256xf32, #tpu.memory_space<vmem>>) target(%dma_start3A_892 : memref<24x256xf32, #tpu.memory_space<hbm>>) target_semaphore(%run_scoped3A : memref<!tpu.dma_semaphore, #tpu.memory_space<semaphore_mem>>)
      %dma_wait3A_893 = arith.constant 0 : i32
      %dma_wait3A_894 = tpu.memref_slice %arg7[%add3A_222, %dma_wait3A_893] : memref<4608x256xf32, #tpu.memory_space<hbm>> -> memref<24x256xf32, #tpu.memory_space<hbm>>
      %dma_wait3A_895 = arith.constant 0 : i32
      %dma_wait3A_896 = tpu.memref_slice %arg7[%add3A_222, %dma_wait3A_895] : memref<4608x256xf32, #tpu.memory_space<hbm>> -> memref<24x256xf32, #tpu.memory_space<hbm>>
      tpu.wait_dma2 semaphore(%run_scoped3A : memref<!tpu.dma_semaphore, #tpu.memory_space<semaphore_mem>>) src(%arg14 : memref<24x256xf32, #tpu.memory_space<vmem>>) dst(%dma_wait3A_896 : memref<24x256xf32, #tpu.memory_space<hbm>>)
      tpu.yield
    }) : () -> ()
    %dma_wait3A_295 = arith.constant 0 : i32
    %dma_wait3A_296 = arith.constant 0 : i32
    %dma_wait3A_297 = tpu.memref_slice %arg6[%add3A_222, %dma_wait3A_295, %dma_wait3A_296] : memref<4608x10x256xf32, #tpu.memory_space<hbm>> -> memref<24x8x256xf32, #tpu.memory_space<hbm>>
    %dma_wait3A_298 = arith.constant 0 : i32
    %dma_wait3A_299 = arith.constant 0 : i32
    %dma_wait3A_300 = tpu.memref_slice %arg6[%add3A_222, %dma_wait3A_298, %dma_wait3A_299] : memref<4608x10x256xf32, #tpu.memory_space<hbm>> -> memref<24x8x256xf32, #tpu.memory_space<hbm>>
    tpu.wait_dma2 semaphore(%arg18 : memref<!tpu.dma_semaphore, #tpu.memory_space<semaphore_mem>>) src(%arg11 : memref<24x8x256xf32, #tpu.memory_space<vmem>>) dst(%dma_wait3A_300 : memref<24x8x256xf32, #tpu.memory_space<hbm>>)
    %dma_wait3A_301 = arith.constant 0 : i32
    %dma_wait3A_302 = arith.constant 8 : i32
    %dma_wait3A_303 = arith.constant 0 : i32
    %dma_wait3A_304 = arith.constant 0 : i32
    %dma_wait3A_305 = tpu.memref_slice %arg13[%dma_wait3A_301, %dma_wait3A_303, %dma_wait3A_304] : memref<2x24x256xf32, #tpu.memory_space<vmem>> -> memref<1x24x256xf32, #tpu.memory_space<vmem>>
    %dma_wait3A_306 = tpu.memref_squeeze %dma_wait3A_305 : memref<1x24x256xf32, #tpu.memory_space<vmem>> -> memref<24x256xf32, #tpu.memory_space<vmem>>
    %dma_wait3A_307 = arith.constant 0 : i32
    %dma_wait3A_308 = tpu.memref_slice %arg6[%add3A_222, %dma_wait3A_302, %dma_wait3A_307] : memref<4608x10x256xf32, #tpu.memory_space<hbm>> -> memref<24x1x256xf32, #tpu.memory_space<hbm>>
    %dma_wait3A_309 = tpu.memref_squeeze %dma_wait3A_308 : memref<24x1x256xf32, #tpu.memory_space<hbm>> -> memref<24x256xf32, #tpu.memory_space<hbm>>
    %dma_wait3A_310 = arith.constant 0 : i32
    %dma_wait3A_311 = tpu.memref_slice %arg6[%add3A_222, %dma_wait3A_302, %dma_wait3A_310] : memref<4608x10x256xf32, #tpu.memory_space<hbm>> -> memref<24x1x256xf32, #tpu.memory_space<hbm>>
    %dma_wait3A_312 = tpu.memref_squeeze %dma_wait3A_311 : memref<24x1x256xf32, #tpu.memory_space<hbm>> -> memref<24x256xf32, #tpu.memory_space<hbm>>
    %dma_wait3A_313 = arith.constant 0 : i32
    %dma_wait3A_314 = arith.constant 0 : i32
    %dma_wait3A_315 = tpu.memref_slice %arg13[%dma_wait3A_301, %dma_wait3A_313, %dma_wait3A_314] : memref<2x24x256xf32, #tpu.memory_space<vmem>> -> memref<1x24x256xf32, #tpu.memory_space<vmem>>
    %dma_wait3A_316 = tpu.memref_squeeze %dma_wait3A_315 : memref<1x24x256xf32, #tpu.memory_space<vmem>> -> memref<24x256xf32, #tpu.memory_space<vmem>>
    tpu.wait_dma2 semaphore(%arg18 : memref<!tpu.dma_semaphore, #tpu.memory_space<semaphore_mem>>) src(%dma_wait3A_316 : memref<24x256xf32, #tpu.memory_space<vmem>>) dst(%dma_wait3A_312 : memref<24x256xf32, #tpu.memory_space<hbm>>)
    %dma_wait3A_317 = arith.constant 1 : i32
    %dma_wait3A_318 = arith.constant 9 : i32
    %dma_wait3A_319 = arith.constant 0 : i32
    %dma_wait3A_320 = arith.constant 0 : i32
    %dma_wait3A_321 = tpu.memref_slice %arg13[%dma_wait3A_317, %dma_wait3A_319, %dma_wait3A_320] : memref<2x24x256xf32, #tpu.memory_space<vmem>> -> memref<1x24x256xf32, #tpu.memory_space<vmem>>
    %dma_wait3A_322 = tpu.memref_squeeze %dma_wait3A_321 : memref<1x24x256xf32, #tpu.memory_space<vmem>> -> memref<24x256xf32, #tpu.memory_space<vmem>>
    %dma_wait3A_323 = arith.constant 0 : i32
    %dma_wait3A_324 = tpu.memref_slice %arg6[%add3A_222, %dma_wait3A_318, %dma_wait3A_323] : memref<4608x10x256xf32, #tpu.memory_space<hbm>> -> memref<24x1x256xf32, #tpu.memory_space<hbm>>
    %dma_wait3A_325 = tpu.memref_squeeze %dma_wait3A_324 : memref<24x1x256xf32, #tpu.memory_space<hbm>> -> memref<24x256xf32, #tpu.memory_space<hbm>>
    %dma_wait3A_326 = arith.constant 0 : i32
    %dma_wait3A_327 = tpu.memref_slice %arg6[%add3A_222, %dma_wait3A_318, %dma_wait3A_326] : memref<4608x10x256xf32, #tpu.memory_space<hbm>> -> memref<24x1x256xf32, #tpu.memory_space<hbm>>
    %dma_wait3A_328 = tpu.memref_squeeze %dma_wait3A_327 : memref<24x1x256xf32, #tpu.memory_space<hbm>> -> memref<24x256xf32, #tpu.memory_space<hbm>>
    %dma_wait3A_329 = arith.constant 0 : i32
    %dma_wait3A_330 = arith.constant 0 : i32
    %dma_wait3A_331 = tpu.memref_slice %arg13[%dma_wait3A_317, %dma_wait3A_329, %dma_wait3A_330] : memref<2x24x256xf32, #tpu.memory_space<vmem>> -> memref<1x24x256xf32, #tpu.memory_space<vmem>>
    %dma_wait3A_332 = tpu.memref_squeeze %dma_wait3A_331 : memref<1x24x256xf32, #tpu.memory_space<vmem>> -> memref<24x256xf32, #tpu.memory_space<vmem>>
    tpu.wait_dma2 semaphore(%arg18 : memref<!tpu.dma_semaphore, #tpu.memory_space<semaphore_mem>>) src(%dma_wait3A_332 : memref<24x256xf32, #tpu.memory_space<vmem>>) dst(%dma_wait3A_328 : memref<24x256xf32, #tpu.memory_space<hbm>>)
    %add3A_333 = arith.constant 72 : i32
    %add3A_334 = arith.addi %mul3A_2, %add3A_333 : i32
    "tpu.region"() ({
      %run_scoped3A = tpu.sem_alloc : memref<!tpu.dma_semaphore, #tpu.memory_space<semaphore_mem>>
      %dma_start3A_889 = tpu.memref_slice %arg4[%add3A_334] : memref<4608xi32, #tpu.memory_space<hbm>> -> memref<24xi32, #tpu.memory_space<hbm>>
      %dma_start3A_890 = tpu.memref_slice %arg4[%add3A_334] : memref<4608xi32, #tpu.memory_space<hbm>> -> memref<24xi32, #tpu.memory_space<hbm>>
      tpu.enqueue_dma source(%dma_start3A_890 : memref<24xi32, #tpu.memory_space<hbm>>) target(%arg9 : memref<24xi32, #tpu.memory_space<vmem>>) target_semaphore(%run_scoped3A : memref<!tpu.dma_semaphore, #tpu.memory_space<semaphore_mem>>)
      %dma_wait3A_891 = tpu.memref_slice %arg4[%add3A_334] : memref<4608xi32, #tpu.memory_space<hbm>> -> memref<24xi32, #tpu.memory_space<hbm>>
      %dma_wait3A_892 = tpu.memref_slice %arg4[%add3A_334] : memref<4608xi32, #tpu.memory_space<hbm>> -> memref<24xi32, #tpu.memory_space<hbm>>
      tpu.wait_dma2 semaphore(%run_scoped3A : memref<!tpu.dma_semaphore, #tpu.memory_space<semaphore_mem>>) src(%dma_wait3A_892 : memref<24xi32, #tpu.memory_space<hbm>>) dst(%arg9 : memref<24xi32, #tpu.memory_space<vmem>>)
      tpu.yield
    }) : () -> ()
    %dma_start3A_335 = arith.constant 0 : i32
    %dma_start3A_336 = arith.constant 0 : i32
    %dma_start3A_337 = arith.constant 0 : i32
    %dma_start3A_338 = tpu.memref_slice %arg2[%dma_start3A_335, %dma_start3A_336, %dma_start3A_337] : memref<8192x10x256xf32, #tpu.memory_space<hbm>> -> memref<8192x8x256xf32, #tpu.memory_space<hbm>>
    %dma_start3A_339 = arith.constant 0 : i32
    %dma_start3A_340 = arith.constant 0 : i32
    %dma_start3A_341 = arith.constant 0 : i32
    %dma_start3A_342 = tpu.memref_slice %dma_start3A_338[%dma_start3A_339, %dma_start3A_340, %dma_start3A_341] : memref<8192x8x256xf32, #tpu.memory_space<hbm>> -> memref<8192x8x256xf32, #tpu.memory_space<hbm>>
    tpu.enqueue_indirect_dma source(%dma_start3A_342 : memref<8192x8x256xf32, #tpu.memory_space<hbm>>) target(%arg11 : memref<24x8x256xf32, #tpu.memory_space<vmem>>) offsets(%arg9 : memref<24xi32, #tpu.memory_space<vmem>>) semaphore(%arg16 : memref<!tpu.dma_semaphore, #tpu.memory_space<semaphore_mem>>)
    %dma_start3A_343 = arith.constant 8 : i32
    %dma_start3A_344 = arith.constant 0 : i32
    %dma_start3A_345 = arith.constant 0 : i32
    %dma_start3A_346 = arith.constant 0 : i32
    %dma_start3A_347 = tpu.memref_slice %arg13[%dma_start3A_344, %dma_start3A_345, %dma_start3A_346] : memref<2x24x256xf32, #tpu.memory_space<vmem>> -> memref<1x24x256xf32, #tpu.memory_space<vmem>>
    %dma_start3A_348 = tpu.memref_squeeze %dma_start3A_347 : memref<1x24x256xf32, #tpu.memory_space<vmem>> -> memref<24x256xf32, #tpu.memory_space<vmem>>
    %dma_start3A_349 = arith.constant 0 : i32
    %dma_start3A_350 = arith.constant 0 : i32
    %dma_start3A_351 = tpu.memref_slice %arg2[%dma_start3A_349, %dma_start3A_343, %dma_start3A_350] : memref<8192x10x256xf32, #tpu.memory_space<hbm>> -> memref<8192x1x256xf32, #tpu.memory_space<hbm>>
    %dma_start3A_352 = tpu.memref_squeeze %dma_start3A_351 : memref<8192x1x256xf32, #tpu.memory_space<hbm>> -> memref<8192x256xf32, #tpu.memory_space<hbm>>
    %dma_start3A_353 = arith.constant 0 : i32
    %dma_start3A_354 = arith.constant 0 : i32
    %dma_start3A_355 = tpu.memref_slice %dma_start3A_352[%dma_start3A_353, %dma_start3A_354] : memref<8192x256xf32, #tpu.memory_space<hbm>> -> memref<8192x256xf32, #tpu.memory_space<hbm>>
    tpu.enqueue_indirect_dma source(%dma_start3A_355 : memref<8192x256xf32, #tpu.memory_space<hbm>>) target(%dma_start3A_348 : memref<24x256xf32, #tpu.memory_space<vmem>>) offsets(%arg9 : memref<24xi32, #tpu.memory_space<vmem>>) semaphore(%arg16 : memref<!tpu.dma_semaphore, #tpu.memory_space<semaphore_mem>>)
    %dma_start3A_356 = arith.constant 1 : i32
    %dma_start3A_357 = arith.constant 0 : i32
    %dma_start3A_358 = arith.constant 0 : i32
    %dma_start3A_359 = tpu.memref_slice %arg13[%dma_start3A_356, %dma_start3A_357, %dma_start3A_358] : memref<2x24x256xf32, #tpu.memory_space<vmem>> -> memref<1x24x256xf32, #tpu.memory_space<vmem>>
    %dma_start3A_360 = tpu.memref_squeeze %dma_start3A_359 : memref<1x24x256xf32, #tpu.memory_space<vmem>> -> memref<24x256xf32, #tpu.memory_space<vmem>>
    %dma_start3A_361 = arith.constant 0 : i32
    %dma_start3A_362 = tpu.memref_slice %arg5[%add3A_334, %dma_start3A_361] : memref<4608x256xf32, #tpu.memory_space<hbm>> -> memref<24x256xf32, #tpu.memory_space<hbm>>
    %dma_start3A_363 = arith.constant 0 : i32
    %dma_start3A_364 = arith.constant 0 : i32
    %dma_start3A_365 = tpu.memref_slice %arg13[%dma_start3A_356, %dma_start3A_363, %dma_start3A_364] : memref<2x24x256xf32, #tpu.memory_space<vmem>> -> memref<1x24x256xf32, #tpu.memory_space<vmem>>
    %dma_start3A_366 = tpu.memref_squeeze %dma_start3A_365 : memref<1x24x256xf32, #tpu.memory_space<vmem>> -> memref<24x256xf32, #tpu.memory_space<vmem>>
    %dma_start3A_367 = arith.constant 0 : i32
    %dma_start3A_368 = tpu.memref_slice %arg5[%add3A_334, %dma_start3A_367] : memref<4608x256xf32, #tpu.memory_space<hbm>> -> memref<24x256xf32, #tpu.memory_space<hbm>>
    tpu.enqueue_dma source(%dma_start3A_368 : memref<24x256xf32, #tpu.memory_space<hbm>>) target(%dma_start3A_366 : memref<24x256xf32, #tpu.memory_space<vmem>>) target_semaphore(%arg16 : memref<!tpu.dma_semaphore, #tpu.memory_space<semaphore_mem>>)
    %add3A_369 = arith.constant 48 : i32
    %add3A_370 = arith.addi %mul3A_2, %add3A_369 : i32
    %dma_wait3A_371 = arith.constant 0 : i32
    %dma_wait3A_372 = arith.constant 0 : i32
    %dma_wait3A_373 = arith.constant 0 : i32
    %dma_wait3A_374 = tpu.memref_slice %arg2[%dma_wait3A_371, %dma_wait3A_372, %dma_wait3A_373] : memref<8192x10x256xf32, #tpu.memory_space<hbm>> -> memref<8192x8x256xf32, #tpu.memory_space<hbm>>
    %dma_wait3A_375 = arith.constant 0 : i32
    %dma_wait3A_376 = arith.constant 0 : i32
    %dma_wait3A_377 = arith.constant 0 : i32
    %dma_wait3A_378 = tpu.memref_slice %dma_wait3A_374[%dma_wait3A_375, %dma_wait3A_376, %dma_wait3A_377] : memref<8192x8x256xf32, #tpu.memory_space<hbm>> -> memref<8192x8x256xf32, #tpu.memory_space<hbm>>
    tpu.wait_indirect_dma semaphore(%arg15 : memref<!tpu.dma_semaphore, #tpu.memory_space<semaphore_mem>>) src(%dma_wait3A_378 : memref<8192x8x256xf32, #tpu.memory_space<hbm>>) dst(%arg10 : memref<24x8x256xf32, #tpu.memory_space<vmem>>)
    %dma_wait3A_379 = arith.constant 8 : i32
    %dma_wait3A_380 = arith.constant 0 : i32
    %dma_wait3A_381 = arith.constant 0 : i32
    %dma_wait3A_382 = arith.constant 0 : i32
    %dma_wait3A_383 = tpu.memref_slice %arg12[%dma_wait3A_380, %dma_wait3A_381, %dma_wait3A_382] : memref<2x24x256xf32, #tpu.memory_space<vmem>> -> memref<1x24x256xf32, #tpu.memory_space<vmem>>
    %dma_wait3A_384 = tpu.memref_squeeze %dma_wait3A_383 : memref<1x24x256xf32, #tpu.memory_space<vmem>> -> memref<24x256xf32, #tpu.memory_space<vmem>>
    %dma_wait3A_385 = arith.constant 0 : i32
    %dma_wait3A_386 = arith.constant 0 : i32
    %dma_wait3A_387 = tpu.memref_slice %arg2[%dma_wait3A_385, %dma_wait3A_379, %dma_wait3A_386] : memref<8192x10x256xf32, #tpu.memory_space<hbm>> -> memref<8192x1x256xf32, #tpu.memory_space<hbm>>
    %dma_wait3A_388 = tpu.memref_squeeze %dma_wait3A_387 : memref<8192x1x256xf32, #tpu.memory_space<hbm>> -> memref<8192x256xf32, #tpu.memory_space<hbm>>
    %dma_wait3A_389 = arith.constant 0 : i32
    %dma_wait3A_390 = arith.constant 0 : i32
    %dma_wait3A_391 = tpu.memref_slice %dma_wait3A_388[%dma_wait3A_389, %dma_wait3A_390] : memref<8192x256xf32, #tpu.memory_space<hbm>> -> memref<8192x256xf32, #tpu.memory_space<hbm>>
    tpu.wait_indirect_dma semaphore(%arg15 : memref<!tpu.dma_semaphore, #tpu.memory_space<semaphore_mem>>) src(%dma_wait3A_391 : memref<8192x256xf32, #tpu.memory_space<hbm>>) dst(%dma_wait3A_384 : memref<24x256xf32, #tpu.memory_space<vmem>>)
    %dma_wait3A_392 = arith.constant 1 : i32
    %dma_wait3A_393 = arith.constant 0 : i32
    %dma_wait3A_394 = arith.constant 0 : i32
    %dma_wait3A_395 = tpu.memref_slice %arg12[%dma_wait3A_392, %dma_wait3A_393, %dma_wait3A_394] : memref<2x24x256xf32, #tpu.memory_space<vmem>> -> memref<1x24x256xf32, #tpu.memory_space<vmem>>
    %dma_wait3A_396 = tpu.memref_squeeze %dma_wait3A_395 : memref<1x24x256xf32, #tpu.memory_space<vmem>> -> memref<24x256xf32, #tpu.memory_space<vmem>>
    %dma_wait3A_397 = arith.constant 0 : i32
    %dma_wait3A_398 = tpu.memref_slice %arg5[%add3A_186, %dma_wait3A_397] : memref<4608x256xf32, #tpu.memory_space<hbm>> -> memref<24x256xf32, #tpu.memory_space<hbm>>
    %dma_wait3A_399 = arith.constant 0 : i32
    %dma_wait3A_400 = arith.constant 0 : i32
    %dma_wait3A_401 = tpu.memref_slice %arg12[%dma_wait3A_392, %dma_wait3A_399, %dma_wait3A_400] : memref<2x24x256xf32, #tpu.memory_space<vmem>> -> memref<1x24x256xf32, #tpu.memory_space<vmem>>
    %dma_wait3A_402 = tpu.memref_squeeze %dma_wait3A_401 : memref<1x24x256xf32, #tpu.memory_space<vmem>> -> memref<24x256xf32, #tpu.memory_space<vmem>>
    %dma_wait3A_403 = arith.constant 0 : i32
    %dma_wait3A_404 = tpu.memref_slice %arg5[%add3A_186, %dma_wait3A_403] : memref<4608x256xf32, #tpu.memory_space<hbm>> -> memref<24x256xf32, #tpu.memory_space<hbm>>
    tpu.wait_dma2 semaphore(%arg15 : memref<!tpu.dma_semaphore, #tpu.memory_space<semaphore_mem>>) src(%dma_wait3A_404 : memref<24x256xf32, #tpu.memory_space<hbm>>) dst(%dma_wait3A_402 : memref<24x256xf32, #tpu.memory_space<vmem>>)
    %dma_start3A_405 = arith.constant 0 : i32
    %dma_start3A_406 = arith.constant 0 : i32
    %dma_start3A_407 = tpu.memref_slice %arg6[%add3A_370, %dma_start3A_405, %dma_start3A_406] : memref<4608x10x256xf32, #tpu.memory_space<hbm>> -> memref<24x8x256xf32, #tpu.memory_space<hbm>>
    %dma_start3A_408 = arith.constant 0 : i32
    %dma_start3A_409 = arith.constant 0 : i32
    %dma_start3A_410 = tpu.memref_slice %arg6[%add3A_370, %dma_start3A_408, %dma_start3A_409] : memref<4608x10x256xf32, #tpu.memory_space<hbm>> -> memref<24x8x256xf32, #tpu.memory_space<hbm>>
    tpu.enqueue_dma source(%arg10 : memref<24x8x256xf32, #tpu.memory_space<vmem>>) target(%dma_start3A_410 : memref<24x8x256xf32, #tpu.memory_space<hbm>>) target_semaphore(%arg17 : memref<!tpu.dma_semaphore, #tpu.memory_space<semaphore_mem>>)
    %dma_start3A_411 = arith.constant 0 : i32
    %dma_start3A_412 = arith.constant 8 : i32
    %dma_start3A_413 = arith.constant 0 : i32
    %dma_start3A_414 = arith.constant 0 : i32
    %dma_start3A_415 = tpu.memref_slice %arg12[%dma_start3A_411, %dma_start3A_413, %dma_start3A_414] : memref<2x24x256xf32, #tpu.memory_space<vmem>> -> memref<1x24x256xf32, #tpu.memory_space<vmem>>
    %dma_start3A_416 = tpu.memref_squeeze %dma_start3A_415 : memref<1x24x256xf32, #tpu.memory_space<vmem>> -> memref<24x256xf32, #tpu.memory_space<vmem>>
    %dma_start3A_417 = arith.constant 0 : i32
    %dma_start3A_418 = tpu.memref_slice %arg6[%add3A_370, %dma_start3A_412, %dma_start3A_417] : memref<4608x10x256xf32, #tpu.memory_space<hbm>> -> memref<24x1x256xf32, #tpu.memory_space<hbm>>
    %dma_start3A_419 = tpu.memref_squeeze %dma_start3A_418 : memref<24x1x256xf32, #tpu.memory_space<hbm>> -> memref<24x256xf32, #tpu.memory_space<hbm>>
    %dma_start3A_420 = arith.constant 0 : i32
    %dma_start3A_421 = tpu.memref_slice %arg6[%add3A_370, %dma_start3A_412, %dma_start3A_420] : memref<4608x10x256xf32, #tpu.memory_space<hbm>> -> memref<24x1x256xf32, #tpu.memory_space<hbm>>
    %dma_start3A_422 = tpu.memref_squeeze %dma_start3A_421 : memref<24x1x256xf32, #tpu.memory_space<hbm>> -> memref<24x256xf32, #tpu.memory_space<hbm>>
    %dma_start3A_423 = arith.constant 0 : i32
    %dma_start3A_424 = arith.constant 0 : i32
    %dma_start3A_425 = tpu.memref_slice %arg12[%dma_start3A_411, %dma_start3A_423, %dma_start3A_424] : memref<2x24x256xf32, #tpu.memory_space<vmem>> -> memref<1x24x256xf32, #tpu.memory_space<vmem>>
    %dma_start3A_426 = tpu.memref_squeeze %dma_start3A_425 : memref<1x24x256xf32, #tpu.memory_space<vmem>> -> memref<24x256xf32, #tpu.memory_space<vmem>>
    tpu.enqueue_dma source(%dma_start3A_426 : memref<24x256xf32, #tpu.memory_space<vmem>>) target(%dma_start3A_422 : memref<24x256xf32, #tpu.memory_space<hbm>>) target_semaphore(%arg17 : memref<!tpu.dma_semaphore, #tpu.memory_space<semaphore_mem>>)
    %dma_start3A_427 = arith.constant 1 : i32
    %dma_start3A_428 = arith.constant 9 : i32
    %dma_start3A_429 = arith.constant 0 : i32
    %dma_start3A_430 = arith.constant 0 : i32
    %dma_start3A_431 = tpu.memref_slice %arg12[%dma_start3A_427, %dma_start3A_429, %dma_start3A_430] : memref<2x24x256xf32, #tpu.memory_space<vmem>> -> memref<1x24x256xf32, #tpu.memory_space<vmem>>
    %dma_start3A_432 = tpu.memref_squeeze %dma_start3A_431 : memref<1x24x256xf32, #tpu.memory_space<vmem>> -> memref<24x256xf32, #tpu.memory_space<vmem>>
    %dma_start3A_433 = arith.constant 0 : i32
    %dma_start3A_434 = tpu.memref_slice %arg6[%add3A_370, %dma_start3A_428, %dma_start3A_433] : memref<4608x10x256xf32, #tpu.memory_space<hbm>> -> memref<24x1x256xf32, #tpu.memory_space<hbm>>
    %dma_start3A_435 = tpu.memref_squeeze %dma_start3A_434 : memref<24x1x256xf32, #tpu.memory_space<hbm>> -> memref<24x256xf32, #tpu.memory_space<hbm>>
    %dma_start3A_436 = arith.constant 0 : i32
    %dma_start3A_437 = tpu.memref_slice %arg6[%add3A_370, %dma_start3A_428, %dma_start3A_436] : memref<4608x10x256xf32, #tpu.memory_space<hbm>> -> memref<24x1x256xf32, #tpu.memory_space<hbm>>
    %dma_start3A_438 = tpu.memref_squeeze %dma_start3A_437 : memref<24x1x256xf32, #tpu.memory_space<hbm>> -> memref<24x256xf32, #tpu.memory_space<hbm>>
    %dma_start3A_439 = arith.constant 0 : i32
    %dma_start3A_440 = arith.constant 0 : i32
    %dma_start3A_441 = tpu.memref_slice %arg12[%dma_start3A_427, %dma_start3A_439, %dma_start3A_440] : memref<2x24x256xf32, #tpu.memory_space<vmem>> -> memref<1x24x256xf32, #tpu.memory_space<vmem>>
    %dma_start3A_442 = tpu.memref_squeeze %dma_start3A_441 : memref<1x24x256xf32, #tpu.memory_space<vmem>> -> memref<24x256xf32, #tpu.memory_space<vmem>>
    tpu.enqueue_dma source(%dma_start3A_442 : memref<24x256xf32, #tpu.memory_space<vmem>>) target(%dma_start3A_438 : memref<24x256xf32, #tpu.memory_space<hbm>>) target_semaphore(%arg17 : memref<!tpu.dma_semaphore, #tpu.memory_space<semaphore_mem>>)
    "tpu.region"() ({
      %run_scoped3A = tpu.sem_alloc : memref<!tpu.dma_semaphore, #tpu.memory_space<semaphore_mem>>
      %dma_start3A_889 = arith.constant 0 : i32
      %dma_start3A_890 = arith.constant 0 : i32
      %dma_start3A_891 = tpu.memref_slice %arg3[%dma_start3A_889, %dma_start3A_890] : memref<8192x256xf32, #tpu.memory_space<hbm>> -> memref<8192x256xf32, #tpu.memory_space<hbm>>
      tpu.enqueue_indirect_dma source(%dma_start3A_891 : memref<8192x256xf32, #tpu.memory_space<hbm>>) target(%arg14 : memref<24x256xf32, #tpu.memory_space<vmem>>) offsets(%arg8 : memref<24xi32, #tpu.memory_space<vmem>>) semaphore(%run_scoped3A : memref<!tpu.dma_semaphore, #tpu.memory_space<semaphore_mem>>)
      %dma_wait3A_892 = arith.constant 0 : i32
      %dma_wait3A_893 = arith.constant 0 : i32
      %dma_wait3A_894 = tpu.memref_slice %arg3[%dma_wait3A_892, %dma_wait3A_893] : memref<8192x256xf32, #tpu.memory_space<hbm>> -> memref<8192x256xf32, #tpu.memory_space<hbm>>
      tpu.wait_indirect_dma semaphore(%run_scoped3A : memref<!tpu.dma_semaphore, #tpu.memory_space<semaphore_mem>>) src(%dma_wait3A_894 : memref<8192x256xf32, #tpu.memory_space<hbm>>) dst(%arg14 : memref<24x256xf32, #tpu.memory_space<vmem>>)
      tpu.yield
    }) : () -> ()
    "tpu.region"() ({
      %run_scoped3A = tpu.sem_alloc : memref<!tpu.dma_semaphore, #tpu.memory_space<semaphore_mem>>
      %dma_start3A_889 = arith.constant 0 : i32
      %dma_start3A_890 = tpu.memref_slice %arg7[%add3A_370, %dma_start3A_889] : memref<4608x256xf32, #tpu.memory_space<hbm>> -> memref<24x256xf32, #tpu.memory_space<hbm>>
      %dma_start3A_891 = arith.constant 0 : i32
      %dma_start3A_892 = tpu.memref_slice %arg7[%add3A_370, %dma_start3A_891] : memref<4608x256xf32, #tpu.memory_space<hbm>> -> memref<24x256xf32, #tpu.memory_space<hbm>>
      tpu.enqueue_dma source(%arg14 : memref<24x256xf32, #tpu.memory_space<vmem>>) target(%dma_start3A_892 : memref<24x256xf32, #tpu.memory_space<hbm>>) target_semaphore(%run_scoped3A : memref<!tpu.dma_semaphore, #tpu.memory_space<semaphore_mem>>)
      %dma_wait3A_893 = arith.constant 0 : i32
      %dma_wait3A_894 = tpu.memref_slice %arg7[%add3A_370, %dma_wait3A_893] : memref<4608x256xf32, #tpu.memory_space<hbm>> -> memref<24x256xf32, #tpu.memory_space<hbm>>
      %dma_wait3A_895 = arith.constant 0 : i32
      %dma_wait3A_896 = tpu.memref_slice %arg7[%add3A_370, %dma_wait3A_895] : memref<4608x256xf32, #tpu.memory_space<hbm>> -> memref<24x256xf32, #tpu.memory_space<hbm>>
      tpu.wait_dma2 semaphore(%run_scoped3A : memref<!tpu.dma_semaphore, #tpu.memory_space<semaphore_mem>>) src(%arg14 : memref<24x256xf32, #tpu.memory_space<vmem>>) dst(%dma_wait3A_896 : memref<24x256xf32, #tpu.memory_space<hbm>>)
      tpu.yield
    }) : () -> ()
    %dma_wait3A_443 = arith.constant 0 : i32
    %dma_wait3A_444 = arith.constant 0 : i32
    %dma_wait3A_445 = tpu.memref_slice %arg6[%add3A_370, %dma_wait3A_443, %dma_wait3A_444] : memref<4608x10x256xf32, #tpu.memory_space<hbm>> -> memref<24x8x256xf32, #tpu.memory_space<hbm>>
    %dma_wait3A_446 = arith.constant 0 : i32
    %dma_wait3A_447 = arith.constant 0 : i32
    %dma_wait3A_448 = tpu.memref_slice %arg6[%add3A_370, %dma_wait3A_446, %dma_wait3A_447] : memref<4608x10x256xf32, #tpu.memory_space<hbm>> -> memref<24x8x256xf32, #tpu.memory_space<hbm>>
    tpu.wait_dma2 semaphore(%arg17 : memref<!tpu.dma_semaphore, #tpu.memory_space<semaphore_mem>>) src(%arg10 : memref<24x8x256xf32, #tpu.memory_space<vmem>>) dst(%dma_wait3A_448 : memref<24x8x256xf32, #tpu.memory_space<hbm>>)
    %dma_wait3A_449 = arith.constant 0 : i32
    %dma_wait3A_450 = arith.constant 8 : i32
    %dma_wait3A_451 = arith.constant 0 : i32
    %dma_wait3A_452 = arith.constant 0 : i32
    %dma_wait3A_453 = tpu.memref_slice %arg12[%dma_wait3A_449, %dma_wait3A_451, %dma_wait3A_452] : memref<2x24x256xf32, #tpu.memory_space<vmem>> -> memref<1x24x256xf32, #tpu.memory_space<vmem>>
    %dma_wait3A_454 = tpu.memref_squeeze %dma_wait3A_453 : memref<1x24x256xf32, #tpu.memory_space<vmem>> -> memref<24x256xf32, #tpu.memory_space<vmem>>
    %dma_wait3A_455 = arith.constant 0 : i32
    %dma_wait3A_456 = tpu.memref_slice %arg6[%add3A_370, %dma_wait3A_450, %dma_wait3A_455] : memref<4608x10x256xf32, #tpu.memory_space<hbm>> -> memref<24x1x256xf32, #tpu.memory_space<hbm>>
    %dma_wait3A_457 = tpu.memref_squeeze %dma_wait3A_456 : memref<24x1x256xf32, #tpu.memory_space<hbm>> -> memref<24x256xf32, #tpu.memory_space<hbm>>
    %dma_wait3A_458 = arith.constant 0 : i32
    %dma_wait3A_459 = tpu.memref_slice %arg6[%add3A_370, %dma_wait3A_450, %dma_wait3A_458] : memref<4608x10x256xf32, #tpu.memory_space<hbm>> -> memref<24x1x256xf32, #tpu.memory_space<hbm>>
    %dma_wait3A_460 = tpu.memref_squeeze %dma_wait3A_459 : memref<24x1x256xf32, #tpu.memory_space<hbm>> -> memref<24x256xf32, #tpu.memory_space<hbm>>
    %dma_wait3A_461 = arith.constant 0 : i32
    %dma_wait3A_462 = arith.constant 0 : i32
    %dma_wait3A_463 = tpu.memref_slice %arg12[%dma_wait3A_449, %dma_wait3A_461, %dma_wait3A_462] : memref<2x24x256xf32, #tpu.memory_space<vmem>> -> memref<1x24x256xf32, #tpu.memory_space<vmem>>
    %dma_wait3A_464 = tpu.memref_squeeze %dma_wait3A_463 : memref<1x24x256xf32, #tpu.memory_space<vmem>> -> memref<24x256xf32, #tpu.memory_space<vmem>>
    tpu.wait_dma2 semaphore(%arg17 : memref<!tpu.dma_semaphore, #tpu.memory_space<semaphore_mem>>) src(%dma_wait3A_464 : memref<24x256xf32, #tpu.memory_space<vmem>>) dst(%dma_wait3A_460 : memref<24x256xf32, #tpu.memory_space<hbm>>)
    %dma_wait3A_465 = arith.constant 1 : i32
    %dma_wait3A_466 = arith.constant 9 : i32
    %dma_wait3A_467 = arith.constant 0 : i32
    %dma_wait3A_468 = arith.constant 0 : i32
    %dma_wait3A_469 = tpu.memref_slice %arg12[%dma_wait3A_465, %dma_wait3A_467, %dma_wait3A_468] : memref<2x24x256xf32, #tpu.memory_space<vmem>> -> memref<1x24x256xf32, #tpu.memory_space<vmem>>
    %dma_wait3A_470 = tpu.memref_squeeze %dma_wait3A_469 : memref<1x24x256xf32, #tpu.memory_space<vmem>> -> memref<24x256xf32, #tpu.memory_space<vmem>>
    %dma_wait3A_471 = arith.constant 0 : i32
    %dma_wait3A_472 = tpu.memref_slice %arg6[%add3A_370, %dma_wait3A_466, %dma_wait3A_471] : memref<4608x10x256xf32, #tpu.memory_space<hbm>> -> memref<24x1x256xf32, #tpu.memory_space<hbm>>
    %dma_wait3A_473 = tpu.memref_squeeze %dma_wait3A_472 : memref<24x1x256xf32, #tpu.memory_space<hbm>> -> memref<24x256xf32, #tpu.memory_space<hbm>>
    %dma_wait3A_474 = arith.constant 0 : i32
    %dma_wait3A_475 = tpu.memref_slice %arg6[%add3A_370, %dma_wait3A_466, %dma_wait3A_474] : memref<4608x10x256xf32, #tpu.memory_space<hbm>> -> memref<24x1x256xf32, #tpu.memory_space<hbm>>
    %dma_wait3A_476 = tpu.memref_squeeze %dma_wait3A_475 : memref<24x1x256xf32, #tpu.memory_space<hbm>> -> memref<24x256xf32, #tpu.memory_space<hbm>>
    %dma_wait3A_477 = arith.constant 0 : i32
    %dma_wait3A_478 = arith.constant 0 : i32
    %dma_wait3A_479 = tpu.memref_slice %arg12[%dma_wait3A_465, %dma_wait3A_477, %dma_wait3A_478] : memref<2x24x256xf32, #tpu.memory_space<vmem>> -> memref<1x24x256xf32, #tpu.memory_space<vmem>>
    %dma_wait3A_480 = tpu.memref_squeeze %dma_wait3A_479 : memref<1x24x256xf32, #tpu.memory_space<vmem>> -> memref<24x256xf32, #tpu.memory_space<vmem>>
    tpu.wait_dma2 semaphore(%arg17 : memref<!tpu.dma_semaphore, #tpu.memory_space<semaphore_mem>>) src(%dma_wait3A_480 : memref<24x256xf32, #tpu.memory_space<vmem>>) dst(%dma_wait3A_476 : memref<24x256xf32, #tpu.memory_space<hbm>>)
    %add3A_481 = arith.constant 96 : i32
    %add3A_482 = arith.addi %mul3A_2, %add3A_481 : i32
    "tpu.region"() ({
      %run_scoped3A = tpu.sem_alloc : memref<!tpu.dma_semaphore, #tpu.memory_space<semaphore_mem>>
      %dma_start3A_889 = tpu.memref_slice %arg4[%add3A_482] : memref<4608xi32, #tpu.memory_space<hbm>> -> memref<24xi32, #tpu.memory_space<hbm>>
      %dma_start3A_890 = tpu.memref_slice %arg4[%add3A_482] : memref<4608xi32, #tpu.memory_space<hbm>> -> memref<24xi32, #tpu.memory_space<hbm>>
      tpu.enqueue_dma source(%dma_start3A_890 : memref<24xi32, #tpu.memory_space<hbm>>) target(%arg8 : memref<24xi32, #tpu.memory_space<vmem>>) target_semaphore(%run_scoped3A : memref<!tpu.dma_semaphore, #tpu.memory_space<semaphore_mem>>)
      %dma_wait3A_891 = tpu.memref_slice %arg4[%add3A_482] : memref<4608xi32, #tpu.memory_space<hbm>> -> memref<24xi32, #tpu.memory_space<hbm>>
      %dma_wait3A_892 = tpu.memref_slice %arg4[%add3A_482] : memref<4608xi32, #tpu.memory_space<hbm>> -> memref<24xi32, #tpu.memory_space<hbm>>
      tpu.wait_dma2 semaphore(%run_scoped3A : memref<!tpu.dma_semaphore, #tpu.memory_space<semaphore_mem>>) src(%dma_wait3A_892 : memref<24xi32, #tpu.memory_space<hbm>>) dst(%arg8 : memref<24xi32, #tpu.memory_space<vmem>>)
      tpu.yield
    }) : () -> ()
    %dma_start3A_483 = arith.constant 0 : i32
    %dma_start3A_484 = arith.constant 0 : i32
    %dma_start3A_485 = arith.constant 0 : i32
    %dma_start3A_486 = tpu.memref_slice %arg2[%dma_start3A_483, %dma_start3A_484, %dma_start3A_485] : memref<8192x10x256xf32, #tpu.memory_space<hbm>> -> memref<8192x8x256xf32, #tpu.memory_space<hbm>>
    %dma_start3A_487 = arith.constant 0 : i32
    %dma_start3A_488 = arith.constant 0 : i32
    %dma_start3A_489 = arith.constant 0 : i32
    %dma_start3A_490 = tpu.memref_slice %dma_start3A_486[%dma_start3A_487, %dma_start3A_488, %dma_start3A_489] : memref<8192x8x256xf32, #tpu.memory_space<hbm>> -> memref<8192x8x256xf32, #tpu.memory_space<hbm>>
    tpu.enqueue_indirect_dma source(%dma_start3A_490 : memref<8192x8x256xf32, #tpu.memory_space<hbm>>) target(%arg10 : memref<24x8x256xf32, #tpu.memory_space<vmem>>) offsets(%arg8 : memref<24xi32, #tpu.memory_space<vmem>>) semaphore(%arg15 : memref<!tpu.dma_semaphore, #tpu.memory_space<semaphore_mem>>)
    %dma_start3A_491 = arith.constant 8 : i32
    %dma_start3A_492 = arith.constant 0 : i32
    %dma_start3A_493 = arith.constant 0 : i32
    %dma_start3A_494 = arith.constant 0 : i32
    %dma_start3A_495 = tpu.memref_slice %arg12[%dma_start3A_492, %dma_start3A_493, %dma_start3A_494] : memref<2x24x256xf32, #tpu.memory_space<vmem>> -> memref<1x24x256xf32, #tpu.memory_space<vmem>>
    %dma_start3A_496 = tpu.memref_squeeze %dma_start3A_495 : memref<1x24x256xf32, #tpu.memory_space<vmem>> -> memref<24x256xf32, #tpu.memory_space<vmem>>
    %dma_start3A_497 = arith.constant 0 : i32
    %dma_start3A_498 = arith.constant 0 : i32
    %dma_start3A_499 = tpu.memref_slice %arg2[%dma_start3A_497, %dma_start3A_491, %dma_start3A_498] : memref<8192x10x256xf32, #tpu.memory_space<hbm>> -> memref<8192x1x256xf32, #tpu.memory_space<hbm>>
    %dma_start3A_500 = tpu.memref_squeeze %dma_start3A_499 : memref<8192x1x256xf32, #tpu.memory_space<hbm>> -> memref<8192x256xf32, #tpu.memory_space<hbm>>
    %dma_start3A_501 = arith.constant 0 : i32
    %dma_start3A_502 = arith.constant 0 : i32
    %dma_start3A_503 = tpu.memref_slice %dma_start3A_500[%dma_start3A_501, %dma_start3A_502] : memref<8192x256xf32, #tpu.memory_space<hbm>> -> memref<8192x256xf32, #tpu.memory_space<hbm>>
    tpu.enqueue_indirect_dma source(%dma_start3A_503 : memref<8192x256xf32, #tpu.memory_space<hbm>>) target(%dma_start3A_496 : memref<24x256xf32, #tpu.memory_space<vmem>>) offsets(%arg8 : memref<24xi32, #tpu.memory_space<vmem>>) semaphore(%arg15 : memref<!tpu.dma_semaphore, #tpu.memory_space<semaphore_mem>>)
    %dma_start3A_504 = arith.constant 1 : i32
    %dma_start3A_505 = arith.constant 0 : i32
    %dma_start3A_506 = arith.constant 0 : i32
    %dma_start3A_507 = tpu.memref_slice %arg12[%dma_start3A_504, %dma_start3A_505, %dma_start3A_506] : memref<2x24x256xf32, #tpu.memory_space<vmem>> -> memref<1x24x256xf32, #tpu.memory_space<vmem>>
    %dma_start3A_508 = tpu.memref_squeeze %dma_start3A_507 : memref<1x24x256xf32, #tpu.memory_space<vmem>> -> memref<24x256xf32, #tpu.memory_space<vmem>>
    %dma_start3A_509 = arith.constant 0 : i32
    %dma_start3A_510 = tpu.memref_slice %arg5[%add3A_482, %dma_start3A_509] : memref<4608x256xf32, #tpu.memory_space<hbm>> -> memref<24x256xf32, #tpu.memory_space<hbm>>
    %dma_start3A_511 = arith.constant 0 : i32
    %dma_start3A_512 = arith.constant 0 : i32
    %dma_start3A_513 = tpu.memref_slice %arg12[%dma_start3A_504, %dma_start3A_511, %dma_start3A_512] : memref<2x24x256xf32, #tpu.memory_space<vmem>> -> memref<1x24x256xf32, #tpu.memory_space<vmem>>
    %dma_start3A_514 = tpu.memref_squeeze %dma_start3A_513 : memref<1x24x256xf32, #tpu.memory_space<vmem>> -> memref<24x256xf32, #tpu.memory_space<vmem>>
    %dma_start3A_515 = arith.constant 0 : i32
    %dma_start3A_516 = tpu.memref_slice %arg5[%add3A_482, %dma_start3A_515] : memref<4608x256xf32, #tpu.memory_space<hbm>> -> memref<24x256xf32, #tpu.memory_space<hbm>>
    tpu.enqueue_dma source(%dma_start3A_516 : memref<24x256xf32, #tpu.memory_space<hbm>>) target(%dma_start3A_514 : memref<24x256xf32, #tpu.memory_space<vmem>>) target_semaphore(%arg15 : memref<!tpu.dma_semaphore, #tpu.memory_space<semaphore_mem>>)
    %add3A_517 = arith.constant 72 : i32
    %add3A_518 = arith.addi %mul3A_2, %add3A_517 : i32
    %dma_wait3A_519 = arith.constant 0 : i32
    %dma_wait3A_520 = arith.constant 0 : i32
    %dma_wait3A_521 = arith.constant 0 : i32
    %dma_wait3A_522 = tpu.memref_slice %arg2[%dma_wait3A_519, %dma_wait3A_520, %dma_wait3A_521] : memref<8192x10x256xf32, #tpu.memory_space<hbm>> -> memref<8192x8x256xf32, #tpu.memory_space<hbm>>
    %dma_wait3A_523 = arith.constant 0 : i32
    %dma_wait3A_524 = arith.constant 0 : i32
    %dma_wait3A_525 = arith.constant 0 : i32
    %dma_wait3A_526 = tpu.memref_slice %dma_wait3A_522[%dma_wait3A_523, %dma_wait3A_524, %dma_wait3A_525] : memref<8192x8x256xf32, #tpu.memory_space<hbm>> -> memref<8192x8x256xf32, #tpu.memory_space<hbm>>
    tpu.wait_indirect_dma semaphore(%arg16 : memref<!tpu.dma_semaphore, #tpu.memory_space<semaphore_mem>>) src(%dma_wait3A_526 : memref<8192x8x256xf32, #tpu.memory_space<hbm>>) dst(%arg11 : memref<24x8x256xf32, #tpu.memory_space<vmem>>)
    %dma_wait3A_527 = arith.constant 8 : i32
    %dma_wait3A_528 = arith.constant 0 : i32
    %dma_wait3A_529 = arith.constant 0 : i32
    %dma_wait3A_530 = arith.constant 0 : i32
    %dma_wait3A_531 = tpu.memref_slice %arg13[%dma_wait3A_528, %dma_wait3A_529, %dma_wait3A_530] : memref<2x24x256xf32, #tpu.memory_space<vmem>> -> memref<1x24x256xf32, #tpu.memory_space<vmem>>
    %dma_wait3A_532 = tpu.memref_squeeze %dma_wait3A_531 : memref<1x24x256xf32, #tpu.memory_space<vmem>> -> memref<24x256xf32, #tpu.memory_space<vmem>>
    %dma_wait3A_533 = arith.constant 0 : i32
    %dma_wait3A_534 = arith.constant 0 : i32
    %dma_wait3A_535 = tpu.memref_slice %arg2[%dma_wait3A_533, %dma_wait3A_527, %dma_wait3A_534] : memref<8192x10x256xf32, #tpu.memory_space<hbm>> -> memref<8192x1x256xf32, #tpu.memory_space<hbm>>
    %dma_wait3A_536 = tpu.memref_squeeze %dma_wait3A_535 : memref<8192x1x256xf32, #tpu.memory_space<hbm>> -> memref<8192x256xf32, #tpu.memory_space<hbm>>
    %dma_wait3A_537 = arith.constant 0 : i32
    %dma_wait3A_538 = arith.constant 0 : i32
    %dma_wait3A_539 = tpu.memref_slice %dma_wait3A_536[%dma_wait3A_537, %dma_wait3A_538] : memref<8192x256xf32, #tpu.memory_space<hbm>> -> memref<8192x256xf32, #tpu.memory_space<hbm>>
    tpu.wait_indirect_dma semaphore(%arg16 : memref<!tpu.dma_semaphore, #tpu.memory_space<semaphore_mem>>) src(%dma_wait3A_539 : memref<8192x256xf32, #tpu.memory_space<hbm>>) dst(%dma_wait3A_532 : memref<24x256xf32, #tpu.memory_space<vmem>>)
    %dma_wait3A_540 = arith.constant 1 : i32
    %dma_wait3A_541 = arith.constant 0 : i32
    %dma_wait3A_542 = arith.constant 0 : i32
    %dma_wait3A_543 = tpu.memref_slice %arg13[%dma_wait3A_540, %dma_wait3A_541, %dma_wait3A_542] : memref<2x24x256xf32, #tpu.memory_space<vmem>> -> memref<1x24x256xf32, #tpu.memory_space<vmem>>
    %dma_wait3A_544 = tpu.memref_squeeze %dma_wait3A_543 : memref<1x24x256xf32, #tpu.memory_space<vmem>> -> memref<24x256xf32, #tpu.memory_space<vmem>>
    %dma_wait3A_545 = arith.constant 0 : i32
    %dma_wait3A_546 = tpu.memref_slice %arg5[%add3A_334, %dma_wait3A_545] : memref<4608x256xf32, #tpu.memory_space<hbm>> -> memref<24x256xf32, #tpu.memory_space<hbm>>
    %dma_wait3A_547 = arith.constant 0 : i32
    %dma_wait3A_548 = arith.constant 0 : i32
    %dma_wait3A_549 = tpu.memref_slice %arg13[%dma_wait3A_540, %dma_wait3A_547, %dma_wait3A_548] : memref<2x24x256xf32, #tpu.memory_space<vmem>> -> memref<1x24x256xf32, #tpu.memory_space<vmem>>
    %dma_wait3A_550 = tpu.memref_squeeze %dma_wait3A_549 : memref<1x24x256xf32, #tpu.memory_space<vmem>> -> memref<24x256xf32, #tpu.memory_space<vmem>>
    %dma_wait3A_551 = arith.constant 0 : i32
    %dma_wait3A_552 = tpu.memref_slice %arg5[%add3A_334, %dma_wait3A_551] : memref<4608x256xf32, #tpu.memory_space<hbm>> -> memref<24x256xf32, #tpu.memory_space<hbm>>
    tpu.wait_dma2 semaphore(%arg16 : memref<!tpu.dma_semaphore, #tpu.memory_space<semaphore_mem>>) src(%dma_wait3A_552 : memref<24x256xf32, #tpu.memory_space<hbm>>) dst(%dma_wait3A_550 : memref<24x256xf32, #tpu.memory_space<vmem>>)
    %dma_start3A_553 = arith.constant 0 : i32
    %dma_start3A_554 = arith.constant 0 : i32
    %dma_start3A_555 = tpu.memref_slice %arg6[%add3A_518, %dma_start3A_553, %dma_start3A_554] : memref<4608x10x256xf32, #tpu.memory_space<hbm>> -> memref<24x8x256xf32, #tpu.memory_space<hbm>>
    %dma_start3A_556 = arith.constant 0 : i32
    %dma_start3A_557 = arith.constant 0 : i32
    %dma_start3A_558 = tpu.memref_slice %arg6[%add3A_518, %dma_start3A_556, %dma_start3A_557] : memref<4608x10x256xf32, #tpu.memory_space<hbm>> -> memref<24x8x256xf32, #tpu.memory_space<hbm>>
    tpu.enqueue_dma source(%arg11 : memref<24x8x256xf32, #tpu.memory_space<vmem>>) target(%dma_start3A_558 : memref<24x8x256xf32, #tpu.memory_space<hbm>>) target_semaphore(%arg18 : memref<!tpu.dma_semaphore, #tpu.memory_space<semaphore_mem>>)
    %dma_start3A_559 = arith.constant 0 : i32
    %dma_start3A_560 = arith.constant 8 : i32
    %dma_start3A_561 = arith.constant 0 : i32
    %dma_start3A_562 = arith.constant 0 : i32
    %dma_start3A_563 = tpu.memref_slice %arg13[%dma_start3A_559, %dma_start3A_561, %dma_start3A_562] : memref<2x24x256xf32, #tpu.memory_space<vmem>> -> memref<1x24x256xf32, #tpu.memory_space<vmem>>
    %dma_start3A_564 = tpu.memref_squeeze %dma_start3A_563 : memref<1x24x256xf32, #tpu.memory_space<vmem>> -> memref<24x256xf32, #tpu.memory_space<vmem>>
    %dma_start3A_565 = arith.constant 0 : i32
    %dma_start3A_566 = tpu.memref_slice %arg6[%add3A_518, %dma_start3A_560, %dma_start3A_565] : memref<4608x10x256xf32, #tpu.memory_space<hbm>> -> memref<24x1x256xf32, #tpu.memory_space<hbm>>
    %dma_start3A_567 = tpu.memref_squeeze %dma_start3A_566 : memref<24x1x256xf32, #tpu.memory_space<hbm>> -> memref<24x256xf32, #tpu.memory_space<hbm>>
    %dma_start3A_568 = arith.constant 0 : i32
    %dma_start3A_569 = tpu.memref_slice %arg6[%add3A_518, %dma_start3A_560, %dma_start3A_568] : memref<4608x10x256xf32, #tpu.memory_space<hbm>> -> memref<24x1x256xf32, #tpu.memory_space<hbm>>
    %dma_start3A_570 = tpu.memref_squeeze %dma_start3A_569 : memref<24x1x256xf32, #tpu.memory_space<hbm>> -> memref<24x256xf32, #tpu.memory_space<hbm>>
    %dma_start3A_571 = arith.constant 0 : i32
    %dma_start3A_572 = arith.constant 0 : i32
    %dma_start3A_573 = tpu.memref_slice %arg13[%dma_start3A_559, %dma_start3A_571, %dma_start3A_572] : memref<2x24x256xf32, #tpu.memory_space<vmem>> -> memref<1x24x256xf32, #tpu.memory_space<vmem>>
    %dma_start3A_574 = tpu.memref_squeeze %dma_start3A_573 : memref<1x24x256xf32, #tpu.memory_space<vmem>> -> memref<24x256xf32, #tpu.memory_space<vmem>>
    tpu.enqueue_dma source(%dma_start3A_574 : memref<24x256xf32, #tpu.memory_space<vmem>>) target(%dma_start3A_570 : memref<24x256xf32, #tpu.memory_space<hbm>>) target_semaphore(%arg18 : memref<!tpu.dma_semaphore, #tpu.memory_space<semaphore_mem>>)
    %dma_start3A_575 = arith.constant 1 : i32
    %dma_start3A_576 = arith.constant 9 : i32
    %dma_start3A_577 = arith.constant 0 : i32
    %dma_start3A_578 = arith.constant 0 : i32
    %dma_start3A_579 = tpu.memref_slice %arg13[%dma_start3A_575, %dma_start3A_577, %dma_start3A_578] : memref<2x24x256xf32, #tpu.memory_space<vmem>> -> memref<1x24x256xf32, #tpu.memory_space<vmem>>
    %dma_start3A_580 = tpu.memref_squeeze %dma_start3A_579 : memref<1x24x256xf32, #tpu.memory_space<vmem>> -> memref<24x256xf32, #tpu.memory_space<vmem>>
    %dma_start3A_581 = arith.constant 0 : i32
    %dma_start3A_582 = tpu.memref_slice %arg6[%add3A_518, %dma_start3A_576, %dma_start3A_581] : memref<4608x10x256xf32, #tpu.memory_space<hbm>> -> memref<24x1x256xf32, #tpu.memory_space<hbm>>
    %dma_start3A_583 = tpu.memref_squeeze %dma_start3A_582 : memref<24x1x256xf32, #tpu.memory_space<hbm>> -> memref<24x256xf32, #tpu.memory_space<hbm>>
    %dma_start3A_584 = arith.constant 0 : i32
    %dma_start3A_585 = tpu.memref_slice %arg6[%add3A_518, %dma_start3A_576, %dma_start3A_584] : memref<4608x10x256xf32, #tpu.memory_space<hbm>> -> memref<24x1x256xf32, #tpu.memory_space<hbm>>
    %dma_start3A_586 = tpu.memref_squeeze %dma_start3A_585 : memref<24x1x256xf32, #tpu.memory_space<hbm>> -> memref<24x256xf32, #tpu.memory_space<hbm>>
    %dma_start3A_587 = arith.constant 0 : i32
    %dma_start3A_588 = arith.constant 0 : i32
    %dma_start3A_589 = tpu.memref_slice %arg13[%dma_start3A_575, %dma_start3A_587, %dma_start3A_588] : memref<2x24x256xf32, #tpu.memory_space<vmem>> -> memref<1x24x256xf32, #tpu.memory_space<vmem>>
    %dma_start3A_590 = tpu.memref_squeeze %dma_start3A_589 : memref<1x24x256xf32, #tpu.memory_space<vmem>> -> memref<24x256xf32, #tpu.memory_space<vmem>>
    tpu.enqueue_dma source(%dma_start3A_590 : memref<24x256xf32, #tpu.memory_space<vmem>>) target(%dma_start3A_586 : memref<24x256xf32, #tpu.memory_space<hbm>>) target_semaphore(%arg18 : memref<!tpu.dma_semaphore, #tpu.memory_space<semaphore_mem>>)
    "tpu.region"() ({
      %run_scoped3A = tpu.sem_alloc : memref<!tpu.dma_semaphore, #tpu.memory_space<semaphore_mem>>
      %dma_start3A_889 = arith.constant 0 : i32
      %dma_start3A_890 = arith.constant 0 : i32
      %dma_start3A_891 = tpu.memref_slice %arg3[%dma_start3A_889, %dma_start3A_890] : memref<8192x256xf32, #tpu.memory_space<hbm>> -> memref<8192x256xf32, #tpu.memory_space<hbm>>
      tpu.enqueue_indirect_dma source(%dma_start3A_891 : memref<8192x256xf32, #tpu.memory_space<hbm>>) target(%arg14 : memref<24x256xf32, #tpu.memory_space<vmem>>) offsets(%arg9 : memref<24xi32, #tpu.memory_space<vmem>>) semaphore(%run_scoped3A : memref<!tpu.dma_semaphore, #tpu.memory_space<semaphore_mem>>)
      %dma_wait3A_892 = arith.constant 0 : i32
      %dma_wait3A_893 = arith.constant 0 : i32
      %dma_wait3A_894 = tpu.memref_slice %arg3[%dma_wait3A_892, %dma_wait3A_893] : memref<8192x256xf32, #tpu.memory_space<hbm>> -> memref<8192x256xf32, #tpu.memory_space<hbm>>
      tpu.wait_indirect_dma semaphore(%run_scoped3A : memref<!tpu.dma_semaphore, #tpu.memory_space<semaphore_mem>>) src(%dma_wait3A_894 : memref<8192x256xf32, #tpu.memory_space<hbm>>) dst(%arg14 : memref<24x256xf32, #tpu.memory_space<vmem>>)
      tpu.yield
    }) : () -> ()
    "tpu.region"() ({
      %run_scoped3A = tpu.sem_alloc : memref<!tpu.dma_semaphore, #tpu.memory_space<semaphore_mem>>
      %dma_start3A_889 = arith.constant 0 : i32
      %dma_start3A_890 = tpu.memref_slice %arg7[%add3A_518, %dma_start3A_889] : memref<4608x256xf32, #tpu.memory_space<hbm>> -> memref<24x256xf32, #tpu.memory_space<hbm>>
      %dma_start3A_891 = arith.constant 0 : i32
      %dma_start3A_892 = tpu.memref_slice %arg7[%add3A_518, %dma_start3A_891] : memref<4608x256xf32, #tpu.memory_space<hbm>> -> memref<24x256xf32, #tpu.memory_space<hbm>>
      tpu.enqueue_dma source(%arg14 : memref<24x256xf32, #tpu.memory_space<vmem>>) target(%dma_start3A_892 : memref<24x256xf32, #tpu.memory_space<hbm>>) target_semaphore(%run_scoped3A : memref<!tpu.dma_semaphore, #tpu.memory_space<semaphore_mem>>)
      %dma_wait3A_893 = arith.constant 0 : i32
      %dma_wait3A_894 = tpu.memref_slice %arg7[%add3A_518, %dma_wait3A_893] : memref<4608x256xf32, #tpu.memory_space<hbm>> -> memref<24x256xf32, #tpu.memory_space<hbm>>
      %dma_wait3A_895 = arith.constant 0 : i32
      %dma_wait3A_896 = tpu.memref_slice %arg7[%add3A_518, %dma_wait3A_895] : memref<4608x256xf32, #tpu.memory_space<hbm>> -> memref<24x256xf32, #tpu.memory_space<hbm>>
      tpu.wait_dma2 semaphore(%run_scoped3A : memref<!tpu.dma_semaphore, #tpu.memory_space<semaphore_mem>>) src(%arg14 : memref<24x256xf32, #tpu.memory_space<vmem>>) dst(%dma_wait3A_896 : memref<24x256xf32, #tpu.memory_space<hbm>>)
      tpu.yield
    }) : () -> ()
    %dma_wait3A_591 = arith.constant 0 : i32
    %dma_wait3A_592 = arith.constant 0 : i32
    %dma_wait3A_593 = tpu.memref_slice %arg6[%add3A_518, %dma_wait3A_591, %dma_wait3A_592] : memref<4608x10x256xf32, #tpu.memory_space<hbm>> -> memref<24x8x256xf32, #tpu.memory_space<hbm>>
    %dma_wait3A_594 = arith.constant 0 : i32
    %dma_wait3A_595 = arith.constant 0 : i32
    %dma_wait3A_596 = tpu.memref_slice %arg6[%add3A_518, %dma_wait3A_594, %dma_wait3A_595] : memref<4608x10x256xf32, #tpu.memory_space<hbm>> -> memref<24x8x256xf32, #tpu.memory_space<hbm>>
    tpu.wait_dma2 semaphore(%arg18 : memref<!tpu.dma_semaphore, #tpu.memory_space<semaphore_mem>>) src(%arg11 : memref<24x8x256xf32, #tpu.memory_space<vmem>>) dst(%dma_wait3A_596 : memref<24x8x256xf32, #tpu.memory_space<hbm>>)
    %dma_wait3A_597 = arith.constant 0 : i32
    %dma_wait3A_598 = arith.constant 8 : i32
    %dma_wait3A_599 = arith.constant 0 : i32
    %dma_wait3A_600 = arith.constant 0 : i32
    %dma_wait3A_601 = tpu.memref_slice %arg13[%dma_wait3A_597, %dma_wait3A_599, %dma_wait3A_600] : memref<2x24x256xf32, #tpu.memory_space<vmem>> -> memref<1x24x256xf32, #tpu.memory_space<vmem>>
    %dma_wait3A_602 = tpu.memref_squeeze %dma_wait3A_601 : memref<1x24x256xf32, #tpu.memory_space<vmem>> -> memref<24x256xf32, #tpu.memory_space<vmem>>
    %dma_wait3A_603 = arith.constant 0 : i32
    %dma_wait3A_604 = tpu.memref_slice %arg6[%add3A_518, %dma_wait3A_598, %dma_wait3A_603] : memref<4608x10x256xf32, #tpu.memory_space<hbm>> -> memref<24x1x256xf32, #tpu.memory_space<hbm>>
    %dma_wait3A_605 = tpu.memref_squeeze %dma_wait3A_604 : memref<24x1x256xf32, #tpu.memory_space<hbm>> -> memref<24x256xf32, #tpu.memory_space<hbm>>
    %dma_wait3A_606 = arith.constant 0 : i32
    %dma_wait3A_607 = tpu.memref_slice %arg6[%add3A_518, %dma_wait3A_598, %dma_wait3A_606] : memref<4608x10x256xf32, #tpu.memory_space<hbm>> -> memref<24x1x256xf32, #tpu.memory_space<hbm>>
    %dma_wait3A_608 = tpu.memref_squeeze %dma_wait3A_607 : memref<24x1x256xf32, #tpu.memory_space<hbm>> -> memref<24x256xf32, #tpu.memory_space<hbm>>
    %dma_wait3A_609 = arith.constant 0 : i32
    %dma_wait3A_610 = arith.constant 0 : i32
    %dma_wait3A_611 = tpu.memref_slice %arg13[%dma_wait3A_597, %dma_wait3A_609, %dma_wait3A_610] : memref<2x24x256xf32, #tpu.memory_space<vmem>> -> memref<1x24x256xf32, #tpu.memory_space<vmem>>
    %dma_wait3A_612 = tpu.memref_squeeze %dma_wait3A_611 : memref<1x24x256xf32, #tpu.memory_space<vmem>> -> memref<24x256xf32, #tpu.memory_space<vmem>>
    tpu.wait_dma2 semaphore(%arg18 : memref<!tpu.dma_semaphore, #tpu.memory_space<semaphore_mem>>) src(%dma_wait3A_612 : memref<24x256xf32, #tpu.memory_space<vmem>>) dst(%dma_wait3A_608 : memref<24x256xf32, #tpu.memory_space<hbm>>)
    %dma_wait3A_613 = arith.constant 1 : i32
    %dma_wait3A_614 = arith.constant 9 : i32
    %dma_wait3A_615 = arith.constant 0 : i32
    %dma_wait3A_616 = arith.constant 0 : i32
    %dma_wait3A_617 = tpu.memref_slice %arg13[%dma_wait3A_613, %dma_wait3A_615, %dma_wait3A_616] : memref<2x24x256xf32, #tpu.memory_space<vmem>> -> memref<1x24x256xf32, #tpu.memory_space<vmem>>
    %dma_wait3A_618 = tpu.memref_squeeze %dma_wait3A_617 : memref<1x24x256xf32, #tpu.memory_space<vmem>> -> memref<24x256xf32, #tpu.memory_space<vmem>>
    %dma_wait3A_619 = arith.constant 0 : i32
    %dma_wait3A_620 = tpu.memref_slice %arg6[%add3A_518, %dma_wait3A_614, %dma_wait3A_619] : memref<4608x10x256xf32, #tpu.memory_space<hbm>> -> memref<24x1x256xf32, #tpu.memory_space<hbm>>
    %dma_wait3A_621 = tpu.memref_squeeze %dma_wait3A_620 : memref<24x1x256xf32, #tpu.memory_space<hbm>> -> memref<24x256xf32, #tpu.memory_space<hbm>>
    %dma_wait3A_622 = arith.constant 0 : i32
    %dma_wait3A_623 = tpu.memref_slice %arg6[%add3A_518, %dma_wait3A_614, %dma_wait3A_622] : memref<4608x10x256xf32, #tpu.memory_space<hbm>> -> memref<24x1x256xf32, #tpu.memory_space<hbm>>
    %dma_wait3A_624 = tpu.memref_squeeze %dma_wait3A_623 : memref<24x1x256xf32, #tpu.memory_space<hbm>> -> memref<24x256xf32, #tpu.memory_space<hbm>>
    %dma_wait3A_625 = arith.constant 0 : i32
    %dma_wait3A_626 = arith.constant 0 : i32
    %dma_wait3A_627 = tpu.memref_slice %arg13[%dma_wait3A_613, %dma_wait3A_625, %dma_wait3A_626] : memref<2x24x256xf32, #tpu.memory_space<vmem>> -> memref<1x24x256xf32, #tpu.memory_space<vmem>>
    %dma_wait3A_628 = tpu.memref_squeeze %dma_wait3A_627 : memref<1x24x256xf32, #tpu.memory_space<vmem>> -> memref<24x256xf32, #tpu.memory_space<vmem>>
    tpu.wait_dma2 semaphore(%arg18 : memref<!tpu.dma_semaphore, #tpu.memory_space<semaphore_mem>>) src(%dma_wait3A_628 : memref<24x256xf32, #tpu.memory_space<vmem>>) dst(%dma_wait3A_624 : memref<24x256xf32, #tpu.memory_space<hbm>>)
    %add3A_629 = arith.constant 120 : i32
    %add3A_630 = arith.addi %mul3A_2, %add3A_629 : i32
    "tpu.region"() ({
      %run_scoped3A = tpu.sem_alloc : memref<!tpu.dma_semaphore, #tpu.memory_space<semaphore_mem>>
      %dma_start3A_889 = tpu.memref_slice %arg4[%add3A_630] : memref<4608xi32, #tpu.memory_space<hbm>> -> memref<24xi32, #tpu.memory_space<hbm>>
      %dma_start3A_890 = tpu.memref_slice %arg4[%add3A_630] : memref<4608xi32, #tpu.memory_space<hbm>> -> memref<24xi32, #tpu.memory_space<hbm>>
      tpu.enqueue_dma source(%dma_start3A_890 : memref<24xi32, #tpu.memory_space<hbm>>) target(%arg9 : memref<24xi32, #tpu.memory_space<vmem>>) target_semaphore(%run_scoped3A : memref<!tpu.dma_semaphore, #tpu.memory_space<semaphore_mem>>)
      %dma_wait3A_891 = tpu.memref_slice %arg4[%add3A_630] : memref<4608xi32, #tpu.memory_space<hbm>> -> memref<24xi32, #tpu.memory_space<hbm>>
      %dma_wait3A_892 = tpu.memref_slice %arg4[%add3A_630] : memref<4608xi32, #tpu.memory_space<hbm>> -> memref<24xi32, #tpu.memory_space<hbm>>
      tpu.wait_dma2 semaphore(%run_scoped3A : memref<!tpu.dma_semaphore, #tpu.memory_space<semaphore_mem>>) src(%dma_wait3A_892 : memref<24xi32, #tpu.memory_space<hbm>>) dst(%arg9 : memref<24xi32, #tpu.memory_space<vmem>>)
      tpu.yield
    }) : () -> ()
    %dma_start3A_631 = arith.constant 0 : i32
    %dma_start3A_632 = arith.constant 0 : i32
    %dma_start3A_633 = arith.constant 0 : i32
    %dma_start3A_634 = tpu.memref_slice %arg2[%dma_start3A_631, %dma_start3A_632, %dma_start3A_633] : memref<8192x10x256xf32, #tpu.memory_space<hbm>> -> memref<8192x8x256xf32, #tpu.memory_space<hbm>>
    %dma_start3A_635 = arith.constant 0 : i32
    %dma_start3A_636 = arith.constant 0 : i32
    %dma_start3A_637 = arith.constant 0 : i32
    %dma_start3A_638 = tpu.memref_slice %dma_start3A_634[%dma_start3A_635, %dma_start3A_636, %dma_start3A_637] : memref<8192x8x256xf32, #tpu.memory_space<hbm>> -> memref<8192x8x256xf32, #tpu.memory_space<hbm>>
    tpu.enqueue_indirect_dma source(%dma_start3A_638 : memref<8192x8x256xf32, #tpu.memory_space<hbm>>) target(%arg11 : memref<24x8x256xf32, #tpu.memory_space<vmem>>) offsets(%arg9 : memref<24xi32, #tpu.memory_space<vmem>>) semaphore(%arg16 : memref<!tpu.dma_semaphore, #tpu.memory_space<semaphore_mem>>)
    %dma_start3A_639 = arith.constant 8 : i32
    %dma_start3A_640 = arith.constant 0 : i32
    %dma_start3A_641 = arith.constant 0 : i32
    %dma_start3A_642 = arith.constant 0 : i32
    %dma_start3A_643 = tpu.memref_slice %arg13[%dma_start3A_640, %dma_start3A_641, %dma_start3A_642] : memref<2x24x256xf32, #tpu.memory_space<vmem>> -> memref<1x24x256xf32, #tpu.memory_space<vmem>>
    %dma_start3A_644 = tpu.memref_squeeze %dma_start3A_643 : memref<1x24x256xf32, #tpu.memory_space<vmem>> -> memref<24x256xf32, #tpu.memory_space<vmem>>
    %dma_start3A_645 = arith.constant 0 : i32
    %dma_start3A_646 = arith.constant 0 : i32
    %dma_start3A_647 = tpu.memref_slice %arg2[%dma_start3A_645, %dma_start3A_639, %dma_start3A_646] : memref<8192x10x256xf32, #tpu.memory_space<hbm>> -> memref<8192x1x256xf32, #tpu.memory_space<hbm>>
    %dma_start3A_648 = tpu.memref_squeeze %dma_start3A_647 : memref<8192x1x256xf32, #tpu.memory_space<hbm>> -> memref<8192x256xf32, #tpu.memory_space<hbm>>
    %dma_start3A_649 = arith.constant 0 : i32
    %dma_start3A_650 = arith.constant 0 : i32
    %dma_start3A_651 = tpu.memref_slice %dma_start3A_648[%dma_start3A_649, %dma_start3A_650] : memref<8192x256xf32, #tpu.memory_space<hbm>> -> memref<8192x256xf32, #tpu.memory_space<hbm>>
    tpu.enqueue_indirect_dma source(%dma_start3A_651 : memref<8192x256xf32, #tpu.memory_space<hbm>>) target(%dma_start3A_644 : memref<24x256xf32, #tpu.memory_space<vmem>>) offsets(%arg9 : memref<24xi32, #tpu.memory_space<vmem>>) semaphore(%arg16 : memref<!tpu.dma_semaphore, #tpu.memory_space<semaphore_mem>>)
    %dma_start3A_652 = arith.constant 1 : i32
    %dma_start3A_653 = arith.constant 0 : i32
    %dma_start3A_654 = arith.constant 0 : i32
    %dma_start3A_655 = tpu.memref_slice %arg13[%dma_start3A_652, %dma_start3A_653, %dma_start3A_654] : memref<2x24x256xf32, #tpu.memory_space<vmem>> -> memref<1x24x256xf32, #tpu.memory_space<vmem>>
    %dma_start3A_656 = tpu.memref_squeeze %dma_start3A_655 : memref<1x24x256xf32, #tpu.memory_space<vmem>> -> memref<24x256xf32, #tpu.memory_space<vmem>>
    %dma_start3A_657 = arith.constant 0 : i32
    %dma_start3A_658 = tpu.memref_slice %arg5[%add3A_630, %dma_start3A_657] : memref<4608x256xf32, #tpu.memory_space<hbm>> -> memref<24x256xf32, #tpu.memory_space<hbm>>
    %dma_start3A_659 = arith.constant 0 : i32
    %dma_start3A_660 = arith.constant 0 : i32
    %dma_start3A_661 = tpu.memref_slice %arg13[%dma_start3A_652, %dma_start3A_659, %dma_start3A_660] : memref<2x24x256xf32, #tpu.memory_space<vmem>> -> memref<1x24x256xf32, #tpu.memory_space<vmem>>
    %dma_start3A_662 = tpu.memref_squeeze %dma_start3A_661 : memref<1x24x256xf32, #tpu.memory_space<vmem>> -> memref<24x256xf32, #tpu.memory_space<vmem>>
    %dma_start3A_663 = arith.constant 0 : i32
    %dma_start3A_664 = tpu.memref_slice %arg5[%add3A_630, %dma_start3A_663] : memref<4608x256xf32, #tpu.memory_space<hbm>> -> memref<24x256xf32, #tpu.memory_space<hbm>>
    tpu.enqueue_dma source(%dma_start3A_664 : memref<24x256xf32, #tpu.memory_space<hbm>>) target(%dma_start3A_662 : memref<24x256xf32, #tpu.memory_space<vmem>>) target_semaphore(%arg16 : memref<!tpu.dma_semaphore, #tpu.memory_space<semaphore_mem>>)
    %add3A_665 = arith.constant 96 : i32
    %add3A_666 = arith.addi %mul3A_2, %add3A_665 : i32
    %dma_wait3A_667 = arith.constant 0 : i32
    %dma_wait3A_668 = arith.constant 0 : i32
    %dma_wait3A_669 = arith.constant 0 : i32
    %dma_wait3A_670 = tpu.memref_slice %arg2[%dma_wait3A_667, %dma_wait3A_668, %dma_wait3A_669] : memref<8192x10x256xf32, #tpu.memory_space<hbm>> -> memref<8192x8x256xf32, #tpu.memory_space<hbm>>
    %dma_wait3A_671 = arith.constant 0 : i32
    %dma_wait3A_672 = arith.constant 0 : i32
    %dma_wait3A_673 = arith.constant 0 : i32
    %dma_wait3A_674 = tpu.memref_slice %dma_wait3A_670[%dma_wait3A_671, %dma_wait3A_672, %dma_wait3A_673] : memref<8192x8x256xf32, #tpu.memory_space<hbm>> -> memref<8192x8x256xf32, #tpu.memory_space<hbm>>
    tpu.wait_indirect_dma semaphore(%arg15 : memref<!tpu.dma_semaphore, #tpu.memory_space<semaphore_mem>>) src(%dma_wait3A_674 : memref<8192x8x256xf32, #tpu.memory_space<hbm>>) dst(%arg10 : memref<24x8x256xf32, #tpu.memory_space<vmem>>)
    %dma_wait3A_675 = arith.constant 8 : i32
    %dma_wait3A_676 = arith.constant 0 : i32
    %dma_wait3A_677 = arith.constant 0 : i32
    %dma_wait3A_678 = arith.constant 0 : i32
    %dma_wait3A_679 = tpu.memref_slice %arg12[%dma_wait3A_676, %dma_wait3A_677, %dma_wait3A_678] : memref<2x24x256xf32, #tpu.memory_space<vmem>> -> memref<1x24x256xf32, #tpu.memory_space<vmem>>
    %dma_wait3A_680 = tpu.memref_squeeze %dma_wait3A_679 : memref<1x24x256xf32, #tpu.memory_space<vmem>> -> memref<24x256xf32, #tpu.memory_space<vmem>>
    %dma_wait3A_681 = arith.constant 0 : i32
    %dma_wait3A_682 = arith.constant 0 : i32
    %dma_wait3A_683 = tpu.memref_slice %arg2[%dma_wait3A_681, %dma_wait3A_675, %dma_wait3A_682] : memref<8192x10x256xf32, #tpu.memory_space<hbm>> -> memref<8192x1x256xf32, #tpu.memory_space<hbm>>
    %dma_wait3A_684 = tpu.memref_squeeze %dma_wait3A_683 : memref<8192x1x256xf32, #tpu.memory_space<hbm>> -> memref<8192x256xf32, #tpu.memory_space<hbm>>
    %dma_wait3A_685 = arith.constant 0 : i32
    %dma_wait3A_686 = arith.constant 0 : i32
    %dma_wait3A_687 = tpu.memref_slice %dma_wait3A_684[%dma_wait3A_685, %dma_wait3A_686] : memref<8192x256xf32, #tpu.memory_space<hbm>> -> memref<8192x256xf32, #tpu.memory_space<hbm>>
    tpu.wait_indirect_dma semaphore(%arg15 : memref<!tpu.dma_semaphore, #tpu.memory_space<semaphore_mem>>) src(%dma_wait3A_687 : memref<8192x256xf32, #tpu.memory_space<hbm>>) dst(%dma_wait3A_680 : memref<24x256xf32, #tpu.memory_space<vmem>>)
    %dma_wait3A_688 = arith.constant 1 : i32
    %dma_wait3A_689 = arith.constant 0 : i32
    %dma_wait3A_690 = arith.constant 0 : i32
    %dma_wait3A_691 = tpu.memref_slice %arg12[%dma_wait3A_688, %dma_wait3A_689, %dma_wait3A_690] : memref<2x24x256xf32, #tpu.memory_space<vmem>> -> memref<1x24x256xf32, #tpu.memory_space<vmem>>
    %dma_wait3A_692 = tpu.memref_squeeze %dma_wait3A_691 : memref<1x24x256xf32, #tpu.memory_space<vmem>> -> memref<24x256xf32, #tpu.memory_space<vmem>>
    %dma_wait3A_693 = arith.constant 0 : i32
    %dma_wait3A_694 = tpu.memref_slice %arg5[%add3A_482, %dma_wait3A_693] : memref<4608x256xf32, #tpu.memory_space<hbm>> -> memref<24x256xf32, #tpu.memory_space<hbm>>
    %dma_wait3A_695 = arith.constant 0 : i32
    %dma_wait3A_696 = arith.constant 0 : i32
    %dma_wait3A_697 = tpu.memref_slice %arg12[%dma_wait3A_688, %dma_wait3A_695, %dma_wait3A_696] : memref<2x24x256xf32, #tpu.memory_space<vmem>> -> memref<1x24x256xf32, #tpu.memory_space<vmem>>
    %dma_wait3A_698 = tpu.memref_squeeze %dma_wait3A_697 : memref<1x24x256xf32, #tpu.memory_space<vmem>> -> memref<24x256xf32, #tpu.memory_space<vmem>>
    %dma_wait3A_699 = arith.constant 0 : i32
    %dma_wait3A_700 = tpu.memref_slice %arg5[%add3A_482, %dma_wait3A_699] : memref<4608x256xf32, #tpu.memory_space<hbm>> -> memref<24x256xf32, #tpu.memory_space<hbm>>
    tpu.wait_dma2 semaphore(%arg15 : memref<!tpu.dma_semaphore, #tpu.memory_space<semaphore_mem>>) src(%dma_wait3A_700 : memref<24x256xf32, #tpu.memory_space<hbm>>) dst(%dma_wait3A_698 : memref<24x256xf32, #tpu.memory_space<vmem>>)
    %dma_start3A_701 = arith.constant 0 : i32
    %dma_start3A_702 = arith.constant 0 : i32
    %dma_start3A_703 = tpu.memref_slice %arg6[%add3A_666, %dma_start3A_701, %dma_start3A_702] : memref<4608x10x256xf32, #tpu.memory_space<hbm>> -> memref<24x8x256xf32, #tpu.memory_space<hbm>>
    %dma_start3A_704 = arith.constant 0 : i32
    %dma_start3A_705 = arith.constant 0 : i32
    %dma_start3A_706 = tpu.memref_slice %arg6[%add3A_666, %dma_start3A_704, %dma_start3A_705] : memref<4608x10x256xf32, #tpu.memory_space<hbm>> -> memref<24x8x256xf32, #tpu.memory_space<hbm>>
    tpu.enqueue_dma source(%arg10 : memref<24x8x256xf32, #tpu.memory_space<vmem>>) target(%dma_start3A_706 : memref<24x8x256xf32, #tpu.memory_space<hbm>>) target_semaphore(%arg17 : memref<!tpu.dma_semaphore, #tpu.memory_space<semaphore_mem>>)
    %dma_start3A_707 = arith.constant 0 : i32
    %dma_start3A_708 = arith.constant 8 : i32
    %dma_start3A_709 = arith.constant 0 : i32
    %dma_start3A_710 = arith.constant 0 : i32
    %dma_start3A_711 = tpu.memref_slice %arg12[%dma_start3A_707, %dma_start3A_709, %dma_start3A_710] : memref<2x24x256xf32, #tpu.memory_space<vmem>> -> memref<1x24x256xf32, #tpu.memory_space<vmem>>
    %dma_start3A_712 = tpu.memref_squeeze %dma_start3A_711 : memref<1x24x256xf32, #tpu.memory_space<vmem>> -> memref<24x256xf32, #tpu.memory_space<vmem>>
    %dma_start3A_713 = arith.constant 0 : i32
    %dma_start3A_714 = tpu.memref_slice %arg6[%add3A_666, %dma_start3A_708, %dma_start3A_713] : memref<4608x10x256xf32, #tpu.memory_space<hbm>> -> memref<24x1x256xf32, #tpu.memory_space<hbm>>
    %dma_start3A_715 = tpu.memref_squeeze %dma_start3A_714 : memref<24x1x256xf32, #tpu.memory_space<hbm>> -> memref<24x256xf32, #tpu.memory_space<hbm>>
    %dma_start3A_716 = arith.constant 0 : i32
    %dma_start3A_717 = tpu.memref_slice %arg6[%add3A_666, %dma_start3A_708, %dma_start3A_716] : memref<4608x10x256xf32, #tpu.memory_space<hbm>> -> memref<24x1x256xf32, #tpu.memory_space<hbm>>
    %dma_start3A_718 = tpu.memref_squeeze %dma_start3A_717 : memref<24x1x256xf32, #tpu.memory_space<hbm>> -> memref<24x256xf32, #tpu.memory_space<hbm>>
    %dma_start3A_719 = arith.constant 0 : i32
    %dma_start3A_720 = arith.constant 0 : i32
    %dma_start3A_721 = tpu.memref_slice %arg12[%dma_start3A_707, %dma_start3A_719, %dma_start3A_720] : memref<2x24x256xf32, #tpu.memory_space<vmem>> -> memref<1x24x256xf32, #tpu.memory_space<vmem>>
    %dma_start3A_722 = tpu.memref_squeeze %dma_start3A_721 : memref<1x24x256xf32, #tpu.memory_space<vmem>> -> memref<24x256xf32, #tpu.memory_space<vmem>>
    tpu.enqueue_dma source(%dma_start3A_722 : memref<24x256xf32, #tpu.memory_space<vmem>>) target(%dma_start3A_718 : memref<24x256xf32, #tpu.memory_space<hbm>>) target_semaphore(%arg17 : memref<!tpu.dma_semaphore, #tpu.memory_space<semaphore_mem>>)
    %dma_start3A_723 = arith.constant 1 : i32
    %dma_start3A_724 = arith.constant 9 : i32
    %dma_start3A_725 = arith.constant 0 : i32
    %dma_start3A_726 = arith.constant 0 : i32
    %dma_start3A_727 = tpu.memref_slice %arg12[%dma_start3A_723, %dma_start3A_725, %dma_start3A_726] : memref<2x24x256xf32, #tpu.memory_space<vmem>> -> memref<1x24x256xf32, #tpu.memory_space<vmem>>
    %dma_start3A_728 = tpu.memref_squeeze %dma_start3A_727 : memref<1x24x256xf32, #tpu.memory_space<vmem>> -> memref<24x256xf32, #tpu.memory_space<vmem>>
    %dma_start3A_729 = arith.constant 0 : i32
    %dma_start3A_730 = tpu.memref_slice %arg6[%add3A_666, %dma_start3A_724, %dma_start3A_729] : memref<4608x10x256xf32, #tpu.memory_space<hbm>> -> memref<24x1x256xf32, #tpu.memory_space<hbm>>
    %dma_start3A_731 = tpu.memref_squeeze %dma_start3A_730 : memref<24x1x256xf32, #tpu.memory_space<hbm>> -> memref<24x256xf32, #tpu.memory_space<hbm>>
    %dma_start3A_732 = arith.constant 0 : i32
    %dma_start3A_733 = tpu.memref_slice %arg6[%add3A_666, %dma_start3A_724, %dma_start3A_732] : memref<4608x10x256xf32, #tpu.memory_space<hbm>> -> memref<24x1x256xf32, #tpu.memory_space<hbm>>
    %dma_start3A_734 = tpu.memref_squeeze %dma_start3A_733 : memref<24x1x256xf32, #tpu.memory_space<hbm>> -> memref<24x256xf32, #tpu.memory_space<hbm>>
    %dma_start3A_735 = arith.constant 0 : i32
    %dma_start3A_736 = arith.constant 0 : i32
    %dma_start3A_737 = tpu.memref_slice %arg12[%dma_start3A_723, %dma_start3A_735, %dma_start3A_736] : memref<2x24x256xf32, #tpu.memory_space<vmem>> -> memref<1x24x256xf32, #tpu.memory_space<vmem>>
    %dma_start3A_738 = tpu.memref_squeeze %dma_start3A_737 : memref<1x24x256xf32, #tpu.memory_space<vmem>> -> memref<24x256xf32, #tpu.memory_space<vmem>>
    tpu.enqueue_dma source(%dma_start3A_738 : memref<24x256xf32, #tpu.memory_space<vmem>>) target(%dma_start3A_734 : memref<24x256xf32, #tpu.memory_space<hbm>>) target_semaphore(%arg17 : memref<!tpu.dma_semaphore, #tpu.memory_space<semaphore_mem>>)
    "tpu.region"() ({
      %run_scoped3A = tpu.sem_alloc : memref<!tpu.dma_semaphore, #tpu.memory_space<semaphore_mem>>
      %dma_start3A_889 = arith.constant 0 : i32
      %dma_start3A_890 = arith.constant 0 : i32
      %dma_start3A_891 = tpu.memref_slice %arg3[%dma_start3A_889, %dma_start3A_890] : memref<8192x256xf32, #tpu.memory_space<hbm>> -> memref<8192x256xf32, #tpu.memory_space<hbm>>
      tpu.enqueue_indirect_dma source(%dma_start3A_891 : memref<8192x256xf32, #tpu.memory_space<hbm>>) target(%arg14 : memref<24x256xf32, #tpu.memory_space<vmem>>) offsets(%arg8 : memref<24xi32, #tpu.memory_space<vmem>>) semaphore(%run_scoped3A : memref<!tpu.dma_semaphore, #tpu.memory_space<semaphore_mem>>)
      %dma_wait3A_892 = arith.constant 0 : i32
      %dma_wait3A_893 = arith.constant 0 : i32
      %dma_wait3A_894 = tpu.memref_slice %arg3[%dma_wait3A_892, %dma_wait3A_893] : memref<8192x256xf32, #tpu.memory_space<hbm>> -> memref<8192x256xf32, #tpu.memory_space<hbm>>
      tpu.wait_indirect_dma semaphore(%run_scoped3A : memref<!tpu.dma_semaphore, #tpu.memory_space<semaphore_mem>>) src(%dma_wait3A_894 : memref<8192x256xf32, #tpu.memory_space<hbm>>) dst(%arg14 : memref<24x256xf32, #tpu.memory_space<vmem>>)
      tpu.yield
    }) : () -> ()
    "tpu.region"() ({
      %run_scoped3A = tpu.sem_alloc : memref<!tpu.dma_semaphore, #tpu.memory_space<semaphore_mem>>
      %dma_start3A_889 = arith.constant 0 : i32
      %dma_start3A_890 = tpu.memref_slice %arg7[%add3A_666, %dma_start3A_889] : memref<4608x256xf32, #tpu.memory_space<hbm>> -> memref<24x256xf32, #tpu.memory_space<hbm>>
      %dma_start3A_891 = arith.constant 0 : i32
      %dma_start3A_892 = tpu.memref_slice %arg7[%add3A_666, %dma_start3A_891] : memref<4608x256xf32, #tpu.memory_space<hbm>> -> memref<24x256xf32, #tpu.memory_space<hbm>>
      tpu.enqueue_dma source(%arg14 : memref<24x256xf32, #tpu.memory_space<vmem>>) target(%dma_start3A_892 : memref<24x256xf32, #tpu.memory_space<hbm>>) target_semaphore(%run_scoped3A : memref<!tpu.dma_semaphore, #tpu.memory_space<semaphore_mem>>)
      %dma_wait3A_893 = arith.constant 0 : i32
      %dma_wait3A_894 = tpu.memref_slice %arg7[%add3A_666, %dma_wait3A_893] : memref<4608x256xf32, #tpu.memory_space<hbm>> -> memref<24x256xf32, #tpu.memory_space<hbm>>
      %dma_wait3A_895 = arith.constant 0 : i32
      %dma_wait3A_896 = tpu.memref_slice %arg7[%add3A_666, %dma_wait3A_895] : memref<4608x256xf32, #tpu.memory_space<hbm>> -> memref<24x256xf32, #tpu.memory_space<hbm>>
      tpu.wait_dma2 semaphore(%run_scoped3A : memref<!tpu.dma_semaphore, #tpu.memory_space<semaphore_mem>>) src(%arg14 : memref<24x256xf32, #tpu.memory_space<vmem>>) dst(%dma_wait3A_896 : memref<24x256xf32, #tpu.memory_space<hbm>>)
      tpu.yield
    }) : () -> ()
    %add3A_739 = arith.constant 120 : i32
    %add3A_740 = arith.addi %mul3A_2, %add3A_739 : i32
    %dma_wait3A_741 = arith.constant 0 : i32
    %dma_wait3A_742 = arith.constant 0 : i32
    %dma_wait3A_743 = arith.constant 0 : i32
    %dma_wait3A_744 = tpu.memref_slice %arg2[%dma_wait3A_741, %dma_wait3A_742, %dma_wait3A_743] : memref<8192x10x256xf32, #tpu.memory_space<hbm>> -> memref<8192x8x256xf32, #tpu.memory_space<hbm>>
    %dma_wait3A_745 = arith.constant 0 : i32
    %dma_wait3A_746 = arith.constant 0 : i32
    %dma_wait3A_747 = arith.constant 0 : i32
    %dma_wait3A_748 = tpu.memref_slice %dma_wait3A_744[%dma_wait3A_745, %dma_wait3A_746, %dma_wait3A_747] : memref<8192x8x256xf32, #tpu.memory_space<hbm>> -> memref<8192x8x256xf32, #tpu.memory_space<hbm>>
    tpu.wait_indirect_dma semaphore(%arg16 : memref<!tpu.dma_semaphore, #tpu.memory_space<semaphore_mem>>) src(%dma_wait3A_748 : memref<8192x8x256xf32, #tpu.memory_space<hbm>>) dst(%arg11 : memref<24x8x256xf32, #tpu.memory_space<vmem>>)
    %dma_wait3A_749 = arith.constant 8 : i32
    %dma_wait3A_750 = arith.constant 0 : i32
    %dma_wait3A_751 = arith.constant 0 : i32
    %dma_wait3A_752 = arith.constant 0 : i32
    %dma_wait3A_753 = tpu.memref_slice %arg13[%dma_wait3A_750, %dma_wait3A_751, %dma_wait3A_752] : memref<2x24x256xf32, #tpu.memory_space<vmem>> -> memref<1x24x256xf32, #tpu.memory_space<vmem>>
    %dma_wait3A_754 = tpu.memref_squeeze %dma_wait3A_753 : memref<1x24x256xf32, #tpu.memory_space<vmem>> -> memref<24x256xf32, #tpu.memory_space<vmem>>
    %dma_wait3A_755 = arith.constant 0 : i32
    %dma_wait3A_756 = arith.constant 0 : i32
    %dma_wait3A_757 = tpu.memref_slice %arg2[%dma_wait3A_755, %dma_wait3A_749, %dma_wait3A_756] : memref<8192x10x256xf32, #tpu.memory_space<hbm>> -> memref<8192x1x256xf32, #tpu.memory_space<hbm>>
    %dma_wait3A_758 = tpu.memref_squeeze %dma_wait3A_757 : memref<8192x1x256xf32, #tpu.memory_space<hbm>> -> memref<8192x256xf32, #tpu.memory_space<hbm>>
    %dma_wait3A_759 = arith.constant 0 : i32
    %dma_wait3A_760 = arith.constant 0 : i32
    %dma_wait3A_761 = tpu.memref_slice %dma_wait3A_758[%dma_wait3A_759, %dma_wait3A_760] : memref<8192x256xf32, #tpu.memory_space<hbm>> -> memref<8192x256xf32, #tpu.memory_space<hbm>>
    tpu.wait_indirect_dma semaphore(%arg16 : memref<!tpu.dma_semaphore, #tpu.memory_space<semaphore_mem>>) src(%dma_wait3A_761 : memref<8192x256xf32, #tpu.memory_space<hbm>>) dst(%dma_wait3A_754 : memref<24x256xf32, #tpu.memory_space<vmem>>)
    %dma_wait3A_762 = arith.constant 1 : i32
    %dma_wait3A_763 = arith.constant 0 : i32
    %dma_wait3A_764 = arith.constant 0 : i32
    %dma_wait3A_765 = tpu.memref_slice %arg13[%dma_wait3A_762, %dma_wait3A_763, %dma_wait3A_764] : memref<2x24x256xf32, #tpu.memory_space<vmem>> -> memref<1x24x256xf32, #tpu.memory_space<vmem>>
    %dma_wait3A_766 = tpu.memref_squeeze %dma_wait3A_765 : memref<1x24x256xf32, #tpu.memory_space<vmem>> -> memref<24x256xf32, #tpu.memory_space<vmem>>
    %dma_wait3A_767 = arith.constant 0 : i32
    %dma_wait3A_768 = tpu.memref_slice %arg5[%add3A_630, %dma_wait3A_767] : memref<4608x256xf32, #tpu.memory_space<hbm>> -> memref<24x256xf32, #tpu.memory_space<hbm>>
    %dma_wait3A_769 = arith.constant 0 : i32
    %dma_wait3A_770 = arith.constant 0 : i32
    %dma_wait3A_771 = tpu.memref_slice %arg13[%dma_wait3A_762, %dma_wait3A_769, %dma_wait3A_770] : memref<2x24x256xf32, #tpu.memory_space<vmem>> -> memref<1x24x256xf32, #tpu.memory_space<vmem>>
    %dma_wait3A_772 = tpu.memref_squeeze %dma_wait3A_771 : memref<1x24x256xf32, #tpu.memory_space<vmem>> -> memref<24x256xf32, #tpu.memory_space<vmem>>
    %dma_wait3A_773 = arith.constant 0 : i32
    %dma_wait3A_774 = tpu.memref_slice %arg5[%add3A_630, %dma_wait3A_773] : memref<4608x256xf32, #tpu.memory_space<hbm>> -> memref<24x256xf32, #tpu.memory_space<hbm>>
    tpu.wait_dma2 semaphore(%arg16 : memref<!tpu.dma_semaphore, #tpu.memory_space<semaphore_mem>>) src(%dma_wait3A_774 : memref<24x256xf32, #tpu.memory_space<hbm>>) dst(%dma_wait3A_772 : memref<24x256xf32, #tpu.memory_space<vmem>>)
    %dma_start3A_775 = arith.constant 0 : i32
    %dma_start3A_776 = arith.constant 0 : i32
    %dma_start3A_777 = tpu.memref_slice %arg6[%add3A_740, %dma_start3A_775, %dma_start3A_776] : memref<4608x10x256xf32, #tpu.memory_space<hbm>> -> memref<24x8x256xf32, #tpu.memory_space<hbm>>
    %dma_start3A_778 = arith.constant 0 : i32
    %dma_start3A_779 = arith.constant 0 : i32
    %dma_start3A_780 = tpu.memref_slice %arg6[%add3A_740, %dma_start3A_778, %dma_start3A_779] : memref<4608x10x256xf32, #tpu.memory_space<hbm>> -> memref<24x8x256xf32, #tpu.memory_space<hbm>>
    tpu.enqueue_dma source(%arg11 : memref<24x8x256xf32, #tpu.memory_space<vmem>>) target(%dma_start3A_780 : memref<24x8x256xf32, #tpu.memory_space<hbm>>) target_semaphore(%arg18 : memref<!tpu.dma_semaphore, #tpu.memory_space<semaphore_mem>>)
    %dma_start3A_781 = arith.constant 0 : i32
    %dma_start3A_782 = arith.constant 8 : i32
    %dma_start3A_783 = arith.constant 0 : i32
    %dma_start3A_784 = arith.constant 0 : i32
    %dma_start3A_785 = tpu.memref_slice %arg13[%dma_start3A_781, %dma_start3A_783, %dma_start3A_784] : memref<2x24x256xf32, #tpu.memory_space<vmem>> -> memref<1x24x256xf32, #tpu.memory_space<vmem>>
    %dma_start3A_786 = tpu.memref_squeeze %dma_start3A_785 : memref<1x24x256xf32, #tpu.memory_space<vmem>> -> memref<24x256xf32, #tpu.memory_space<vmem>>
    %dma_start3A_787 = arith.constant 0 : i32
    %dma_start3A_788 = tpu.memref_slice %arg6[%add3A_740, %dma_start3A_782, %dma_start3A_787] : memref<4608x10x256xf32, #tpu.memory_space<hbm>> -> memref<24x1x256xf32, #tpu.memory_space<hbm>>
    %dma_start3A_789 = tpu.memref_squeeze %dma_start3A_788 : memref<24x1x256xf32, #tpu.memory_space<hbm>> -> memref<24x256xf32, #tpu.memory_space<hbm>>
    %dma_start3A_790 = arith.constant 0 : i32
    %dma_start3A_791 = tpu.memref_slice %arg6[%add3A_740, %dma_start3A_782, %dma_start3A_790] : memref<4608x10x256xf32, #tpu.memory_space<hbm>> -> memref<24x1x256xf32, #tpu.memory_space<hbm>>
    %dma_start3A_792 = tpu.memref_squeeze %dma_start3A_791 : memref<24x1x256xf32, #tpu.memory_space<hbm>> -> memref<24x256xf32, #tpu.memory_space<hbm>>
    %dma_start3A_793 = arith.constant 0 : i32
    %dma_start3A_794 = arith.constant 0 : i32
    %dma_start3A_795 = tpu.memref_slice %arg13[%dma_start3A_781, %dma_start3A_793, %dma_start3A_794] : memref<2x24x256xf32, #tpu.memory_space<vmem>> -> memref<1x24x256xf32, #tpu.memory_space<vmem>>
    %dma_start3A_796 = tpu.memref_squeeze %dma_start3A_795 : memref<1x24x256xf32, #tpu.memory_space<vmem>> -> memref<24x256xf32, #tpu.memory_space<vmem>>
    tpu.enqueue_dma source(%dma_start3A_796 : memref<24x256xf32, #tpu.memory_space<vmem>>) target(%dma_start3A_792 : memref<24x256xf32, #tpu.memory_space<hbm>>) target_semaphore(%arg18 : memref<!tpu.dma_semaphore, #tpu.memory_space<semaphore_mem>>)
    %dma_start3A_797 = arith.constant 1 : i32
    %dma_start3A_798 = arith.constant 9 : i32
    %dma_start3A_799 = arith.constant 0 : i32
    %dma_start3A_800 = arith.constant 0 : i32
    %dma_start3A_801 = tpu.memref_slice %arg13[%dma_start3A_797, %dma_start3A_799, %dma_start3A_800] : memref<2x24x256xf32, #tpu.memory_space<vmem>> -> memref<1x24x256xf32, #tpu.memory_space<vmem>>
    %dma_start3A_802 = tpu.memref_squeeze %dma_start3A_801 : memref<1x24x256xf32, #tpu.memory_space<vmem>> -> memref<24x256xf32, #tpu.memory_space<vmem>>
    %dma_start3A_803 = arith.constant 0 : i32
    %dma_start3A_804 = tpu.memref_slice %arg6[%add3A_740, %dma_start3A_798, %dma_start3A_803] : memref<4608x10x256xf32, #tpu.memory_space<hbm>> -> memref<24x1x256xf32, #tpu.memory_space<hbm>>
    %dma_start3A_805 = tpu.memref_squeeze %dma_start3A_804 : memref<24x1x256xf32, #tpu.memory_space<hbm>> -> memref<24x256xf32, #tpu.memory_space<hbm>>
    %dma_start3A_806 = arith.constant 0 : i32
    %dma_start3A_807 = tpu.memref_slice %arg6[%add3A_740, %dma_start3A_798, %dma_start3A_806] : memref<4608x10x256xf32, #tpu.memory_space<hbm>> -> memref<24x1x256xf32, #tpu.memory_space<hbm>>
    %dma_start3A_808 = tpu.memref_squeeze %dma_start3A_807 : memref<24x1x256xf32, #tpu.memory_space<hbm>> -> memref<24x256xf32, #tpu.memory_space<hbm>>
    %dma_start3A_809 = arith.constant 0 : i32
    %dma_start3A_810 = arith.constant 0 : i32
    %dma_start3A_811 = tpu.memref_slice %arg13[%dma_start3A_797, %dma_start3A_809, %dma_start3A_810] : memref<2x24x256xf32, #tpu.memory_space<vmem>> -> memref<1x24x256xf32, #tpu.memory_space<vmem>>
    %dma_start3A_812 = tpu.memref_squeeze %dma_start3A_811 : memref<1x24x256xf32, #tpu.memory_space<vmem>> -> memref<24x256xf32, #tpu.memory_space<vmem>>
    tpu.enqueue_dma source(%dma_start3A_812 : memref<24x256xf32, #tpu.memory_space<vmem>>) target(%dma_start3A_808 : memref<24x256xf32, #tpu.memory_space<hbm>>) target_semaphore(%arg18 : memref<!tpu.dma_semaphore, #tpu.memory_space<semaphore_mem>>)
    "tpu.region"() ({
      %run_scoped3A = tpu.sem_alloc : memref<!tpu.dma_semaphore, #tpu.memory_space<semaphore_mem>>
      %dma_start3A_889 = arith.constant 0 : i32
      %dma_start3A_890 = arith.constant 0 : i32
      %dma_start3A_891 = tpu.memref_slice %arg3[%dma_start3A_889, %dma_start3A_890] : memref<8192x256xf32, #tpu.memory_space<hbm>> -> memref<8192x256xf32, #tpu.memory_space<hbm>>
      tpu.enqueue_indirect_dma source(%dma_start3A_891 : memref<8192x256xf32, #tpu.memory_space<hbm>>) target(%arg14 : memref<24x256xf32, #tpu.memory_space<vmem>>) offsets(%arg9 : memref<24xi32, #tpu.memory_space<vmem>>) semaphore(%run_scoped3A : memref<!tpu.dma_semaphore, #tpu.memory_space<semaphore_mem>>)
      %dma_wait3A_892 = arith.constant 0 : i32
      %dma_wait3A_893 = arith.constant 0 : i32
      %dma_wait3A_894 = tpu.memref_slice %arg3[%dma_wait3A_892, %dma_wait3A_893] : memref<8192x256xf32, #tpu.memory_space<hbm>> -> memref<8192x256xf32, #tpu.memory_space<hbm>>
      tpu.wait_indirect_dma semaphore(%run_scoped3A : memref<!tpu.dma_semaphore, #tpu.memory_space<semaphore_mem>>) src(%dma_wait3A_894 : memref<8192x256xf32, #tpu.memory_space<hbm>>) dst(%arg14 : memref<24x256xf32, #tpu.memory_space<vmem>>)
      tpu.yield
    }) : () -> ()
    "tpu.region"() ({
      %run_scoped3A = tpu.sem_alloc : memref<!tpu.dma_semaphore, #tpu.memory_space<semaphore_mem>>
      %dma_start3A_889 = arith.constant 0 : i32
      %dma_start3A_890 = tpu.memref_slice %arg7[%add3A_740, %dma_start3A_889] : memref<4608x256xf32, #tpu.memory_space<hbm>> -> memref<24x256xf32, #tpu.memory_space<hbm>>
      %dma_start3A_891 = arith.constant 0 : i32
      %dma_start3A_892 = tpu.memref_slice %arg7[%add3A_740, %dma_start3A_891] : memref<4608x256xf32, #tpu.memory_space<hbm>> -> memref<24x256xf32, #tpu.memory_space<hbm>>
      tpu.enqueue_dma source(%arg14 : memref<24x256xf32, #tpu.memory_space<vmem>>) target(%dma_start3A_892 : memref<24x256xf32, #tpu.memory_space<hbm>>) target_semaphore(%run_scoped3A : memref<!tpu.dma_semaphore, #tpu.memory_space<semaphore_mem>>)
      %dma_wait3A_893 = arith.constant 0 : i32
      %dma_wait3A_894 = tpu.memref_slice %arg7[%add3A_740, %dma_wait3A_893] : memref<4608x256xf32, #tpu.memory_space<hbm>> -> memref<24x256xf32, #tpu.memory_space<hbm>>
      %dma_wait3A_895 = arith.constant 0 : i32
      %dma_wait3A_896 = tpu.memref_slice %arg7[%add3A_740, %dma_wait3A_895] : memref<4608x256xf32, #tpu.memory_space<hbm>> -> memref<24x256xf32, #tpu.memory_space<hbm>>
      tpu.wait_dma2 semaphore(%run_scoped3A : memref<!tpu.dma_semaphore, #tpu.memory_space<semaphore_mem>>) src(%arg14 : memref<24x256xf32, #tpu.memory_space<vmem>>) dst(%dma_wait3A_896 : memref<24x256xf32, #tpu.memory_space<hbm>>)
      tpu.yield
    }) : () -> ()
    %dma_wait3A_813 = arith.constant 0 : i32
    %dma_wait3A_814 = arith.constant 0 : i32
    %dma_wait3A_815 = tpu.memref_slice %arg6[%add3A_666, %dma_wait3A_813, %dma_wait3A_814] : memref<4608x10x256xf32, #tpu.memory_space<hbm>> -> memref<24x8x256xf32, #tpu.memory_space<hbm>>
    %dma_wait3A_816 = arith.constant 0 : i32
    %dma_wait3A_817 = arith.constant 0 : i32
    %dma_wait3A_818 = tpu.memref_slice %arg6[%add3A_666, %dma_wait3A_816, %dma_wait3A_817] : memref<4608x10x256xf32, #tpu.memory_space<hbm>> -> memref<24x8x256xf32, #tpu.memory_space<hbm>>
    tpu.wait_dma2 semaphore(%arg17 : memref<!tpu.dma_semaphore, #tpu.memory_space<semaphore_mem>>) src(%arg10 : memref<24x8x256xf32, #tpu.memory_space<vmem>>) dst(%dma_wait3A_818 : memref<24x8x256xf32, #tpu.memory_space<hbm>>)
    %dma_wait3A_819 = arith.constant 0 : i32
    %dma_wait3A_820 = arith.constant 8 : i32
    %dma_wait3A_821 = arith.constant 0 : i32
    %dma_wait3A_822 = arith.constant 0 : i32
    %dma_wait3A_823 = tpu.memref_slice %arg12[%dma_wait3A_819, %dma_wait3A_821, %dma_wait3A_822] : memref<2x24x256xf32, #tpu.memory_space<vmem>> -> memref<1x24x256xf32, #tpu.memory_space<vmem>>
    %dma_wait3A_824 = tpu.memref_squeeze %dma_wait3A_823 : memref<1x24x256xf32, #tpu.memory_space<vmem>> -> memref<24x256xf32, #tpu.memory_space<vmem>>
    %dma_wait3A_825 = arith.constant 0 : i32
    %dma_wait3A_826 = tpu.memref_slice %arg6[%add3A_666, %dma_wait3A_820, %dma_wait3A_825] : memref<4608x10x256xf32, #tpu.memory_space<hbm>> -> memref<24x1x256xf32, #tpu.memory_space<hbm>>
    %dma_wait3A_827 = tpu.memref_squeeze %dma_wait3A_826 : memref<24x1x256xf32, #tpu.memory_space<hbm>> -> memref<24x256xf32, #tpu.memory_space<hbm>>
    %dma_wait3A_828 = arith.constant 0 : i32
    %dma_wait3A_829 = tpu.memref_slice %arg6[%add3A_666, %dma_wait3A_820, %dma_wait3A_828] : memref<4608x10x256xf32, #tpu.memory_space<hbm>> -> memref<24x1x256xf32, #tpu.memory_space<hbm>>
    %dma_wait3A_830 = tpu.memref_squeeze %dma_wait3A_829 : memref<24x1x256xf32, #tpu.memory_space<hbm>> -> memref<24x256xf32, #tpu.memory_space<hbm>>
    %dma_wait3A_831 = arith.constant 0 : i32
    %dma_wait3A_832 = arith.constant 0 : i32
    %dma_wait3A_833 = tpu.memref_slice %arg12[%dma_wait3A_819, %dma_wait3A_831, %dma_wait3A_832] : memref<2x24x256xf32, #tpu.memory_space<vmem>> -> memref<1x24x256xf32, #tpu.memory_space<vmem>>
    %dma_wait3A_834 = tpu.memref_squeeze %dma_wait3A_833 : memref<1x24x256xf32, #tpu.memory_space<vmem>> -> memref<24x256xf32, #tpu.memory_space<vmem>>
    tpu.wait_dma2 semaphore(%arg17 : memref<!tpu.dma_semaphore, #tpu.memory_space<semaphore_mem>>) src(%dma_wait3A_834 : memref<24x256xf32, #tpu.memory_space<vmem>>) dst(%dma_wait3A_830 : memref<24x256xf32, #tpu.memory_space<hbm>>)
    %dma_wait3A_835 = arith.constant 1 : i32
    %dma_wait3A_836 = arith.constant 9 : i32
    %dma_wait3A_837 = arith.constant 0 : i32
    %dma_wait3A_838 = arith.constant 0 : i32
    %dma_wait3A_839 = tpu.memref_slice %arg12[%dma_wait3A_835, %dma_wait3A_837, %dma_wait3A_838] : memref<2x24x256xf32, #tpu.memory_space<vmem>> -> memref<1x24x256xf32, #tpu.memory_space<vmem>>
    %dma_wait3A_840 = tpu.memref_squeeze %dma_wait3A_839 : memref<1x24x256xf32, #tpu.memory_space<vmem>> -> memref<24x256xf32, #tpu.memory_space<vmem>>
    %dma_wait3A_841 = arith.constant 0 : i32
    %dma_wait3A_842 = tpu.memref_slice %arg6[%add3A_666, %dma_wait3A_836, %dma_wait3A_841] : memref<4608x10x256xf32, #tpu.memory_space<hbm>> -> memref<24x1x256xf32, #tpu.memory_space<hbm>>
    %dma_wait3A_843 = tpu.memref_squeeze %dma_wait3A_842 : memref<24x1x256xf32, #tpu.memory_space<hbm>> -> memref<24x256xf32, #tpu.memory_space<hbm>>
    %dma_wait3A_844 = arith.constant 0 : i32
    %dma_wait3A_845 = tpu.memref_slice %arg6[%add3A_666, %dma_wait3A_836, %dma_wait3A_844] : memref<4608x10x256xf32, #tpu.memory_space<hbm>> -> memref<24x1x256xf32, #tpu.memory_space<hbm>>
    %dma_wait3A_846 = tpu.memref_squeeze %dma_wait3A_845 : memref<24x1x256xf32, #tpu.memory_space<hbm>> -> memref<24x256xf32, #tpu.memory_space<hbm>>
    %dma_wait3A_847 = arith.constant 0 : i32
    %dma_wait3A_848 = arith.constant 0 : i32
    %dma_wait3A_849 = tpu.memref_slice %arg12[%dma_wait3A_835, %dma_wait3A_847, %dma_wait3A_848] : memref<2x24x256xf32, #tpu.memory_space<vmem>> -> memref<1x24x256xf32, #tpu.memory_space<vmem>>
    %dma_wait3A_850 = tpu.memref_squeeze %dma_wait3A_849 : memref<1x24x256xf32, #tpu.memory_space<vmem>> -> memref<24x256xf32, #tpu.memory_space<vmem>>
    tpu.wait_dma2 semaphore(%arg17 : memref<!tpu.dma_semaphore, #tpu.memory_space<semaphore_mem>>) src(%dma_wait3A_850 : memref<24x256xf32, #tpu.memory_space<vmem>>) dst(%dma_wait3A_846 : memref<24x256xf32, #tpu.memory_space<hbm>>)
    %dma_wait3A_851 = arith.constant 0 : i32
    %dma_wait3A_852 = arith.constant 0 : i32
    %dma_wait3A_853 = tpu.memref_slice %arg6[%add3A_740, %dma_wait3A_851, %dma_wait3A_852] : memref<4608x10x256xf32, #tpu.memory_space<hbm>> -> memref<24x8x256xf32, #tpu.memory_space<hbm>>
    %dma_wait3A_854 = arith.constant 0 : i32
    %dma_wait3A_855 = arith.constant 0 : i32
    %dma_wait3A_856 = tpu.memref_slice %arg6[%add3A_740, %dma_wait3A_854, %dma_wait3A_855] : memref<4608x10x256xf32, #tpu.memory_space<hbm>> -> memref<24x8x256xf32, #tpu.memory_space<hbm>>
    tpu.wait_dma2 semaphore(%arg18 : memref<!tpu.dma_semaphore, #tpu.memory_space<semaphore_mem>>) src(%arg11 : memref<24x8x256xf32, #tpu.memory_space<vmem>>) dst(%dma_wait3A_856 : memref<24x8x256xf32, #tpu.memory_space<hbm>>)
    %dma_wait3A_857 = arith.constant 0 : i32
    %dma_wait3A_858 = arith.constant 8 : i32
    %dma_wait3A_859 = arith.constant 0 : i32
    %dma_wait3A_860 = arith.constant 0 : i32
    %dma_wait3A_861 = tpu.memref_slice %arg13[%dma_wait3A_857, %dma_wait3A_859, %dma_wait3A_860] : memref<2x24x256xf32, #tpu.memory_space<vmem>> -> memref<1x24x256xf32, #tpu.memory_space<vmem>>
    %dma_wait3A_862 = tpu.memref_squeeze %dma_wait3A_861 : memref<1x24x256xf32, #tpu.memory_space<vmem>> -> memref<24x256xf32, #tpu.memory_space<vmem>>
    %dma_wait3A_863 = arith.constant 0 : i32
    %dma_wait3A_864 = tpu.memref_slice %arg6[%add3A_740, %dma_wait3A_858, %dma_wait3A_863] : memref<4608x10x256xf32, #tpu.memory_space<hbm>> -> memref<24x1x256xf32, #tpu.memory_space<hbm>>
    %dma_wait3A_865 = tpu.memref_squeeze %dma_wait3A_864 : memref<24x1x256xf32, #tpu.memory_space<hbm>> -> memref<24x256xf32, #tpu.memory_space<hbm>>
    %dma_wait3A_866 = arith.constant 0 : i32
    %dma_wait3A_867 = tpu.memref_slice %arg6[%add3A_740, %dma_wait3A_858, %dma_wait3A_866] : memref<4608x10x256xf32, #tpu.memory_space<hbm>> -> memref<24x1x256xf32, #tpu.memory_space<hbm>>
    %dma_wait3A_868 = tpu.memref_squeeze %dma_wait3A_867 : memref<24x1x256xf32, #tpu.memory_space<hbm>> -> memref<24x256xf32, #tpu.memory_space<hbm>>
    %dma_wait3A_869 = arith.constant 0 : i32
    %dma_wait3A_870 = arith.constant 0 : i32
    %dma_wait3A_871 = tpu.memref_slice %arg13[%dma_wait3A_857, %dma_wait3A_869, %dma_wait3A_870] : memref<2x24x256xf32, #tpu.memory_space<vmem>> -> memref<1x24x256xf32, #tpu.memory_space<vmem>>
    %dma_wait3A_872 = tpu.memref_squeeze %dma_wait3A_871 : memref<1x24x256xf32, #tpu.memory_space<vmem>> -> memref<24x256xf32, #tpu.memory_space<vmem>>
    tpu.wait_dma2 semaphore(%arg18 : memref<!tpu.dma_semaphore, #tpu.memory_space<semaphore_mem>>) src(%dma_wait3A_872 : memref<24x256xf32, #tpu.memory_space<vmem>>) dst(%dma_wait3A_868 : memref<24x256xf32, #tpu.memory_space<hbm>>)
    %dma_wait3A_873 = arith.constant 1 : i32
    %dma_wait3A_874 = arith.constant 9 : i32
    %dma_wait3A_875 = arith.constant 0 : i32
    %dma_wait3A_876 = arith.constant 0 : i32
    %dma_wait3A_877 = tpu.memref_slice %arg13[%dma_wait3A_873, %dma_wait3A_875, %dma_wait3A_876] : memref<2x24x256xf32, #tpu.memory_space<vmem>> -> memref<1x24x256xf32, #tpu.memory_space<vmem>>
    %dma_wait3A_878 = tpu.memref_squeeze %dma_wait3A_877 : memref<1x24x256xf32, #tpu.memory_space<vmem>> -> memref<24x256xf32, #tpu.memory_space<vmem>>
    %dma_wait3A_879 = arith.constant 0 : i32
    %dma_wait3A_880 = tpu.memref_slice %arg6[%add3A_740, %dma_wait3A_874, %dma_wait3A_879] : memref<4608x10x256xf32, #tpu.memory_space<hbm>> -> memref<24x1x256xf32, #tpu.memory_space<hbm>>
    %dma_wait3A_881 = tpu.memref_squeeze %dma_wait3A_880 : memref<24x1x256xf32, #tpu.memory_space<hbm>> -> memref<24x256xf32, #tpu.memory_space<hbm>>
    %dma_wait3A_882 = arith.constant 0 : i32
    %dma_wait3A_883 = tpu.memref_slice %arg6[%add3A_740, %dma_wait3A_874, %dma_wait3A_882] : memref<4608x10x256xf32, #tpu.memory_space<hbm>> -> memref<24x1x256xf32, #tpu.memory_space<hbm>>
    %dma_wait3A_884 = tpu.memref_squeeze %dma_wait3A_883 : memref<24x1x256xf32, #tpu.memory_space<hbm>> -> memref<24x256xf32, #tpu.memory_space<hbm>>
    %dma_wait3A_885 = arith.constant 0 : i32
    %dma_wait3A_886 = arith.constant 0 : i32
    %dma_wait3A_887 = tpu.memref_slice %arg13[%dma_wait3A_873, %dma_wait3A_885, %dma_wait3A_886] : memref<2x24x256xf32, #tpu.memory_space<vmem>> -> memref<1x24x256xf32, #tpu.memory_space<vmem>>
    %dma_wait3A_888 = tpu.memref_squeeze %dma_wait3A_887 : memref<1x24x256xf32, #tpu.memory_space<vmem>> -> memref<24x256xf32, #tpu.memory_space<vmem>>
    tpu.wait_dma2 semaphore(%arg18 : memref<!tpu.dma_semaphore, #tpu.memory_space<semaphore_mem>>) src(%dma_wait3A_888 : memref<24x256xf32, #tpu.memory_space<vmem>>) dst(%dma_wait3A_884 : memref<24x256xf32, #tpu.memory_space<hbm>>)
    return
  }
}

module attributes {stable_mosaic.version = 14 : i64} {
  func.func @_prep_body(%arg0: i32, %arg1: memref<1024x256xf32, #tpu.memory_space<vmem>>, %arg2: memref<768x768xf32, #tpu.memory_space<vmem>>, %arg3: memref<1x768xf32, #tpu.memory_space<vmem>>, %arg4: memref<768x256xf32, #tpu.memory_space<vmem>>, %arg5: memref<1x256xf32, #tpu.memory_space<vmem>>, %arg6: memref<768x768xf32, #tpu.memory_space<vmem>>, %arg7: memref<1x768xf32, #tpu.memory_space<vmem>>, %arg8: memref<768x256xf32, #tpu.memory_space<vmem>>, %arg9: memref<1x256xf32, #tpu.memory_space<vmem>>, %arg10: memref<1024x256xf32, #tpu.memory_space<vmem>>, %arg11: memref<1024x1xf32, #tpu.memory_space<vmem>>, %arg12: memref<768x768xf32, #tpu.memory_space<vmem>>, %arg13: memref<1x768xf32, #tpu.memory_space<vmem>>, %arg14: memref<768x256xf32, #tpu.memory_space<vmem>>, %arg15: memref<1x256xf32, #tpu.memory_space<vmem>>) attributes {dimension_semantics = [#tpu.dimension_semantics<arbitrary>], iteration_bounds = array<i64: 8>, scalar_prefetch = 0 : i64, scratch_operands = 0 : i64, tpu.core_type = #tpu.core_type<tc>, window_params = [{transform_indices = @transform_0, window_bounds = array<i64: 1024, 256>}, {pipeline_mode = #tpu.pipeline_mode<synchronous>, transform_indices = @transform_1, window_bounds = array<i64: 768, 768>}, {pipeline_mode = #tpu.pipeline_mode<synchronous>, transform_indices = @transform_2, window_bounds = array<i64: 1, 768>}, {pipeline_mode = #tpu.pipeline_mode<synchronous>, transform_indices = @transform_3, window_bounds = array<i64: 768, 256>}, {pipeline_mode = #tpu.pipeline_mode<synchronous>, transform_indices = @transform_4, window_bounds = array<i64: 1, 256>}, {pipeline_mode = #tpu.pipeline_mode<synchronous>, transform_indices = @transform_5, window_bounds = array<i64: 768, 768>}, {pipeline_mode = #tpu.pipeline_mode<synchronous>, transform_indices = @transform_6, window_bounds = array<i64: 1, 768>}, {pipeline_mode = #tpu.pipeline_mode<synchronous>, transform_indices = @transform_7, window_bounds = array<i64: 768, 256>}, {pipeline_mode = #tpu.pipeline_mode<synchronous>, transform_indices = @transform_8, window_bounds = array<i64: 1, 256>}, {transform_indices = @transform_9, window_bounds = array<i64: 1024, 256>}, {transform_indices = @transform_10, window_bounds = array<i64: 1024, 1>}, {pipeline_mode = #tpu.pipeline_mode<synchronous>, transform_indices = @transform_11, window_bounds = array<i64: 768, 768>}, {pipeline_mode = #tpu.pipeline_mode<synchronous>, transform_indices = @transform_12, window_bounds = array<i64: 1, 768>}, {pipeline_mode = #tpu.pipeline_mode<synchronous>, transform_indices = @transform_13, window_bounds = array<i64: 768, 256>}, {pipeline_mode = #tpu.pipeline_mode<synchronous>, transform_indices = @transform_14, window_bounds = array<i64: 1, 256>}]} {
    %get3A = arith.constant 0 : index
    %get3A_0 = arith.constant 0 : index
    %get3A_1 = vector.load %arg1[%get3A, %get3A_0] : memref<1024x256xf32, #tpu.memory_space<vmem>>, vector<1024x256xf32>
    %mul3A = arith.mulf %get3A_1, %get3A_1 : vector<1024x256xf32>
    %reduce_sum3A = arith.constant dense<0.000000e+00> : vector<1024xf32>
    %reduce_sum3A_2 = vector.multi_reduction <add>, %mul3A, %reduce_sum3A [1] : vector<1024x256xf32> to vector<1024xf32>
    %broadcast_in_dim3A = vector.shape_cast %reduce_sum3A_2 : vector<1024xf32> to vector<1024x1xf32>
    %sqrt3A = math.sqrt %broadcast_in_dim3A : vector<1024x1xf32>
    %add3A = arith.constant 9.99999996E-13 : f32
    %add3A_3 = vector.broadcast %add3A : f32 to vector<1024x1xf32>
    %add3A_4 = arith.addf %sqrt3A, %add3A_3 : vector<1024x1xf32>
    %div3A = vector.broadcast %add3A_4 : vector<1024x1xf32> to vector<1024x256xf32>
    %div3A_5 = arith.divf %get3A_1, %div3A : vector<1024x256xf32>
    %swap3A = arith.constant 0 : index
    %swap3A_6 = arith.constant 0 : index
    %swap3A_7 = vector.load %arg10[%swap3A, %swap3A_6] : memref<1024x256xf32, #tpu.memory_space<vmem>>, vector<1024x256xf32>
    tpu.vector_store %arg10[%swap3A, %swap3A_6], %div3A_5 {strides = array<i32>} : memref<1024x256xf32, #tpu.memory_space<vmem>>, vector<1024x256xf32>,
    %mul3A_8 = arith.mulf %div3A_5, %div3A_5 : vector<1024x256xf32>
    %reduce_sum3A_9 = arith.constant dense<0.000000e+00> : vector<1024xf32>
    %reduce_sum3A_10 = vector.multi_reduction <add>, %mul3A_8, %reduce_sum3A_9 [1] : vector<1024x256xf32> to vector<1024xf32>
    %broadcast_in_dim3A_11 = vector.shape_cast %reduce_sum3A_10 : vector<1024xf32> to vector<1024x1xf32>
    %swap3A_12 = arith.constant 0 : index
    %swap3A_13 = arith.constant 0 : index
    %swap3A_14 = vector.load %arg11[%swap3A_12, %swap3A_13] : memref<1024x1xf32, #tpu.memory_space<vmem>>, vector<1024x1xf32>
    tpu.vector_store %arg11[%swap3A_12, %swap3A_13], %broadcast_in_dim3A_11 {strides = array<i32>} : memref<1024x1xf32, #tpu.memory_space<vmem>>, vector<1024x1xf32>,
    %eq3A = arith.constant 0 : i32
    %eq3A_15 = arith.cmpi eq, %arg0, %eq3A : i32
    %convert_element_type3A = arith.extui %eq3A_15 : i1 to i32
    %cond3A = arith.constant 0 : i32
    %cond3A_16 = arith.cmpi ne, %convert_element_type3A, %cond3A : i32
    scf.if %cond3A_16 {
      %get3A_17 = arith.constant 0 : index
      %get3A_18 = arith.constant 0 : index
      %get3A_19 = vector.load %arg6[%get3A_17, %get3A_18] : memref<768x768xf32, #tpu.memory_space<vmem>>, vector<768x768xf32>
      %mul3A_20 = arith.constant 9.990000e-01 : f32
      %mul3A_21 = vector.broadcast %mul3A_20 : f32 to vector<768x768xf32>
      %mul3A_22 = arith.mulf %get3A_19, %mul3A_21 : vector<768x768xf32>
      %get3A_23 = arith.constant 0 : index
      %get3A_24 = arith.constant 0 : index
      %get3A_25 = vector.load %arg2[%get3A_23, %get3A_24] : memref<768x768xf32, #tpu.memory_space<vmem>>, vector<768x768xf32>
      %mul3A_26 = arith.constant 1.000000e-03 : f32
      %mul3A_27 = vector.broadcast %mul3A_26 : f32 to vector<768x768xf32>
      %mul3A_28 = arith.mulf %get3A_25, %mul3A_27 : vector<768x768xf32>
      %add3A_29 = arith.addf %mul3A_22, %mul3A_28 : vector<768x768xf32>
      %swap3A_30 = arith.constant 0 : index
      %swap3A_31 = arith.constant 0 : index
      %swap3A_32 = vector.load %arg12[%swap3A_30, %swap3A_31] : memref<768x768xf32, #tpu.memory_space<vmem>>, vector<768x768xf32>
      tpu.vector_store %arg12[%swap3A_30, %swap3A_31], %add3A_29 {strides = array<i32>} : memref<768x768xf32, #tpu.memory_space<vmem>>, vector<768x768xf32>,
      %get3A_33 = arith.constant 0 : index
      %get3A_34 = arith.constant 0 : index
      %get3A_35 = vector.load %arg7[%get3A_33, %get3A_34] : memref<1x768xf32, #tpu.memory_space<vmem>>, vector<1x768xf32>
      %mul3A_36 = arith.constant 9.990000e-01 : f32
      %mul3A_37 = vector.broadcast %mul3A_36 : f32 to vector<1x768xf32>
      %mul3A_38 = arith.mulf %get3A_35, %mul3A_37 : vector<1x768xf32>
      %get3A_39 = arith.constant 0 : index
      %get3A_40 = arith.constant 0 : index
      %get3A_41 = vector.load %arg3[%get3A_39, %get3A_40] : memref<1x768xf32, #tpu.memory_space<vmem>>, vector<1x768xf32>
      %mul3A_42 = arith.constant 1.000000e-03 : f32
      %mul3A_43 = vector.broadcast %mul3A_42 : f32 to vector<1x768xf32>
      %mul3A_44 = arith.mulf %get3A_41, %mul3A_43 : vector<1x768xf32>
      %add3A_45 = arith.addf %mul3A_38, %mul3A_44 : vector<1x768xf32>
      %swap3A_46 = arith.constant 0 : index
      %swap3A_47 = arith.constant 0 : index
      %swap3A_48 = vector.load %arg13[%swap3A_46, %swap3A_47] : memref<1x768xf32, #tpu.memory_space<vmem>>, vector<1x768xf32>
      tpu.vector_store %arg13[%swap3A_46, %swap3A_47], %add3A_45 {strides = array<i32>} : memref<1x768xf32, #tpu.memory_space<vmem>>, vector<1x768xf32>,
      %get3A_49 = arith.constant 0 : index
      %get3A_50 = arith.constant 0 : index
      %get3A_51 = vector.load %arg8[%get3A_49, %get3A_50] : memref<768x256xf32, #tpu.memory_space<vmem>>, vector<768x256xf32>
      %mul3A_52 = arith.constant 9.990000e-01 : f32
      %mul3A_53 = vector.broadcast %mul3A_52 : f32 to vector<768x256xf32>
      %mul3A_54 = arith.mulf %get3A_51, %mul3A_53 : vector<768x256xf32>
      %get3A_55 = arith.constant 0 : index
      %get3A_56 = arith.constant 0 : index
      %get3A_57 = vector.load %arg4[%get3A_55, %get3A_56] : memref<768x256xf32, #tpu.memory_space<vmem>>, vector<768x256xf32>
      %mul3A_58 = arith.constant 1.000000e-03 : f32
      %mul3A_59 = vector.broadcast %mul3A_58 : f32 to vector<768x256xf32>
      %mul3A_60 = arith.mulf %get3A_57, %mul3A_59 : vector<768x256xf32>
      %add3A_61 = arith.addf %mul3A_54, %mul3A_60 : vector<768x256xf32>
      %swap3A_62 = arith.constant 0 : index
      %swap3A_63 = arith.constant 0 : index
      %swap3A_64 = vector.load %arg14[%swap3A_62, %swap3A_63] : memref<768x256xf32, #tpu.memory_space<vmem>>, vector<768x256xf32>
      tpu.vector_store %arg14[%swap3A_62, %swap3A_63], %add3A_61 {strides = array<i32>} : memref<768x256xf32, #tpu.memory_space<vmem>>, vector<768x256xf32>,
      %get3A_65 = arith.constant 0 : index
      %get3A_66 = arith.constant 0 : index
      %get3A_67 = vector.load %arg9[%get3A_65, %get3A_66] : memref<1x256xf32, #tpu.memory_space<vmem>>, vector<1x256xf32>
      %mul3A_68 = arith.constant 9.990000e-01 : f32
      %mul3A_69 = vector.broadcast %mul3A_68 : f32 to vector<1x256xf32>
      %mul3A_70 = arith.mulf %get3A_67, %mul3A_69 : vector<1x256xf32>
      %get3A_71 = arith.constant 0 : index
      %get3A_72 = arith.constant 0 : index
      %get3A_73 = vector.load %arg5[%get3A_71, %get3A_72] : memref<1x256xf32, #tpu.memory_space<vmem>>, vector<1x256xf32>
      %mul3A_74 = arith.constant 1.000000e-03 : f32
      %mul3A_75 = vector.broadcast %mul3A_74 : f32 to vector<1x256xf32>
      %mul3A_76 = arith.mulf %get3A_73, %mul3A_75 : vector<1x256xf32>
      %add3A_77 = arith.addf %mul3A_70, %mul3A_76 : vector<1x256xf32>
      %swap3A_78 = arith.constant 0 : index
      %swap3A_79 = arith.constant 0 : index
      %swap3A_80 = vector.load %arg15[%swap3A_78, %swap3A_79] : memref<1x256xf32, #tpu.memory_space<vmem>>, vector<1x256xf32>
      tpu.vector_store %arg15[%swap3A_78, %swap3A_79], %add3A_77 {strides = array<i32>} : memref<1x256xf32, #tpu.memory_space<vmem>>, vector<1x256xf32>,
    } else {
    }
    return
  }
  func.func @transform_0(%arg0: i32) -> (i32, i32) {
    %c0_i32 = arith.constant 0 : i32
    %c0_i32_0 = arith.constant 0 : i32
    return %arg0, %c0_i32 : i32, i32
  }
  func.func @transform_1(%arg0: i32) -> (i32, i32) {
    %c0_i32 = arith.constant 0 : i32
    %c0_i32_0 = arith.constant 0 : i32
    %c0_i32_1 = arith.constant 0 : i32
    return %c0_i32, %c0_i32_0 : i32, i32
  }
  func.func @transform_2(%arg0: i32) -> (i32, i32) {
    %c0_i32 = arith.constant 0 : i32
    %c0_i32_0 = arith.constant 0 : i32
    %c0_i32_1 = arith.constant 0 : i32
    return %c0_i32, %c0_i32_0 : i32, i32
  }
  func.func @transform_3(%arg0: i32) -> (i32, i32) {
    %c0_i32 = arith.constant 0 : i32
    %c0_i32_0 = arith.constant 0 : i32
    %c0_i32_1 = arith.constant 0 : i32
    return %c0_i32, %c0_i32_0 : i32, i32
  }
  func.func @transform_4(%arg0: i32) -> (i32, i32) {
    %c0_i32 = arith.constant 0 : i32
    %c0_i32_0 = arith.constant 0 : i32
    %c0_i32_1 = arith.constant 0 : i32
    return %c0_i32, %c0_i32_0 : i32, i32
  }
  func.func @transform_5(%arg0: i32) -> (i32, i32) {
    %c0_i32 = arith.constant 0 : i32
    %c0_i32_0 = arith.constant 0 : i32
    %c0_i32_1 = arith.constant 0 : i32
    return %c0_i32, %c0_i32_0 : i32, i32
  }
  func.func @transform_6(%arg0: i32) -> (i32, i32) {
    %c0_i32 = arith.constant 0 : i32
    %c0_i32_0 = arith.constant 0 : i32
    %c0_i32_1 = arith.constant 0 : i32
    return %c0_i32, %c0_i32_0 : i32, i32
  }
  func.func @transform_7(%arg0: i32) -> (i32, i32) {
    %c0_i32 = arith.constant 0 : i32
    %c0_i32_0 = arith.constant 0 : i32
    %c0_i32_1 = arith.constant 0 : i32
    return %c0_i32, %c0_i32_0 : i32, i32
  }
  func.func @transform_8(%arg0: i32) -> (i32, i32) {
    %c0_i32 = arith.constant 0 : i32
    %c0_i32_0 = arith.constant 0 : i32
    %c0_i32_1 = arith.constant 0 : i32
    return %c0_i32, %c0_i32_0 : i32, i32
  }
  func.func @transform_9(%arg0: i32) -> (i32, i32) {
    %c0_i32 = arith.constant 0 : i32
    %c0_i32_0 = arith.constant 0 : i32
    return %arg0, %c0_i32 : i32, i32
  }
  func.func @transform_10(%arg0: i32) -> (i32, i32) {
    %c0_i32 = arith.constant 0 : i32
    %c0_i32_0 = arith.constant 0 : i32
    return %arg0, %c0_i32 : i32, i32
  }
  func.func @transform_11(%arg0: i32) -> (i32, i32) {
    %c0_i32 = arith.constant 0 : i32
    %c0_i32_0 = arith.constant 0 : i32
    %c0_i32_1 = arith.constant 0 : i32
    return %c0_i32, %c0_i32_0 : i32, i32
  }
  func.func @transform_12(%arg0: i32) -> (i32, i32) {
    %c0_i32 = arith.constant 0 : i32
    %c0_i32_0 = arith.constant 0 : i32
    %c0_i32_1 = arith.constant 0 : i32
    return %c0_i32, %c0_i32_0 : i32, i32
  }
  func.func @transform_13(%arg0: i32) -> (i32, i32) {
    %c0_i32 = arith.constant 0 : i32
    %c0_i32_0 = arith.constant 0 : i32
    %c0_i32_1 = arith.constant 0 : i32
    return %c0_i32, %c0_i32_0 : i32, i32
  }
  func.func @transform_14(%arg0: i32) -> (i32, i32) {
    %c0_i32 = arith.constant 0 : i32
    %c0_i32_0 = arith.constant 0 : i32
    %c0_i32_1 = arith.constant 0 : i32
    return %c0_i32, %c0_i32_0 : i32, i32
  }
}

module attributes {stable_mosaic.version = 14 : i64} {
  func.func @_fused_body(%arg0: i32, %arg1: memref<256x768xf32, #tpu.memory_space<vmem>>, %arg2: memref<256x768xf32, #tpu.memory_space<vmem>>, %arg3: memref<768x768xf32, #tpu.memory_space<vmem>>, %arg4: memref<1x768xf32, #tpu.memory_space<vmem>>, %arg5: memref<768x256xf32, #tpu.memory_space<vmem>>, %arg6: memref<1x256xf32, #tpu.memory_space<vmem>>, %arg7: memref<768x768xf32, #tpu.memory_space<vmem>>, %arg8: memref<1x768xf32, #tpu.memory_space<vmem>>, %arg9: memref<768x256xf32, #tpu.memory_space<vmem>>, %arg10: memref<1x256xf32, #tpu.memory_space<vmem>>, %arg11: memref<8192x256xf32, #tpu.memory_space<vmem>>, %arg12: memref<1x8192xf32, #tpu.memory_space<vmem>>, %arg13: memref<256x256xf32, #tpu.memory_space<vmem>>, %arg14: memref<256x256xf32, #tpu.memory_space<vmem>>, %arg15: memref<256x1xi32, #tpu.memory_space<vmem>>, %arg16: memref<1x1xf32, #tpu.memory_space<vmem>>) attributes {dimension_semantics = [#tpu.dimension_semantics<arbitrary>], iteration_bounds = array<i64: 18>, scalar_prefetch = 0 : i64, scratch_operands = 0 : i64, tpu.core_type = #tpu.core_type<tc>, window_params = [{transform_indices = @transform_0, window_bounds = array<i64: 256, 768>}, {transform_indices = @transform_1, window_bounds = array<i64: 256, 768>}, {pipeline_mode = #tpu.pipeline_mode<synchronous>, transform_indices = @transform_2, window_bounds = array<i64: 768, 768>}, {pipeline_mode = #tpu.pipeline_mode<synchronous>, transform_indices = @transform_3, window_bounds = array<i64: 1, 768>}, {pipeline_mode = #tpu.pipeline_mode<synchronous>, transform_indices = @transform_4, window_bounds = array<i64: 768, 256>}, {pipeline_mode = #tpu.pipeline_mode<synchronous>, transform_indices = @transform_5, window_bounds = array<i64: 1, 256>}, {pipeline_mode = #tpu.pipeline_mode<synchronous>, transform_indices = @transform_6, window_bounds = array<i64: 768, 768>}, {pipeline_mode = #tpu.pipeline_mode<synchronous>, transform_indices = @transform_7, window_bounds = array<i64: 1, 768>}, {pipeline_mode = #tpu.pipeline_mode<synchronous>, transform_indices = @transform_8, window_bounds = array<i64: 768, 256>}, {pipeline_mode = #tpu.pipeline_mode<synchronous>, transform_indices = @transform_9, window_bounds = array<i64: 1, 256>}, {pipeline_mode = #tpu.pipeline_mode<synchronous>, transform_indices = @transform_10, window_bounds = array<i64: 8192, 256>}, {pipeline_mode = #tpu.pipeline_mode<synchronous>, transform_indices = @transform_11, window_bounds = array<i64: 1, 8192>}, {transform_indices = @transform_12, window_bounds = array<i64: 256, 256>}, {transform_indices = @transform_13, window_bounds = array<i64: 256, 256>}, {transform_indices = @transform_14, window_bounds = array<i64: 256, 1>}, {pipeline_mode = #tpu.pipeline_mode<synchronous>, transform_indices = @transform_15, window_bounds = array<i64: 1, 1>}]} {
    %get3A = arith.constant 0 : index
    %get3A_0 = arith.constant 0 : index
    %get3A_1 = vector.load %arg1[%get3A, %get3A_0] : memref<256x768xf32, #tpu.memory_space<vmem>>, vector<256x768xf32>
    %get3A_2 = arith.constant 0 : index
    %get3A_3 = arith.constant 0 : index
    %get3A_4 = vector.load %arg3[%get3A_2, %get3A_3] : memref<768x768xf32, #tpu.memory_space<vmem>>, vector<768x768xf32>
    %dot_general3A = arith.constant dense<0.000000e+00> : vector<256x768xf32>
    %dot_general3A_5 = tpu.matmul %get3A_1, %get3A_4, %dot_general3A {dimension_numbers = #tpu.dot_dimension_numbers<[1], [0], [0], [1], [0, 0, 1, 1], [], []>, transpose_lhs_hint = false} : vector<256x768xf32>, vector<768x768xf32>, vector<256x768xf32> -> vector<256x768xf32>
    %get3A_6 = arith.constant 0 : index
    %get3A_7 = arith.constant 0 : index
    %get3A_8 = vector.load %arg4[%get3A_6, %get3A_7] : memref<1x768xf32, #tpu.memory_space<vmem>>, vector<1x768xf32>
    %add3A = vector.broadcast %get3A_8 : vector<1x768xf32> to vector<256x768xf32>
    %add3A_9 = arith.addf %dot_general3A_5, %add3A : vector<256x768xf32>
    %max3A = arith.constant 0.000000e+00 : f32
    %max3A_10 = vector.broadcast %max3A : f32 to vector<256x768xf32>
    %max3A_11 = arith.maximumf %add3A_9, %max3A_10 : vector<256x768xf32>
    %get3A_12 = arith.constant 0 : index
    %get3A_13 = arith.constant 0 : index
    %get3A_14 = vector.load %arg5[%get3A_12, %get3A_13] : memref<768x256xf32, #tpu.memory_space<vmem>>, vector<768x256xf32>
    %dot_general3A_15 = arith.constant dense<0.000000e+00> : vector<256x256xf32>
    %dot_general3A_16 = tpu.matmul %max3A_11, %get3A_14, %dot_general3A_15 {dimension_numbers = #tpu.dot_dimension_numbers<[1], [0], [0], [1], [0, 0, 1, 1], [], []>, transpose_lhs_hint = false} : vector<256x768xf32>, vector<768x256xf32>, vector<256x256xf32> -> vector<256x256xf32>
    %get3A_17 = arith.constant 0 : index
    %get3A_18 = arith.constant 0 : index
    %get3A_19 = vector.load %arg6[%get3A_17, %get3A_18] : memref<1x256xf32, #tpu.memory_space<vmem>>, vector<1x256xf32>
    %add3A_20 = vector.broadcast %get3A_19 : vector<1x256xf32> to vector<256x256xf32>
    %add3A_21 = arith.addf %dot_general3A_16, %add3A_20 : vector<256x256xf32>
    %swap3A = arith.constant 0 : index
    %swap3A_22 = arith.constant 0 : index
    %swap3A_23 = vector.load %arg13[%swap3A, %swap3A_22] : memref<256x256xf32, #tpu.memory_space<vmem>>, vector<256x256xf32>
    tpu.vector_store %arg13[%swap3A, %swap3A_22], %add3A_21 {strides = array<i32>} : memref<256x256xf32, #tpu.memory_space<vmem>>, vector<256x256xf32>,
    %mul3A = arith.mulf %add3A_21, %add3A_21 : vector<256x256xf32>
    %reduce_sum3A = arith.constant dense<0.000000e+00> : vector<256xf32>
    %reduce_sum3A_24 = vector.multi_reduction <add>, %mul3A, %reduce_sum3A [1] : vector<256x256xf32> to vector<256xf32>
    %broadcast_in_dim3A = vector.shape_cast %reduce_sum3A_24 : vector<256xf32> to vector<256x1xf32>
    %sqrt3A = math.sqrt %broadcast_in_dim3A : vector<256x1xf32>
    %add3A_25 = arith.constant 9.99999996E-13 : f32
    %add3A_26 = vector.broadcast %add3A_25 : f32 to vector<256x1xf32>
    %add3A_27 = arith.addf %sqrt3A, %add3A_26 : vector<256x1xf32>
    %div3A = vector.broadcast %add3A_27 : vector<256x1xf32> to vector<256x256xf32>
    %div3A_28 = arith.divf %add3A_21, %div3A : vector<256x256xf32>
    %swap3A_29 = arith.constant 0 : index
    %swap3A_30 = arith.constant 0 : index
    %swap3A_31 = vector.load %arg14[%swap3A_29, %swap3A_30] : memref<256x256xf32, #tpu.memory_space<vmem>>, vector<256x256xf32>
    tpu.vector_store %arg14[%swap3A_29, %swap3A_30], %div3A_28 {strides = array<i32>} : memref<256x256xf32, #tpu.memory_space<vmem>>, vector<256x256xf32>,
    %get3A_32 = arith.constant 0 : index
    %get3A_33 = arith.constant 0 : index
    %get3A_34 = vector.load %arg2[%get3A_32, %get3A_33] : memref<256x768xf32, #tpu.memory_space<vmem>>, vector<256x768xf32>
    %get3A_35 = arith.constant 0 : index
    %get3A_36 = arith.constant 0 : index
    %get3A_37 = vector.load %arg7[%get3A_35, %get3A_36] : memref<768x768xf32, #tpu.memory_space<vmem>>, vector<768x768xf32>
    %dot_general3A_38 = arith.constant dense<0.000000e+00> : vector<256x768xf32>
    %dot_general3A_39 = tpu.matmul %get3A_34, %get3A_37, %dot_general3A_38 {dimension_numbers = #tpu.dot_dimension_numbers<[1], [0], [0], [1], [0, 0, 1, 1], [], []>, transpose_lhs_hint = false} : vector<256x768xf32>, vector<768x768xf32>, vector<256x768xf32> -> vector<256x768xf32>
    %get3A_40 = arith.constant 0 : index
    %get3A_41 = arith.constant 0 : index
    %get3A_42 = vector.load %arg8[%get3A_40, %get3A_41] : memref<1x768xf32, #tpu.memory_space<vmem>>, vector<1x768xf32>
    %add3A_43 = vector.broadcast %get3A_42 : vector<1x768xf32> to vector<256x768xf32>
    %add3A_44 = arith.addf %dot_general3A_39, %add3A_43 : vector<256x768xf32>
    %max3A_45 = arith.constant 0.000000e+00 : f32
    %max3A_46 = vector.broadcast %max3A_45 : f32 to vector<256x768xf32>
    %max3A_47 = arith.maximumf %add3A_44, %max3A_46 : vector<256x768xf32>
    %get3A_48 = arith.constant 0 : index
    %get3A_49 = arith.constant 0 : index
    %get3A_50 = vector.load %arg9[%get3A_48, %get3A_49] : memref<768x256xf32, #tpu.memory_space<vmem>>, vector<768x256xf32>
    %dot_general3A_51 = arith.constant dense<0.000000e+00> : vector<256x256xf32>
    %dot_general3A_52 = tpu.matmul %max3A_47, %get3A_50, %dot_general3A_51 {dimension_numbers = #tpu.dot_dimension_numbers<[1], [0], [0], [1], [0, 0, 1, 1], [], []>, transpose_lhs_hint = false} : vector<256x768xf32>, vector<768x256xf32>, vector<256x256xf32> -> vector<256x256xf32>
    %get3A_53 = arith.constant 0 : index
    %get3A_54 = arith.constant 0 : index
    %get3A_55 = vector.load %arg10[%get3A_53, %get3A_54] : memref<1x256xf32, #tpu.memory_space<vmem>>, vector<1x256xf32>
    %add3A_56 = vector.broadcast %get3A_55 : vector<1x256xf32> to vector<256x256xf32>
    %add3A_57 = arith.addf %dot_general3A_52, %add3A_56 : vector<256x256xf32>
    %mul3A_58 = arith.mulf %add3A_57, %add3A_57 : vector<256x256xf32>
    %reduce_sum3A_59 = arith.constant dense<0.000000e+00> : vector<256xf32>
    %reduce_sum3A_60 = vector.multi_reduction <add>, %mul3A_58, %reduce_sum3A_59 [1] : vector<256x256xf32> to vector<256xf32>
    %broadcast_in_dim3A_61 = vector.shape_cast %reduce_sum3A_60 : vector<256xf32> to vector<256x1xf32>
    %sqrt3A_62 = math.sqrt %broadcast_in_dim3A_61 : vector<256x1xf32>
    %add3A_63 = arith.constant 9.99999996E-13 : f32
    %add3A_64 = vector.broadcast %add3A_63 : f32 to vector<256x1xf32>
    %add3A_65 = arith.addf %sqrt3A_62, %add3A_64 : vector<256x1xf32>
    %div3A_66 = vector.broadcast %add3A_65 : vector<256x1xf32> to vector<256x256xf32>
    %div3A_67 = arith.divf %add3A_57, %div3A_66 : vector<256x256xf32>
    %sub3A = arith.subf %div3A_28, %div3A_67 : vector<256x256xf32>
    %mul3A_68 = arith.mulf %sub3A, %sub3A : vector<256x256xf32>
    %reduce_sum3A_69 = vector.shape_cast %mul3A_68 : vector<256x256xf32> to vector<1x256x256xf32>
    %reduce_sum3A_70 = arith.constant dense<0.000000e+00> : vector<1xf32>
    %reduce_sum3A_71 = vector.multi_reduction <add>, %reduce_sum3A_69, %reduce_sum3A_70 [1, 2] : vector<1x256x256xf32> to vector<1xf32>
    %reduce_sum3A_72 = vector.shape_cast %reduce_sum3A_71 : vector<1xf32> to vector<1x1x1xf32>
    %reduce_sum3A_73 = vector.extract %reduce_sum3A_72[0, 0, 0] : f32 from vector<1x1x1xf32>
    %reshape3A = vector.broadcast %reduce_sum3A_73 : f32 to vector<1x1xf32>
    %eq3A = arith.constant 0 : i32
    %eq3A_74 = arith.cmpi eq, %arg0, %eq3A : i32
    %convert_element_type3A = arith.extui %eq3A_74 : i1 to i32
    %cond3A = arith.constant 0 : i32
    %cond3A_75 = arith.cmpi ne, %convert_element_type3A, %cond3A : i32
    scf.if %cond3A_75 {
      %broadcast_in_dim3A_112 = arith.constant 0.000000e+00 : f32
      %broadcast_in_dim3A_113 = vector.broadcast %broadcast_in_dim3A_112 : f32 to vector<1x1xf32>
      %swap3A_114 = arith.constant 0 : index
      %swap3A_115 = arith.constant 0 : index
      %swap3A_116 = vector.load %arg16[%swap3A_114, %swap3A_115] : memref<1x1xf32, #tpu.memory_space<vmem>>, vector<1x1xf32>
      tpu.vector_store %arg16[%swap3A_114, %swap3A_115], %broadcast_in_dim3A_113 {strides = array<i32>} : memref<1x1xf32, #tpu.memory_space<vmem>>, vector<1x1xf32>,
    } else {
    }
    %get3A_76 = arith.constant 0 : index
    %get3A_77 = arith.constant 0 : index
    %get3A_78 = vector.load %arg16[%get3A_76, %get3A_77] : memref<1x1xf32, #tpu.memory_space<vmem>>, vector<1x1xf32>
    %add3A_79 = arith.addf %get3A_78, %reshape3A : vector<1x1xf32>
    %swap3A_80 = arith.constant 0 : index
    %swap3A_81 = arith.constant 0 : index
    %swap3A_82 = vector.load %arg16[%swap3A_80, %swap3A_81] : memref<1x1xf32, #tpu.memory_space<vmem>>, vector<1x1xf32>
    tpu.vector_store %arg16[%swap3A_80, %swap3A_81], %add3A_79 {strides = array<i32>} : memref<1x1xf32, #tpu.memory_space<vmem>>, vector<1x1xf32>,
    %eq3A_83 = arith.constant 17 : i32
    %eq3A_84 = arith.cmpi eq, %arg0, %eq3A_83 : i32
    %convert_element_type3A_85 = arith.extui %eq3A_84 : i1 to i32
    %cond3A_86 = arith.constant 0 : i32
    %cond3A_87 = arith.cmpi ne, %convert_element_type3A_85, %cond3A_86 : i32
    scf.if %cond3A_87 {
      %get3A_112 = arith.constant 0 : index
      %get3A_113 = arith.constant 0 : index
      %get3A_114 = vector.load %arg16[%get3A_112, %get3A_113] : memref<1x1xf32, #tpu.memory_space<vmem>>, vector<1x1xf32>
      %div3A_115 = arith.constant 0x49900000 : f32
      %div3A_116 = vector.broadcast %div3A_115 : f32 to vector<1x1xf32>
      %div3A_117 = arith.divf %get3A_114, %div3A_116 : vector<1x1xf32>
      %swap3A_118 = arith.constant 0 : index
      %swap3A_119 = arith.constant 0 : index
      %swap3A_120 = vector.load %arg16[%swap3A_118, %swap3A_119] : memref<1x1xf32, #tpu.memory_space<vmem>>, vector<1x1xf32>
      tpu.vector_store %arg16[%swap3A_118, %swap3A_119], %div3A_117 {strides = array<i32>} : memref<1x1xf32, #tpu.memory_space<vmem>>, vector<1x1xf32>,
    } else {
    }
    %get3A_88 = arith.constant 0 : index
    %get3A_89 = arith.constant 0 : index
    %get3A_90 = vector.load %arg11[%get3A_88, %get3A_89] : memref<8192x256xf32, #tpu.memory_space<vmem>>, vector<8192x256xf32>
    %dot_general3A_91 = arith.constant dense<0.000000e+00> : vector<256x8192xf32>
    %dot_general3A_92 = tpu.matmul %div3A_28, %get3A_90, %dot_general3A_91 {dimension_numbers = #tpu.dot_dimension_numbers<[1], [1], [0], [0], [0, 0, 1, 0], [], []>, transpose_lhs_hint = false} : vector<256x256xf32>, vector<8192x256xf32>, vector<256x8192xf32> -> vector<256x8192xf32>
    %get3A_93 = arith.constant 0 : index
    %get3A_94 = arith.constant 0 : index
    %get3A_95 = vector.load %arg12[%get3A_93, %get3A_94] : memref<1x8192xf32, #tpu.memory_space<vmem>>, vector<1x8192xf32>
    %mul3A_96 = arith.constant 2.000000e+00 : f32
    %mul3A_97 = vector.broadcast %mul3A_96 : f32 to vector<256x8192xf32>
    %mul3A_98 = arith.mulf %mul3A_97, %dot_general3A_92 : vector<256x8192xf32>
    %sub3A_99 = vector.broadcast %get3A_95 : vector<1x8192xf32> to vector<256x8192xf32>
    %sub3A_100 = arith.subf %sub3A_99, %mul3A_98 : vector<256x8192xf32>
    %reduce_min3A = arith.constant dense<0x7F800000> : vector<256xf32>
    %reduce_min3A_101 = vector.multi_reduction <minimumf>, %sub3A_100, %reduce_min3A [1] : vector<256x8192xf32> to vector<256xf32>
    %broadcast_in_dim3A_102 = vector.shape_cast %reduce_min3A_101 : vector<256xf32> to vector<256x1xf32>
    %iota3A = tpu.iota {dimensions = array<i32: 1>} : vector<256x8192xi32>
    %eq3A_103 = vector.broadcast %broadcast_in_dim3A_102 : vector<256x1xf32> to vector<256x8192xf32>
    %eq3A_104 = arith.cmpf oeq, %sub3A_100, %eq3A_103 : vector<256x8192xf32>
    %jit3A = arith.constant 8192 : i32
    %broadcast_in_dim3A_105 = vector.broadcast %jit3A : i32 to vector<256x8192xi32>
    %select_n3A = arith.select %eq3A_104, %iota3A, %broadcast_in_dim3A_105 : vector<256x8192xi1>, vector<256x8192xi32>
    %reduce_min3A_106 = arith.constant dense<2147483647> : vector<256xi32>
    %reduce_min3A_107 = vector.multi_reduction <minsi>, %select_n3A, %reduce_min3A_106 [1] : vector<256x8192xi32> to vector<256xi32>
    %broadcast_in_dim3A_108 = vector.shape_cast %reduce_min3A_107 : vector<256xi32> to vector<256x1xi32>
    %swap3A_109 = arith.constant 0 : index
    %swap3A_110 = arith.constant 0 : index
    %swap3A_111 = vector.load %arg15[%swap3A_109, %swap3A_110] : memref<256x1xi32, #tpu.memory_space<vmem>>, vector<256x1xi32>
    tpu.vector_store %arg15[%swap3A_109, %swap3A_110], %broadcast_in_dim3A_108 {strides = array<i32>} : memref<256x1xi32, #tpu.memory_space<vmem>>, vector<256x1xi32>,
    return
  }
  func.func @transform_0(%arg0: i32) -> (i32, i32) {
    %c0_i32 = arith.constant 0 : i32
    %c0_i32_0 = arith.constant 0 : i32
    return %arg0, %c0_i32 : i32, i32
  }
  func.func @transform_1(%arg0: i32) -> (i32, i32) {
    %c0_i32 = arith.constant 0 : i32
    %c0_i32_0 = arith.constant 0 : i32
    return %arg0, %c0_i32 : i32, i32
  }
  func.func @transform_2(%arg0: i32) -> (i32, i32) {
    %c0_i32 = arith.constant 0 : i32
    %c0_i32_0 = arith.constant 0 : i32
    %c0_i32_1 = arith.constant 0 : i32
    return %c0_i32, %c0_i32_0 : i32, i32
  }
  func.func @transform_3(%arg0: i32) -> (i32, i32) {
    %c0_i32 = arith.constant 0 : i32
    %c0_i32_0 = arith.constant 0 : i32
    %c0_i32_1 = arith.constant 0 : i32
    return %c0_i32, %c0_i32_0 : i32, i32
  }
  func.func @transform_4(%arg0: i32) -> (i32, i32) {
    %c0_i32 = arith.constant 0 : i32
    %c0_i32_0 = arith.constant 0 : i32
    %c0_i32_1 = arith.constant 0 : i32
    return %c0_i32, %c0_i32_0 : i32, i32
  }
  func.func @transform_5(%arg0: i32) -> (i32, i32) {
    %c0_i32 = arith.constant 0 : i32
    %c0_i32_0 = arith.constant 0 : i32
    %c0_i32_1 = arith.constant 0 : i32
    return %c0_i32, %c0_i32_0 : i32, i32
  }
  func.func @transform_6(%arg0: i32) -> (i32, i32) {
    %c0_i32 = arith.constant 0 : i32
    %c0_i32_0 = arith.constant 0 : i32
    %c0_i32_1 = arith.constant 0 : i32
    return %c0_i32, %c0_i32_0 : i32, i32
  }
  func.func @transform_7(%arg0: i32) -> (i32, i32) {
    %c0_i32 = arith.constant 0 : i32
    %c0_i32_0 = arith.constant 0 : i32
    %c0_i32_1 = arith.constant 0 : i32
    return %c0_i32, %c0_i32_0 : i32, i32
  }
  func.func @transform_8(%arg0: i32) -> (i32, i32) {
    %c0_i32 = arith.constant 0 : i32
    %c0_i32_0 = arith.constant 0 : i32
    %c0_i32_1 = arith.constant 0 : i32
    return %c0_i32, %c0_i32_0 : i32, i32
  }
  func.func @transform_9(%arg0: i32) -> (i32, i32) {
    %c0_i32 = arith.constant 0 : i32
    %c0_i32_0 = arith.constant 0 : i32
    %c0_i32_1 = arith.constant 0 : i32
    return %c0_i32, %c0_i32_0 : i32, i32
  }
  func.func @transform_10(%arg0: i32) -> (i32, i32) {
    %c0_i32 = arith.constant 0 : i32
    %c0_i32_0 = arith.constant 0 : i32
    %c0_i32_1 = arith.constant 0 : i32
    return %c0_i32, %c0_i32_0 : i32, i32
  }
  func.func @transform_11(%arg0: i32) -> (i32, i32) {
    %c0_i32 = arith.constant 0 : i32
    %c0_i32_0 = arith.constant 0 : i32
    %c0_i32_1 = arith.constant 0 : i32
    return %c0_i32, %c0_i32_0 : i32, i32
  }
  func.func @transform_12(%arg0: i32) -> (i32, i32) {
    %c0_i32 = arith.constant 0 : i32
    %c0_i32_0 = arith.constant 0 : i32
    return %arg0, %c0_i32 : i32, i32
  }
  func.func @transform_13(%arg0: i32) -> (i32, i32) {
    %c0_i32 = arith.constant 0 : i32
    %c0_i32_0 = arith.constant 0 : i32
    return %arg0, %c0_i32 : i32, i32
  }
  func.func @transform_14(%arg0: i32) -> (i32, i32) {
    %c0_i32 = arith.constant 0 : i32
    %c0_i32_0 = arith.constant 0 : i32
    return %arg0, %c0_i32 : i32, i32
  }
  func.func @transform_15(%arg0: i32) -> (i32, i32) {
    %c0_i32 = arith.constant 0 : i32
    %c0_i32_0 = arith.constant 0 : i32
    %c0_i32_1 = arith.constant 0 : i32
    return %c0_i32, %c0_i32_0 : i32, i32
  }
}

</mosaic_0001>

<sc_bundles>
// kernel: kernel.5.cloned.1.call-start
scs
__scs_entry_jumppad:
0x0: {  	(pc) =	sbr.rel $0x88, $3  }
0x1: {  	(tag) =	ssettag $0x0;
	lr =	simm.s32 $0x1  }
0x2: {  	[smem:$0x3F95] =	sst lr;
	_ =	strace $0xD0000000  }
0x3: {  	_ = 	snop  }
0x4: {  	_ = 	snop  }
0x5: {  	_ = 	snop  }
0x6: {  	_ = 	snop  }
0x7: {  	_ = 	snop  }
__scs_overlays_trampoline_lowered:
0x8: {  	[smem:$0x3FA4] =	sst s0  }
0x9: {  	[smem:$0x3FA5] =	sst s1  }
0xa: {  	[smem:$0x3FA6] =	sst s2  }
0xb: {  	[smem:$0x3FA7] =	sst s3  }
0xc: {  	[smem:$0x3FA8] =	sst s4  }
0xd: {  	[smem:$0x3FA9] =	sst s5  }
0xe: {  	[smem:$0x3FAA] =	sst s6  }
0xf: {  	[smem:$0x3FAB] =	sst s7  }
0x10: {  	[smem:$0x3FAC] =	sst s8  }
0x11: {  	[smem:$0x3FAD] =	sst s9;
	s0 =	simm.s32 @!p0 $0x0  }
0x12: {  	s1 =	sld [smem:$0x3F93];
	s0 =	simm.s32 @p0 $0x1  }
0x13: {  	[smem:$0x3FAE] =	sst s0;
	s0 =	simm.s32 @!p1 $0x0  }
0x14: {  	s2 =	sld [smem:$0x3F92];
	s0 =	simm.s32 @p1 $0x1  }
0x15: {  	[smem:$0x3FAF] =	sst s0;
	s0 =	simm.s32 @!p2 $0x0  }
0x16: {  	s3 =	sld [smem:$0x3FDB];
	s0 =	simm.s32 @p2 $0x1  }
0x17: {  	s4 =	simm.s32 $0x1BF5;
	[smem:$0x3FB1] =	sst s0  }
0x18: {  	s0 =	sld [smem:$0x3F94];
	_ =	swait.ge [sflag:s4], $0x0  }
0x19: {  	s7 =	sld [smem:$0x3F95]  }
0x1a: {  	s8 =	sadd.s32 $0xFFFFE003, lr  }
0x1b: {  	s9 =	sadd.s32 $0xFFFFFEF7, lr;
	s5 =	simm.s32 $0xFFFFFFFF;
	p2 =	slt.u32 s8, $0xFFFFF086  }
0x1c: {  	p1 =	slt.u32 s9, $0xF7A;
	s5 =	simm.s32 @!p2 $0x0  }
0x1d: {  	s5 =	simm.s32 @p1 $0x1;
	p0 =	seq.s32 s7, s2  }
0x1e: {  	s7 =	smul.u32 @!p0 $0xF7A, s2;
	p2 =	seq.s32 @!p0 s5, $0x0  }
0x1f: {  	s9 =	smul.u32 $0xF7A, s1;
	s8 =	simm.s32 @!p0 $0x1BF5;
	p2 =	por !p2, p0  }
0x20: {  	[sflag:s8] =	ssyncset.s32 @!p0 $0xFFFFF086;
	s6 =	sadd.s32 @!p0 s3, s7;
	s7 =	simm.s32 @!p0 $0x108  }
0x21: {  	s3 =	sadd.s32 s3, s9;
	s6 =	sadd.s32 @!p0 $0x88, s6;
	s7 =	simm.s32 @p2 $0x1082  }
0x22: {  	[simem:s7], [sflag:s8] =	dma.local @!p0 [hbm:s6], $0xF7A  }
0x23: {  	s9 =	sor.u32 $0xD0000000, s2;
	s6 =	simm.s32 $0x108;
	_ =	swait.ge @!p0 [sflag:s8], $0x0  }
0x24: {  	s3 =	sadd.s32 $0x88, s3;
	s6 =	simm.s32 @!p1 $0x1082;
	[sflag:s4] =	ssyncset.s32 $0xFFFFF086  }
0x25: {  	[simem:s6], [sflag:s4] =	dma.local [hbm:s3], $0xF7A  }
0x26: {  	[smem:$0x3F95] =	sst s1;
	(tag) =	ssettag s2;
	_ =	strace s9  }
0x27: {  	s1 =	sld [smem:$0x3FA5]  }
0x28: {  	s2 =	sld [smem:$0x3FA6]  }
0x29: {  	s4 =	sld [smem:$0x3FA8]  }
0x2a: {  	p0 =	seq.s32 s5, $0x0;
	s5 =	sld [smem:$0x3FA9]  }
0x2b: {  	s6 =	sld [smem:$0x3FAA]  }
0x2c: {  	s7 =	sld [smem:$0x3FAB]  }
0x2d: {  	s3 =	simm.s32 $0x108;
	s8 =	sld [smem:$0x3FAC]  }
0x2e: {  	s3 =	simm.s32 @!p0 $0x1082;
	s9 =	sld [smem:$0x3FAD]  }
0x2f: {  	lr =	sadd.s32 s0, s3;
	s0 =	sld [smem:$0x3FA4]  }
0x30: {  	s3 =	sld [smem:$0x3FA7]  }
0x31: {  	[smem:$0x3FB0] =	sst s10  }
0x32: {  	s10 =	sld [smem:$0x3FAE];
	_ =	sdelay $0x3  }
0x33: {  	p0 =	seq.s32 s10, $0x1;
	s10 =	sld [smem:$0x3FB0];
	_ =	sdelay $0x3  }
0x34: {  	[smem:$0x3FB0] =	sst s10  }
0x35: {  	s10 =	sld [smem:$0x3FAF];
	_ =	sdelay $0x3  }
0x36: {  	p1 =	seq.s32 s10, $0x1;
	s10 =	sld [smem:$0x3FB0];
	_ =	sdelay $0x3  }
0x37: {  	[smem:$0x3FB0] =	sst s10  }
0x38: {  	s10 =	sld [smem:$0x3FB1]  }
0x39: {  	_ = 	snop;
	(pc) =	sbr.ind lr, $3  }
0x3a: {  	_ = 	snop  }
0x3b: {  	_ = 	snop  }
0x3c: {  	p2 =	seq.s32 s10, $0x1;
	s10 =	sld [smem:$0x3FB0]  }
0x3d: {  	_ =	shalt  }
0x3e: {  	_ =	shalt  }
0x3f: {  	_ =	shalt  }
0x40: {  	_ =	shalt  }
0x41: {  	_ =	shalt  }
0x42: {  	_ =	shalt  }
0x43: {  	_ =	shalt  }
0x44: {  	_ =	shalt  }
0x45: {  	_ =	shalt  }
0x46: {  	_ =	shalt  }
0x47: {  	_ =	shalt  }
0x48: {  	_ =	shalt  }
0x49: {  	_ =	shalt  }
0x4a: {  	_ =	shalt  }
0x4b: {  	_ =	shalt  }
0x4c: {  	_ =	shalt  }
0x4d: {  	_ =	shalt  }
0x4e: {  	_ =	shalt  }
0x4f: {  	_ =	shalt  }
0x50: {  	_ =	shalt  }
0x51: {  	_ =	shalt  }
0x52: {  	_ =	shalt  }
0x53: {  	_ =	shalt  }
0x54: {  	_ =	shalt  }
0x55: {  	_ =	shalt  }
0x56: {  	_ =	shalt  }
0x57: {  	_ =	shalt  }
0x58: {  	_ =	shalt  }
0x59: {  	_ =	shalt  }
0x5a: {  	_ =	shalt  }
0x5b: {  	_ =	shalt  }
0x5c: {  	_ =	shalt  }
0x5d: {  	_ =	shalt  }
0x5e: {  	_ =	shalt  }
0x5f: {  	_ =	shalt  }
0x60: {  	_ =	shalt  }
0x61: {  	_ =	shalt  }
0x62: {  	_ =	shalt  }
0x63: {  	_ =	shalt  }
0x64: {  	_ =	shalt  }
0x65: {  	_ =	shalt  }
0x66: {  	_ =	shalt  }
0x67: {  	_ =	shalt  }
0x68: {  	_ =	shalt  }
0x69: {  	_ =	shalt  }
0x6a: {  	_ =	shalt  }
0x6b: {  	_ =	shalt  }
0x6c: {  	_ =	shalt  }
0x6d: {  	_ =	shalt  }
0x6e: {  	_ =	shalt  }
0x6f: {  	_ =	shalt  }
0x70: {  	_ =	shalt  }
0x71: {  	_ =	shalt  }
0x72: {  	_ =	shalt  }
0x73: {  	_ =	shalt  }
0x74: {  	_ =	shalt  }
0x75: {  	_ =	shalt  }
0x76: {  	_ =	shalt  }
0x77: {  	_ =	shalt  }
0x78: {  	_ =	shalt  }
0x79: {  	_ =	shalt  }
0x7a: {  	_ =	shalt  }
0x7b: {  	_ =	shalt  }
0x7c: {  	_ =	shalt  }
0x7d: {  	_ =	shalt  }
0x7e: {  	_ =	shalt  }
0x7f: {  	_ =	shalt  }
0x80: {  	_ =	shalt  }
0x81: {  	_ =	shalt  }
0x82: {  	_ =	shalt  }
0x83: {  	_ =	shalt  }
0x84: {  	_ =	shalt  }
0x85: {  	_ =	shalt  }
0x86: {  	_ =	shalt  }
0x87: {  	_ =	shalt  }
.Lfunc_end0:
.L_simem_size_0:
called_computation_lowered:
.L_overlay_start_0:
0x88: {  	s2 =	sld [smem:$0x3FD9]  }
0x89: {  	s3 =	sld [smem:$0x3FFE];
	_ =	sdelay $0x1  }
0x8a: {  	s1 =	srdreg.scid  }
0x8b: {  	s0 =	sand.u32 $0x1, s1  }
0x8c: {  	s14 =	sshll.u32 s0, $0xA;
	s2 =	sadd.s32 s3, s2  }
0x8d: {  	s2 =	sadd.s32 s2, s14  }
0x8e: {  	[smem:$0x3FBC] =	sst s2  }
0x8f: {  	_ = 	snop  }
0x90: {  	s2 =	sld [smem:$0x3FD0];
	_ =	sdelay $0x2  }
0x91: {  	s4 =	simm.s32 $0xA;
	s5 =	simm.s32 $0x10;
	s15 =	sld [smem:$0x3FBF]  }
0x92: {  	[smem:s5], [sflag:s4] =	dma.local [hbm:s2], $0x1  }
0x93: {  	_ =	swait.eq [sflag:s4], $0x1  }
0x94: {  	[sflag:s4] =	ssyncset.done $0x0  }
0x95: {  	s16 =	sld [smem:$0x11];
	[sflag:s4] =	ssyncadd.s32 $0xFFFFFFFF  }
0x96: {  	s17 =	sld [smem:$0x12];
	(tm) =	ssettm $0x1  }
0x97: {  	s18 =	sld [smem:$0x3FFB];
	_ =	sdelay $0x3  }
0x98: {  	_ =	strace s18  }
0x99: {  	s5 =	sld [smem:$0x3FFC];
	_ =	sdelay $0x3  }
0x9a: {  	_ =	strace s5  }
0x9b: {  	s5 =	sld [smem:$0x3FFD];
	_ =	sdelay $0x3  }
0x9c: {  	_ =	strace s5  }
0x9d: {  	_ =	strace $0x8FFFFFFF  }
0x9e: {  	s19 =	sld [smem:$0x3FDB];
	_ =	sdelay $0x1  }
0x9f: {  	s6 =	simm.s32 $_scs_section_size  }
0xa0: {  	s7 =	simm.s32 $_size__tile_overlayer_lowered;
	s8 =	simm.s32 $_tile_overlayer_lowered  }
0xa1: {  	s22 =	simm.s32 $0x1BFF;
	s21 =	sshll.u32 s8, $0x1;
	s5 =	sadd.s32 s6, s19  }
0xa2: {  	s9 =	simm.s32 $0x0;
	s20 =	sshll.u32 s7, $0x1;
	s7 =	sadd.s32 s21, s5  }
0xa3: {  	[timem:s9], [sflag:s22] =	dma.local [hbm:s7], s20  }
0xa4: {  	_ =	swait.ge [sflag:s22], s20  }
0xa5: {  	s6 =	ssub.s32 $0x0, s20;
	[sflag:s22] =	ssyncset.done $0x0  }
0xa6: {  	[sflag:s22] =	ssyncadd.s32 s6;
	_ =	sdelay $0x1  }
0xa7: {  	s23 =	simm.s32 $0x1B8B  }
0xa8: {  	_ =	swait.ge [sflag:s23], $0x1  }
0xa9: {  	[sflag:s23] =	ssyncset.done $0x0  }
0xaa: {  	s25 =	simm.s32 $0x1B8E;
	s24 =	sld [smem:$0x3FFE];
	[sflag:s23] =	ssyncadd.s32 $0xFFFFFFFF  }
0xab: {  	s26 =	simm.s32 $execute0_lowered;
	[smem:$0x3FD2] =	sst s25  }
0xac: {  	s7 =	sshll.u32 s26, $0x1;
	_ =	strace $0x80000046;
	[dreg:$0x1] =	wrdreg $0xFFFFFFFF  }
0xad: {  	s28 =	simm.s32 $_size_execute0_lowered;
	s5 =	sadd.s32 s5, s7;
	[dreg:$0x0] =	wrdreg $0x0  }
0xae: {  	s7 =	sshll.u32 s28, $0x1;
	[dreg:$0x2] =	wrdreg s5  }
0xaf: {  	[dreg:$0x3] =	wrdreg s7  }
0xb0: {  	[dreg:$0x4] =	wrdreg $0xC0  }
0xb1: {  	_ =	task [dreg:s9], $0x5FFFF  }
0xb2: {  	[dreg:$0x1] =	wrdreg $0xFFFFFFFF  }
0xb3: {  	[dreg:$0x0] =	wrdreg $0x60  }
0xb4: {  	[dreg:$0x2] =	wrdreg s24  }
0xb5: {  	[dreg:$0x3] =	wrdreg s15  }
0xb6: {  	[dreg:$0x4] =	wrdreg s17  }
0xb7: {  	[dreg:$0x5] =	wrdreg s16  }
0xb8: {  	[dreg:$0x6] =	wrdreg $0x9  }
0xb9: {  	_ =	task.clear_ibuf [dreg:s9], $0x7FFFF;
	_ =	strace $0x90000046  }
0xba: {  	s29 =	simm.s32 $0x9;
	_ =	strace $0x80000048  }
0xbb: {  	_ =	swait.ge [sflag:s29], $0x1  }
0xbc: {  	[sflag:s29] =	ssyncadd.s32 $0xFFFFFFFF  }
0xbd: {  	_ =	strace $0x90000048  }
0xbe: {  	_ =	sfence  }
0xbf: {  	s30 =	sld [smem:$0x0];
	_ =	sdelay $0x2  }
0xc0: {  	s31 =	sshll.u32 s1, $0xD;
	s1 =	sshrl.u32 s1, $0x2  }
0xc1: {  	s3 =	sand.u32 $0x4000, s31;
	s1 =	sadd.s32 s1, s30  }
0xc2: {  	s0 =	sor.u32 s3, s0;
	s1 =	sshll.u32 s1, $0x11  }
0xc3: {  	s0 =	sor.u32 s1, s0  }
0xc4: {  	s0 =	sadd.s32 $0x8F2B, s0  }
0xc5: {  	[sflag:s0] =	ssyncadd.remote.s32 $0x1  }
0xc6: {  	_ =	sfence.sel $0xFFFF  }
0xc7: {  	[dreg:$0x0] =	wrdreg $0xFFFFFFFF;
	(pc) =	sbr.abs _section_cstart, $3  }
0xc8: {  	[dreg:$0x1] =	wrdreg $0xFFFFFFFF  }
0xc9: {  	_ =	task.clear_ibuf [dreg:s9], $0x2FFFF;
	_ =	strace $0x9FFFFFFF  }
0xca: {  	(tm) =	ssettm $0x7FFFFFFF  }
0xcb: {  	_ =	shalt  }
tec
execute0_lowered:
.L_overlay_start_1:
0x0: {  	(tag) =	ssettag $0x1  }
0x1: {  	s7 =	rddreg [dreg:$0x0]  }
0x2: {  	s1 =	rddreg [dreg:$0x1]  }
0x3: {  	s2 =	rddreg [dreg:$0x2];
	s3 =	srdreg.scid  }
0x4: {  	s4 =	stileid.u32;
	s0 =	rddreg [dreg:$0x3]  }
0x5: {  	s28 =	simm.s32 $0x2;
	s30 =	simm.s32 $0x4;
	s5 =	sand.u32 $0x1, s3  }
0x6: {  	s4 =	sshll.u32 s4, $0x1;
	s3 =	simm.s32 $0x0;
	s11 =	sadd.s32 $0x401000, s7  }
0x7: {  	s16 =	sadd.s32 $0x401400, s7;
	s17 =	sadd.s32 $0x401500, s7;
	s6 =	sor.u32 s5, s4  }
0x8: {  	[smem:$0x7FF] =	sst s3;
	s5 =	ssub.s32 $0x2, s5;
	s12 =	smul.u32 $0x90, s6  }
0x9: {  	s4 =	sadd.s32 $0x1000, s7;
	s9 =	smul.u32 $0x1200, s6;
	s21 =	sshrl.u32 s5, $0x1  }
0xa: {  	_ =	strace $0x80000047;
	s14 =	smul.u32 $0x12000, s6;
	s18 =	ssub.s32 s5, s21  }
0xb: {  	s5 =	sadd.s32 $0x1100, s7;
	s8 =	sshrl.u32 s12, $0x3;
	s19 =	sadd.s32 s2, s9  }
0xc: {  	s10 =	sadd.s32 $0x18, s12;
	s23 =	sadd.s32 s16, s14;
	s24 =	sadd.s32 s14, s17  }
0xd: {  	s25 =	sadd.s32 $0x30, s12;
	s9 =	sadd.s32 s0, s9;
	[dreg:$0x6] =	wrdreg s19  }
0xe: {  	s15 =	sadd.s32 $0x48, s12;
	s18 =	smax.u32 s18, $0x1;
	[dreg:$0x9] =	wrdreg s23  }
0xf: {  	s8 =	sadd.s32 s11, s8;
	s20 =	sshrl.u32 s10, $0x3;
	[dreg:$0x1d] =	wrdreg s24  }
0x10: {  	s13 =	sshll.u32 s10, $0x5;
	s19 =	sadd.s32 $0x401510, s7;
	[dreg:$0xa] =	wrdreg s9  }
0x11: {  	s29 =	sshrl.u32 s25, $0x3;
	[dreg:$0x5] =	wrdreg s8;
	s8 =	sadd.s32 s11, s20  }
0x12: {  	s10 =	sshll.u32 s10, $0x9;
	s22 =	sadd.s32 s2, s13;
	[dreg:$0x7] =	wrdreg s8  }
0x13: {  	s21 =	sshrl.u32 s15, $0x3;
	s26 =	sadd.s32 s14, s19;
	[dreg:$0x8] =	wrdreg s22  }
0x14: {  	s23 =	sshll.u32 s15, $0x5;
	s31 =	sadd.s32 s11, s29;
	[dreg:$0x1e] =	wrdreg s26  }
0x15: {  	s15 =	sshll.u32 s15, $0x9;
	s7 =	sadd.s32 s16, s10;
	[dreg:$0xb] =	wrdreg s31  }
0x16: {  	s14 =	sshll.u32 s25, $0x5;
	s20 =	sadd.s32 s0, s13;
	[dreg:$0xd] =	wrdreg s7  }
0x17: {  	s24 =	sadd.s32 s2, s23;
	s29 =	sadd.s32 $0x60, s12;
	[dreg:$0xe] =	wrdreg s20  }
0x18: {  	s13 =	sadd.s32 s0, s23;
	s6 =	sadd.s32 s2, s14;
	[dreg:$0x10] =	wrdreg s24  }
0x19: {  	s22 =	sadd.s32 s11, s21;
	s20 =	sshll.u32 s25, $0x9;
	[dreg:$0x16] =	wrdreg s13  }
0x1a: {  	s25 =	sadd.s32 s10, s17;
	s26 =	sadd.s32 s10, s19;
	[dreg:$0xc] =	wrdreg s6  }
0x1b: {  	s14 =	sadd.s32 s0, s14;
	s8 =	sshll.u32 s29, $0x5;
	[dreg:$0xf] =	wrdreg s22  }
0x1c: {  	s10 =	sadd.s32 s16, s15;
	s24 =	sadd.s32 $0x78, s12;
	[dreg:$0x1f] =	wrdreg s25  }
0x1d: {  	s12 =	sadd.s32 s15, s17;
	s13 =	sadd.s32 s15, s19;
	[smem:$0x7FB] =	sst s26  }
0x1e: {  	s21 =	sadd.s32 s16, s20;
	s31 =	sadd.s32 s20, s17;
	[dreg:$0x12] =	wrdreg s14  }
0x1f: {  	s22 =	sshrl.u32 s29, $0x3;
	s9 =	sadd.s32 s2, s8;
	[dreg:$0x15] =	wrdreg s10  }
0x20: {  	s14 =	sshrl.u32 s24, $0x3;
	s23 =	sshll.u32 s24, $0x5;
	[dreg:$0x11] =	wrdreg s21  }
0x21: {  	s26 =	sadd.s32 s0, s8;
	[smem:$0x7FC] =	sst s31;
	s7 =	sadd.s32 s11, s22  }
0x22: {  	[dreg:$0x14] =	wrdreg s9;
	s11 =	sadd.s32 s11, s14;
	s2 =	sadd.s32 s2, s23  }
0x23: {  	s21 =	sshll.u32 s29, $0x9;
	s29 =	sshll.u32 s24, $0x9;
	[dreg:$0x1a] =	wrdreg s26  }
0x24: {  	s0 =	sadd.s32 s0, s23;
	s26 =	simm.s32 $0x80;
	[dreg:$0x13] =	wrdreg s7  }
0x25: {  	s22 =	simm.s32 $0x1E100;
	[dreg:$0x17] =	wrdreg s11;
	s7 =	sadd.s32 s20, s19  }
0x26: {  	[dreg:$0x18] =	wrdreg s2;
	s25 =	sadd.s32 s16, s21;
	s14 =	sadd.s32 s21, s17  }
0x27: {  	s15 =	sadd.s32 s21, s19;
	s31 =	sadd.s32 s16, s29;
	[dreg:$0x1c] =	wrdreg s0  }
0x28: {  	v0 =	vlaneseq.u32;
	s16 =	sadd.s32 s29, s17;
	s17 =	sadd.s32 s29, s19;
	[smem:$0x7FD] =	sst s7  }
0x29: {  	vm0 =	vmmov $0xffff;
	vm1 =	vmmov $0xff;
	v2 =	vshrl.u32 v0, $0x3;
	s19 =	simm.s32 $0x5;
	s21 =	simm.s32 $0x1;
	[dreg:$0x19] =	wrdreg s25  }
0x2a: {  	v1 =	vand.u32 $0x7, v0;
	v3 =	vor.u32 $0x8, v0;
	v2 =	vmul.u32 $0x8, v2;
	s20 =	simm.s32 $0x1000;
	[dreg:$0x1b] =	wrdreg s31;
	s25 =	simm.s32 $0x3  }
.LBB2_1:
0x2b: {  	s31 =	rddreg [dreg:$0x5]  }
0x2c: {  	[tilespmem:s3], [sflag:$0x5] =	stream.linear.gather [hbm4b:s31+s3], $0x18, $0x38;
	[tilespmem:$0x1F900] =	vst v63  }
0x2d: {  	_ =	swait.ge [sflag:s19], $0x18  }
0x2e: {  	[sflag:s19] =	ssyncset.done $0x0  }
0x2f: {  	[sflag:s19] =	ssyncadd.s32 $0xFFFFFFE8  }
0x30: {  	v4 =	vld [tilespmem:$0x0];
	_ =	sdelay $0x4  }
0x31: {  	v4 =	vshll.u32 v4, $0xC  }
0x32: {  	v4 =	vperm.xlane v4, v0;
	_ =	sdelay $0x4  }
0x33: {  	s0 =	simm.s32 $0x100  }
0x34: {  	[tilespmem:s0], [sflag:$0x1] =	stream.indirect_vreg.gather [hbm4b:s4+s3], $0x800, v4, vm0, $0x38;
	[tilespmem:$0x1F900] =	vst v63  }
0x35: {  	v4 =	vld.msk [tilespmem:$0x10], $0xff;
	_ =	sdelay $0x4  }
0x36: {  	v4 =	vshll.u32 v4, $0xC  }
0x37: {  	v4 =	vperm.xlane v4, v0;
	_ =	sdelay $0x4  }
0x38: {  	s7 =	simm.s32 $0x8100  }
0x39: {  	[tilespmem:s7], [sflag:$0x1] =	stream.indirect_vreg.gather [hbm4b:s4+s3], $0x800, v4, vm1, $0x38;
	[tilespmem:$0x1F900] =	vst v63  }
0x3a: {  	v4 =	vld [tilespmem:$0x0];
	_ =	sdelay $0x4  }
0x3b: {  	v4 =	vshll.u32 v4, $0x5  }
0x3c: {  	v5 =	vperm.xlane v4, v1;
	_ =	sdelay $0x1  }
0x3d: {  	v4 =	vperm.xlane v4, v3;
	v5 =	vadd.s32 v2, v5;
	_ =	sdelay $0x1  }
0x3e: {  	v4 =	vadd.s32 v2, v4;
	_ =	sdelay $0x1  }
0x3f: {  	s8 =	simm.s32 $0x18100  }
0x40: {  	[tilespmem:s8], [sflag:$0x1] =	stream.indirect_vreg.gather [hbm4b:s5+s3], $0x80, v5, vm0, $0xb8;
	[tilespmem:$0x1F900] =	vst v63  }
0x41: {  	s9 =	simm.s32 $0x18900  }
0x42: {  	[tilespmem:s9], [sflag:$0x1] =	stream.indirect_vreg.gather [hbm4b:s5+s3], $0x80, v4, vm0, $0xb8;
	[tilespmem:$0x1F900] =	vst v63  }
0x43: {  	v4 =	vld.msk [tilespmem:$0x10], $0xff;
	_ =	sdelay $0x4  }
0x44: {  	v4 =	vshll.u32 v4, $0x5  }
0x45: {  	v4 =	vperm.xlane v4, v1;
	_ =	sdelay $0x1  }
0x46: {  	v4 =	vadd.s32 v2, v4;
	_ =	sdelay $0x3  }
0x47: {  	s11 =	simm.s32 $0x19100  }
0x48: {  	[tilespmem:s11], [sflag:$0x1] =	stream.indirect_vreg.gather [hbm4b:s5+s3], $0x80, v4, vm0, $0xb8;
	[tilespmem:$0x1F900] =	vst v63  }
0x49: {  	s24 =	simm.s32 $0x19900;
	s10 =	rddreg [dreg:$0x6]  }
0x4a: {  	[tilespmem:s24], [sflag:$0x1] =	stream.linear.gather [hbm4b:s10+s3], $0x1800, $0x38;
	[tilespmem:$0x1F900] =	vst v63  }
0x4b: {  	s2 =	rddreg [dreg:$0x7]  }
0x4c: {  	[tilespmem:s26], [sflag:$0x5] =	stream.linear.gather [hbm4b:s2+s3], $0x18, $0x38;
	[tilespmem:$0x1F900] =	vst v63  }
0x4d: {  	_ =	swait.ge [sflag:s19], $0x18  }
0x4e: {  	[sflag:s19] =	ssyncset.done $0x0  }
0x4f: {  	[sflag:s19] =	ssyncadd.s32 $0xFFFFFFE8  }
0x50: {  	v4 =	vld [tilespmem:$0x80];
	_ =	sdelay $0x4  }
0x51: {  	v4 =	vshll.u32 v4, $0xC  }
0x52: {  	v4 =	vperm.xlane v4, v0;
	_ =	sdelay $0x4  }
0x53: {  	s0 =	simm.s32 $0xC100  }
0x54: {  	[tilespmem:s0], [sflag:$0x2] =	stream.indirect_vreg.gather [hbm4b:s4+s3], $0x800, v4, vm0, $0x38;
	[tilespmem:$0x1F900] =	vst v63  }
0x55: {  	v4 =	vld.msk [tilespmem:$0x90], $0xff;
	_ =	sdelay $0x4  }
0x56: {  	v4 =	vshll.u32 v4, $0xC  }
0x57: {  	v4 =	vperm.xlane v4, v0;
	_ =	sdelay $0x4  }
0x58: {  	s7 =	simm.s32 $0x14100  }
0x59: {  	[tilespmem:s7], [sflag:$0x2] =	stream.indirect_vreg.gather [hbm4b:s4+s3], $0x800, v4, vm1, $0x38;
	[tilespmem:$0x1F900] =	vst v63  }
0x5a: {  	v4 =	vld [tilespmem:$0x80];
	_ =	sdelay $0x4  }
0x5b: {  	v4 =	vshll.u32 v4, $0x5  }
0x5c: {  	v5 =	vperm.xlane v4, v1;
	_ =	sdelay $0x1  }
0x5d: {  	v4 =	vperm.xlane v4, v3;
	v5 =	vadd.s32 v2, v5;
	_ =	sdelay $0x1  }
0x5e: {  	v4 =	vadd.s32 v2, v4;
	_ =	sdelay $0x1  }
0x5f: {  	s8 =	simm.s32 $0x1B100  }
0x60: {  	[tilespmem:s8], [sflag:$0x2] =	stream.indirect_vreg.gather [hbm4b:s5+s3], $0x80, v5, vm0, $0xb8;
	[tilespmem:$0x1F900] =	vst v63  }
0x61: {  	s9 =	simm.s32 $0x1B900  }
0x62: {  	[tilespmem:s9], [sflag:$0x2] =	stream.indirect_vreg.gather [hbm4b:s5+s3], $0x80, v4, vm0, $0xb8;
	[tilespmem:$0x1F900] =	vst v63  }
0x63: {  	v4 =	vld.msk [tilespmem:$0x90], $0xff;
	_ =	sdelay $0x4  }
0x64: {  	v4 =	vshll.u32 v4, $0x5  }
0x65: {  	v4 =	vperm.xlane v4, v1;
	_ =	sdelay $0x1  }
0x66: {  	v4 =	vadd.s32 v2, v4;
	_ =	sdelay $0x3  }
0x67: {  	s11 =	simm.s32 $0x1C100  }
0x68: {  	[tilespmem:s11], [sflag:$0x2] =	stream.indirect_vreg.gather [hbm4b:s5+s3], $0x80, v4, vm0, $0xb8;
	[tilespmem:$0x1F900] =	vst v63  }
0x69: {  	s31 =	simm.s32 $0x1C900;
	s10 =	rddreg [dreg:$0x8]  }
0x6a: {  	[tilespmem:s31], [sflag:$0x2] =	stream.linear.gather [hbm4b:s10+s3], $0x1800, $0x38;
	[tilespmem:$0x1F900] =	vst v63  }
0x6b: {  	_ =	swait.ge [sflag:s21], $0xC000  }
0x6c: {  	[sflag:s21] =	ssyncset.done $0x0  }
0x6d: {  	[sflag:s21] =	ssyncadd.s32 $0xFFFF4000  }
0x6e: {  	_ =	swait.ge [sflag:s21], $0x1800  }
0x6f: {  	[sflag:s21] =	ssyncset.done $0x0  }
0x70: {  	[sflag:s21] =	ssyncadd.s32 $0xFFFFE800  }
0x71: {  	_ =	swait.ge [sflag:s21], $0x1800  }
0x72: {  	s6 =	simm.s32 $0x100;
	[sflag:s21] =	ssyncset.done $0x0  }
0x73: {  	s8 =	simm.s32 $0x800;
	s7 =	rddreg [dreg:$0x9];
	[sflag:s21] =	ssyncadd.s32 $0xFFFFE800  }
0x74: {  	[hbm4b:s7+s8] =	stream.strided.scatter [tilespmem:s6], [sflag:$0x3], $0xC000, s20, s8, $0x38;
	[tilespmem:$0x1F900] =	vst v63  }
0x75: {  	s0 =	rddreg [dreg:$0x1d];
	s7 =	simm.s32 $0x18100  }
0x76: {  	[hbm4b:s0+s26] =	stream.strided.scatter [tilespmem:s7], [sflag:$0x3], $0x400, s20, s26, $0x38;
	[tilespmem:$0x1F900] =	vst v63  }
0x77: {  	s11 =	simm.s32 $0x18500;
	s9 =	sadd.s32 $0x80, s0  }
0x78: {  	[hbm4b:s9+s26] =	stream.strided.scatter [tilespmem:s11], [sflag:$0x3], $0x400, s20, s26, $0x38;
	[tilespmem:$0x1F900] =	vst v63  }
0x79: {  	s23 =	simm.s32 $0x18900;
	s8 =	sadd.s32 $0x1000, s0  }
0x7a: {  	[hbm4b:s8+s26] =	stream.strided.scatter [tilespmem:s23], [sflag:$0x3], $0x400, s20, s26, $0x38;
	[tilespmem:$0x1F900] =	vst v63  }
0x7b: {  	s9 =	sadd.s32 $0x1080, s0;
	s11 =	simm.s32 $0x18D00  }
0x7c: {  	[hbm4b:s9+s26] =	stream.strided.scatter [tilespmem:s11], [sflag:$0x3], $0x400, s20, s26, $0x38;
	[tilespmem:$0x1F900] =	vst v63  }
0x7d: {  	s29 =	simm.s32 $0x19100;
	s31 =	sadd.s32 $0x2000, s0  }
0x7e: {  	[hbm4b:s31+s26] =	stream.strided.scatter [tilespmem:s29], [sflag:$0x3], $0x400, s20, s26, $0x38;
	[tilespmem:$0x1F900] =	vst v63  }
0x7f: {  	s9 =	sadd.s32 $0x2080, s0;
	s11 =	simm.s32 $0x19500  }
0x80: {  	[hbm4b:s9+s26] =	stream.strided.scatter [tilespmem:s11], [sflag:$0x3], $0x400, s20, s26, $0x38;
	[tilespmem:$0x1F900] =	vst v63  }
0x81: {  	s24 =	simm.s32 $0x19900;
	s0 =	rddreg [dreg:$0x1e]  }
0x82: {  	[hbm4b:s0+s26] =	stream.strided.scatter [tilespmem:s24], [sflag:$0x3], $0x400, s20, s26, $0x38;
	[tilespmem:$0x1F900] =	vst v63  }
0x83: {  	s23 =	sadd.s32 $0x80, s0;
	s31 =	simm.s32 $0x19D00  }
0x84: {  	[hbm4b:s23+s26] =	stream.strided.scatter [tilespmem:s31], [sflag:$0x3], $0x400, s20, s26, $0x38;
	[tilespmem:$0x1F900] =	vst v63  }
0x85: {  	s9 =	sadd.s32 $0x1000, s0;
	s11 =	simm.s32 $0x1A100  }
0x86: {  	[hbm4b:s9+s26] =	stream.strided.scatter [tilespmem:s11], [sflag:$0x3], $0x400, s20, s26, $0x38;
	[tilespmem:$0x1F900] =	vst v63  }
0x87: {  	s23 =	sadd.s32 $0x1080, s0;
	s31 =	simm.s32 $0x1A500  }
0x88: {  	[hbm4b:s23+s26] =	stream.strided.scatter [tilespmem:s31], [sflag:$0x3], $0x400, s20, s26, $0x38;
	[tilespmem:$0x1F900] =	vst v63  }
0x89: {  	s9 =	sadd.s32 $0x2000, s0;
	s11 =	simm.s32 $0x1A900  }
0x8a: {  	[hbm4b:s9+s26] =	stream.strided.scatter [tilespmem:s11], [sflag:$0x3], $0x400, s20, s26, $0x38;
	[tilespmem:$0x1F900] =	vst v63  }
0x8b: {  	s23 =	sadd.s32 $0x2080, s0;
	s31 =	simm.s32 $0x1AD00  }
0x8c: {  	[hbm4b:s23+s26] =	stream.strided.scatter [tilespmem:s31], [sflag:$0x3], $0x400, s20, s26, $0x38;
	[tilespmem:$0x1F900] =	vst v63  }
0x8d: {  	v4 =	vld [tilespmem:$0x0];
	_ =	sdelay $0x4  }
0x8e: {  	v5 =	vshll.u32 v4, $0x1  }
0x8f: {  	v4 =	vand.u32 $0x7, v4;
	v5 =	vand.u32 $0xFFFFFFF0, v5  }
0x90: {  	v4 =	vor.u32 v4, v5  }
0x91: {  	v5 =	vperm.xlane v4, v1;
	_ =	sdelay $0x1  }
0x92: {  	v4 =	vperm.xlane v4, v3;
	v5 =	vadd.s32 v2, v5;
	_ =	sdelay $0x1  }
0x93: {  	v4 =	vadd.s32 v2, v4;
	_ =	sdelay $0x2  }
0x94: {  	[tilespmem:s22], [sflag:$0x5] =	stream.indirect_vreg.gather [hbm4b:s1+s3], $0x80, v5, vm0, $0xb8;
	[tilespmem:$0x1F900] =	vst v63  }
0x95: {  	s9 =	simm.s32 $0x1E900  }
0x96: {  	[tilespmem:s9], [sflag:$0x5] =	stream.indirect_vreg.gather [hbm4b:s1+s3], $0x80, v4, vm0, $0xb8;
	[tilespmem:$0x1F900] =	vst v63  }
0x97: {  	v4 =	vld.msk [tilespmem:$0x10], $0xff;
	_ =	sdelay $0x4  }
0x98: {  	v5 =	vshll.u32 v4, $0x1  }
0x99: {  	v4 =	vand.u32 $0x7, v4;
	v5 =	vand.u32 $0xFFFFFFF0, v5  }
0x9a: {  	v4 =	vor.u32 v4, v5  }
0x9b: {  	v4 =	vperm.xlane v4, v1;
	_ =	sdelay $0x1  }
0x9c: {  	v4 =	vadd.s32 v2, v4;
	_ =	sdelay $0x3  }
0x9d: {  	s11 =	simm.s32 $0x1F100  }
0x9e: {  	[tilespmem:s11], [sflag:$0x5] =	stream.indirect_vreg.gather [hbm4b:s1+s3], $0x80, v4, vm0, $0xb8;
	[tilespmem:$0x1F900] =	vst v63  }
0x9f: {  	_ =	swait.ge [sflag:s19], $0x1800  }
0xa0: {  	[sflag:s19] =	ssyncset.done $0x0  }
0xa1: {  	s23 =	rddreg [dreg:$0xa];
	[sflag:s19] =	ssyncadd.s32 $0xFFFFE800  }
0xa2: {  	[hbm4b:s23+s3] =	stream.linear.scatter [tilespmem:s22], [sflag:$0x5], $0x1800, $0x38;
	[tilespmem:$0x1F900] =	vst v63  }
0xa3: {  	_ =	swait.ge [sflag:s19], $0x1800  }
0xa4: {  	[sflag:s19] =	ssyncset.done $0x0  }
0xa5: {  	[sflag:s19] =	ssyncadd.s32 $0xFFFFE800  }
0xa6: {  	_ =	swait.ge [sflag:s25], $0xC000  }
0xa7: {  	[sflag:s25] =	ssyncset.done $0x0  }
0xa8: {  	[sflag:s25] =	ssyncadd.s32 $0xFFFF4000  }
0xa9: {  	_ =	swait.ge [sflag:s25], $0x1800  }
0xaa: {  	[sflag:s25] =	ssyncset.done $0x0  }
0xab: {  	[sflag:s25] =	ssyncadd.s32 $0xFFFFE800  }
0xac: {  	_ =	swait.ge [sflag:s25], $0x1800  }
0xad: {  	[sflag:s25] =	ssyncset.done $0x0  }
0xae: {  	s0 =	rddreg [dreg:$0xb];
	[sflag:s25] =	ssyncadd.s32 $0xFFFFE800  }
0xaf: {  	[tilespmem:s3], [sflag:$0x5] =	stream.linear.gather [hbm4b:s0+s3], $0x18, $0x38;
	[tilespmem:$0x1F900] =	vst v63  }
0xb0: {  	_ =	swait.ge [sflag:s19], $0x18  }
0xb1: {  	[sflag:s19] =	ssyncset.done $0x0  }
0xb2: {  	[sflag:s19] =	ssyncadd.s32 $0xFFFFFFE8  }
0xb3: {  	v4 =	vld [tilespmem:$0x0];
	_ =	sdelay $0x4  }
0xb4: {  	v4 =	vshll.u32 v4, $0xC  }
0xb5: {  	v4 =	vperm.xlane v4, v0;
	_ =	sdelay $0x4  }
0xb6: {  	s6 =	simm.s32 $0x100  }
0xb7: {  	[tilespmem:s6], [sflag:$0x1] =	stream.indirect_vreg.gather [hbm4b:s4+s3], $0x800, v4, vm0, $0x38;
	[tilespmem:$0x1F900] =	vst v63  }
0xb8: {  	v4 =	vld.msk [tilespmem:$0x10], $0xff;
	_ =	sdelay $0x4  }
0xb9: {  	v4 =	vshll.u32 v4, $0xC  }
0xba: {  	v4 =	vperm.xlane v4, v0;
	_ =	sdelay $0x4  }
0xbb: {  	s11 =	simm.s32 $0x8100  }
0xbc: {  	[tilespmem:s11], [sflag:$0x1] =	stream.indirect_vreg.gather [hbm4b:s4+s3], $0x800, v4, vm1, $0x38;
	[tilespmem:$0x1F900] =	vst v63  }
0xbd: {  	v4 =	vld [tilespmem:$0x0];
	_ =	sdelay $0x4  }
0xbe: {  	v4 =	vshll.u32 v4, $0x5  }
0xbf: {  	v5 =	vperm.xlane v4, v1;
	_ =	sdelay $0x1  }
0xc0: {  	v4 =	vperm.xlane v4, v3;
	v5 =	vadd.s32 v2, v5;
	_ =	sdelay $0x1  }
0xc1: {  	v4 =	vadd.s32 v2, v4;
	_ =	sdelay $0x2  }
0xc2: {  	[tilespmem:s7], [sflag:$0x1] =	stream.indirect_vreg.gather [hbm4b:s5+s3], $0x80, v5, vm0, $0xb8;
	[tilespmem:$0x1F900] =	vst v63  }
0xc3: {  	s8 =	simm.s32 $0x18900  }
0xc4: {  	[tilespmem:s8], [sflag:$0x1] =	stream.indirect_vreg.gather [hbm4b:s5+s3], $0x80, v4, vm0, $0xb8;
	[tilespmem:$0x1F900] =	vst v63  }
0xc5: {  	v4 =	vld.msk [tilespmem:$0x10], $0xff;
	_ =	sdelay $0x4  }
0xc6: {  	v4 =	vshll.u32 v4, $0x5  }
0xc7: {  	v4 =	vperm.xlane v4, v1;
	_ =	sdelay $0x1  }
0xc8: {  	v4 =	vadd.s32 v2, v4;
	_ =	sdelay $0x3  }
0xc9: {  	s29 =	simm.s32 $0x19100  }
0xca: {  	[tilespmem:s29], [sflag:$0x1] =	stream.indirect_vreg.gather [hbm4b:s5+s3], $0x80, v4, vm0, $0xb8;
	[tilespmem:$0x1F900] =	vst v63  }
0xcb: {  	s24 =	simm.s32 $0x19900;
	s23 =	rddreg [dreg:$0xc]  }
0xcc: {  	[tilespmem:s24], [sflag:$0x1] =	stream.linear.gather [hbm4b:s23+s3], $0x1800, $0x38;
	[tilespmem:$0x1F900] =	vst v63  }
0xcd: {  	_ =	swait.ge [sflag:s28], $0xC000  }
0xce: {  	[sflag:s28] =	ssyncset.done $0x0  }
0xcf: {  	[sflag:s28] =	ssyncadd.s32 $0xFFFF4000  }
0xd0: {  	_ =	swait.ge [sflag:s28], $0x1800  }
0xd1: {  	[sflag:s28] =	ssyncset.done $0x0  }
0xd2: {  	[sflag:s28] =	ssyncadd.s32 $0xFFFFE800  }
0xd3: {  	_ =	swait.ge [sflag:s28], $0x1800  }
0xd4: {  	s10 =	simm.s32 $0x800;
	[sflag:s28] =	ssyncset.done $0x0  }
0xd5: {  	s0 =	simm.s32 $0xC100;
	s29 =	rddreg [dreg:$0xd];
	[sflag:s28] =	ssyncadd.s32 $0xFFFFE800  }
0xd6: {  	[hbm4b:s29+s10] =	stream.strided.scatter [tilespmem:s0], [sflag:$0x4], $0xC000, s20, s10, $0x38;
	[tilespmem:$0x1F900] =	vst v63  }
0xd7: {  	s23 =	simm.s32 $0x1B100;
	s8 =	rddreg [dreg:$0x1f]  }
0xd8: {  	[hbm4b:s8+s26] =	stream.strided.scatter [tilespmem:s23], [sflag:$0x4], $0x400, s20, s26, $0x38;
	[tilespmem:$0x1F900] =	vst v63  }
0xd9: {  	s7 =	simm.s32 $0x1B500;
	s6 =	sadd.s32 $0x80, s8  }
0xda: {  	[hbm4b:s6+s26] =	stream.strided.scatter [tilespmem:s7], [sflag:$0x4], $0x400, s20, s26, $0x38;
	[tilespmem:$0x1F900] =	vst v63  }
0xdb: {  	s10 =	sadd.s32 $0x1000, s8;
	s6 =	simm.s32 $0x1B900  }
0xdc: {  	[hbm4b:s10+s26] =	stream.strided.scatter [tilespmem:s6], [sflag:$0x4], $0x400, s20, s26, $0x38;
	[tilespmem:$0x1F900] =	vst v63  }
0xdd: {  	s24 =	sadd.s32 $0x1080, s8;
	s29 =	simm.s32 $0x1BD00  }
0xde: {  	[hbm4b:s24+s26] =	stream.strided.scatter [tilespmem:s29], [sflag:$0x4], $0x400, s20, s26, $0x38;
	[tilespmem:$0x1F900] =	vst v63  }
0xdf: {  	s7 =	sadd.s32 $0x2000, s8;
	s24 =	simm.s32 $0x1C100  }
0xe0: {  	[hbm4b:s7+s26] =	stream.strided.scatter [tilespmem:s24], [sflag:$0x4], $0x400, s20, s26, $0x38;
	[tilespmem:$0x1F900] =	vst v63  }
0xe1: {  	s10 =	sadd.s32 $0x2080, s8;
	s8 =	sld [smem:$0x7FB];
	s29 =	simm.s32 $0x1C500  }
0xe2: {  	[hbm4b:s10+s26] =	stream.strided.scatter [tilespmem:s29], [sflag:$0x4], $0x400, s20, s26, $0x38;
	[tilespmem:$0x1F900] =	vst v63  }
0xe3: {  	s29 =	simm.s32 $0x1C900  }
0xe4: {  	[hbm4b:s8+s26] =	stream.strided.scatter [tilespmem:s29], [sflag:$0x4], $0x400, s20, s26, $0x38;
	[tilespmem:$0x1F900] =	vst v63  }
0xe5: {  	s7 =	sadd.s32 $0x80, s8;
	s10 =	simm.s32 $0x1CD00  }
0xe6: {  	[hbm4b:s7+s26] =	stream.strided.scatter [tilespmem:s10], [sflag:$0x4], $0x400, s20, s26, $0x38;
	[tilespmem:$0x1F900] =	vst v63  }
0xe7: {  	s7 =	sadd.s32 $0x1000, s8;
	s10 =	simm.s32 $0x1D100  }
0xe8: {  	[hbm4b:s7+s26] =	stream.strided.scatter [tilespmem:s10], [sflag:$0x4], $0x400, s20, s26, $0x38;
	[tilespmem:$0x1F900] =	vst v63  }
0xe9: {  	s7 =	sadd.s32 $0x1080, s8;
	s10 =	simm.s32 $0x1D500  }
0xea: {  	[hbm4b:s7+s26] =	stream.strided.scatter [tilespmem:s10], [sflag:$0x4], $0x400, s20, s26, $0x38;
	[tilespmem:$0x1F900] =	vst v63  }
0xeb: {  	s7 =	sadd.s32 $0x2000, s8;
	s10 =	simm.s32 $0x1D900  }
0xec: {  	[hbm4b:s7+s26] =	stream.strided.scatter [tilespmem:s10], [sflag:$0x4], $0x400, s20, s26, $0x38;
	[tilespmem:$0x1F900] =	vst v63  }
0xed: {  	s7 =	sadd.s32 $0x2080, s8;
	s8 =	simm.s32 $0x1DD00  }
0xee: {  	[hbm4b:s7+s26] =	stream.strided.scatter [tilespmem:s8], [sflag:$0x4], $0x400, s20, s26, $0x38;
	[tilespmem:$0x1F900] =	vst v63  }
0xef: {  	v4 =	vld [tilespmem:$0x80];
	_ =	sdelay $0x4  }
0xf0: {  	v5 =	vshll.u32 v4, $0x1  }
0xf1: {  	v4 =	vand.u32 $0x7, v4;
	v5 =	vand.u32 $0xFFFFFFF0, v5  }
0xf2: {  	v4 =	vor.u32 v4, v5  }
0xf3: {  	v5 =	vperm.xlane v4, v1;
	_ =	sdelay $0x1  }
0xf4: {  	v4 =	vperm.xlane v4, v3;
	v5 =	vadd.s32 v2, v5;
	_ =	sdelay $0x1  }
0xf5: {  	v4 =	vadd.s32 v2, v4;
	_ =	sdelay $0x2  }
0xf6: {  	[tilespmem:s22], [sflag:$0x5] =	stream.indirect_vreg.gather [hbm4b:s1+s3], $0x80, v5, vm0, $0xb8;
	[tilespmem:$0x1F900] =	vst v63  }
0xf7: {  	s31 =	simm.s32 $0x1E900  }
0xf8: {  	[tilespmem:s31], [sflag:$0x5] =	stream.indirect_vreg.gather [hbm4b:s1+s3], $0x80, v4, vm0, $0xb8;
	[tilespmem:$0x1F900] =	vst v63  }
0xf9: {  	v4 =	vld.msk [tilespmem:$0x90], $0xff;
	_ =	sdelay $0x4  }
0xfa: {  	v5 =	vshll.u32 v4, $0x1  }
0xfb: {  	v4 =	vand.u32 $0x7, v4;
	v5 =	vand.u32 $0xFFFFFFF0, v5  }
0xfc: {  	v4 =	vor.u32 v4, v5  }
0xfd: {  	v4 =	vperm.xlane v4, v1;
	_ =	sdelay $0x1  }
0xfe: {  	v4 =	vadd.s32 v2, v4;
	_ =	sdelay $0x3  }
0xff: {  	s9 =	simm.s32 $0x1F100  }
0x100: {  	[tilespmem:s9], [sflag:$0x5] =	stream.indirect_vreg.gather [hbm4b:s1+s3], $0x80, v4, vm0, $0xb8;
	[tilespmem:$0x1F900] =	vst v63  }
0x101: {  	_ =	swait.ge [sflag:s19], $0x1800  }
0x102: {  	[sflag:s19] =	ssyncset.done $0x0  }
0x103: {  	s9 =	rddreg [dreg:$0xe];
	[sflag:s19] =	ssyncadd.s32 $0xFFFFE800  }
0x104: {  	[hbm4b:s9+s3] =	stream.linear.scatter [tilespmem:s22], [sflag:$0x5], $0x1800, $0x38;
	[tilespmem:$0x1F900] =	vst v63  }
0x105: {  	_ =	swait.ge [sflag:s19], $0x1800  }
0x106: {  	[sflag:s19] =	ssyncset.done $0x0  }
0x107: {  	[sflag:s19] =	ssyncadd.s32 $0xFFFFE800  }
0x108: {  	_ =	swait.ge [sflag:s30], $0xC000  }
0x109: {  	[sflag:s30] =	ssyncset.done $0x0  }
0x10a: {  	[sflag:s30] =	ssyncadd.s32 $0xFFFF4000  }
0x10b: {  	_ =	swait.ge [sflag:s30], $0x1800  }
0x10c: {  	[sflag:s30] =	ssyncset.done $0x0  }
0x10d: {  	[sflag:s30] =	ssyncadd.s32 $0xFFFFE800  }
0x10e: {  	_ =	swait.ge [sflag:s30], $0x1800  }
0x10f: {  	[sflag:s30] =	ssyncset.done $0x0  }
0x110: {  	s31 =	rddreg [dreg:$0xf];
	[sflag:s30] =	ssyncadd.s32 $0xFFFFE800  }
0x111: {  	[tilespmem:s26], [sflag:$0x5] =	stream.linear.gather [hbm4b:s31+s3], $0x18, $0x38;
	[tilespmem:$0x1F900] =	vst v63  }
0x112: {  	_ =	swait.ge [sflag:s19], $0x18  }
0x113: {  	[sflag:s19] =	ssyncset.done $0x0  }
0x114: {  	[sflag:s19] =	ssyncadd.s32 $0xFFFFFFE8  }
0x115: {  	v4 =	vld [tilespmem:$0x80];
	_ =	sdelay $0x4  }
0x116: {  	v4 =	vshll.u32 v4, $0xC  }
0x117: {  	v4 =	vperm.xlane v4, v0;
	_ =	sdelay $0x5  }
0x118: {  	[tilespmem:s0], [sflag:$0x2] =	stream.indirect_vreg.gather [hbm4b:s4+s3], $0x800, v4, vm0, $0x38;
	[tilespmem:$0x1F900] =	vst v63  }
0x119: {  	v4 =	vld.msk [tilespmem:$0x90], $0xff;
	_ =	sdelay $0x4  }
0x11a: {  	v4 =	vshll.u32 v4, $0xC  }
0x11b: {  	v4 =	vperm.xlane v4, v0;
	_ =	sdelay $0x4  }
0x11c: {  	s7 =	simm.s32 $0x14100  }
0x11d: {  	[tilespmem:s7], [sflag:$0x2] =	stream.indirect_vreg.gather [hbm4b:s4+s3], $0x800, v4, vm1, $0x38;
	[tilespmem:$0x1F900] =	vst v63  }
0x11e: {  	v4 =	vld [tilespmem:$0x80];
	_ =	sdelay $0x4  }
0x11f: {  	v4 =	vshll.u32 v4, $0x5  }
0x120: {  	v5 =	vperm.xlane v4, v1;
	_ =	sdelay $0x1  }
0x121: {  	v4 =	vperm.xlane v4, v3;
	v5 =	vadd.s32 v2, v5;
	_ =	sdelay $0x1  }
0x122: {  	v4 =	vadd.s32 v2, v4;
	_ =	sdelay $0x2  }
0x123: {  	[tilespmem:s23], [sflag:$0x2] =	stream.indirect_vreg.gather [hbm4b:s5+s3], $0x80, v5, vm0, $0xb8;
	[tilespmem:$0x1F900] =	vst v63  }
0x124: {  	_ = 	snop  }
0x125: {  	[tilespmem:s6], [sflag:$0x2] =	stream.indirect_vreg.gather [hbm4b:s5+s3], $0x80, v4, vm0, $0xb8;
	[tilespmem:$0x1F900] =	vst v63  }
0x126: {  	v4 =	vld.msk [tilespmem:$0x90], $0xff;
	_ =	sdelay $0x4  }
0x127: {  	v4 =	vshll.u32 v4, $0x5  }
0x128: {  	v4 =	vperm.xlane v4, v1;
	_ =	sdelay $0x1  }
0x129: {  	v4 =	vadd.s32 v2, v4;
	_ =	sdelay $0x4  }
0x12a: {  	[tilespmem:s24], [sflag:$0x2] =	stream.indirect_vreg.gather [hbm4b:s5+s3], $0x80, v4, vm0, $0xb8;
	[tilespmem:$0x1F900] =	vst v63  }
0x12b: {  	s8 =	rddreg [dreg:$0x10]  }
0x12c: {  	[tilespmem:s29], [sflag:$0x2] =	stream.linear.gather [hbm4b:s8+s3], $0x1800, $0x38;
	[tilespmem:$0x1F900] =	vst v63  }
0x12d: {  	_ =	swait.ge [sflag:s21], $0xC000  }
0x12e: {  	[sflag:s21] =	ssyncset.done $0x0  }
0x12f: {  	[sflag:s21] =	ssyncadd.s32 $0xFFFF4000  }
0x130: {  	_ =	swait.ge [sflag:s21], $0x1800  }
0x131: {  	[sflag:s21] =	ssyncset.done $0x0  }
0x132: {  	[sflag:s21] =	ssyncadd.s32 $0xFFFFE800  }
0x133: {  	_ =	swait.ge [sflag:s21], $0x1800  }
0x134: {  	s7 =	simm.s32 $0x100;
	s9 =	rddreg [dreg:$0x11];
	[sflag:s21] =	ssyncset.done $0x0  }
0x135: {  	s6 =	simm.s32 $0x800;
	s8 =	sld [smem:$0x7FC];
	[sflag:s21] =	ssyncadd.s32 $0xFFFFE800  }
0x136: {  	[hbm4b:s9+s6] =	stream.strided.scatter [tilespmem:s7], [sflag:$0x3], $0xC000, s20, s6, $0x38;
	[tilespmem:$0x1F900] =	vst v63  }
0x137: {  	s29 =	simm.s32 $0x18100  }
0x138: {  	[hbm4b:s8+s26] =	stream.strided.scatter [tilespmem:s29], [sflag:$0x3], $0x400, s20, s26, $0x38;
	[tilespmem:$0x1F900] =	vst v63  }
0x139: {  	s24 =	simm.s32 $0x18500;
	s23 =	sadd.s32 $0x80, s8  }
0x13a: {  	[hbm4b:s23+s26] =	stream.strided.scatter [tilespmem:s24], [sflag:$0x3], $0x400, s20, s26, $0x38;
	[tilespmem:$0x1F900] =	vst v63  }
0x13b: {  	s0 =	sadd.s32 $0x1000, s8;
	s23 =	simm.s32 $0x18900  }
0x13c: {  	[hbm4b:s0+s26] =	stream.strided.scatter [tilespmem:s23], [sflag:$0x3], $0x400, s20, s26, $0x38;
	[tilespmem:$0x1F900] =	vst v63  }
0x13d: {  	s9 =	sadd.s32 $0x1080, s8;
	s24 =	simm.s32 $0x18D00  }
0x13e: {  	[hbm4b:s9+s26] =	stream.strided.scatter [tilespmem:s24], [sflag:$0x3], $0x400, s20, s26, $0x38;
	[tilespmem:$0x1F900] =	vst v63  }
0x13f: {  	s0 =	sadd.s32 $0x2000, s8;
	s24 =	simm.s32 $0x19100  }
0x140: {  	[hbm4b:s0+s26] =	stream.strided.scatter [tilespmem:s24], [sflag:$0x3], $0x400, s20, s26, $0x38;
	[tilespmem:$0x1F900] =	vst v63  }
0x141: {  	s8 =	sadd.s32 $0x2080, s8;
	s9 =	simm.s32 $0x19500  }
0x142: {  	[hbm4b:s8+s26] =	stream.strided.scatter [tilespmem:s9], [sflag:$0x3], $0x400, s20, s26, $0x38;
	[tilespmem:$0x1F900] =	vst v63  }
0x143: {  	s9 =	sld [smem:$0x7FD];
	_ =	sdelay $0x1  }
0x144: {  	s8 =	simm.s32 $0x19900  }
0x145: {  	[hbm4b:s9+s26] =	stream.strided.scatter [tilespmem:s8], [sflag:$0x3], $0x400, s20, s26, $0x38;
	[tilespmem:$0x1F900] =	vst v63  }
0x146: {  	s0 =	simm.s32 $0x19D00;
	s2 =	sadd.s32 $0x80, s9  }
0x147: {  	[hbm4b:s2+s26] =	stream.strided.scatter [tilespmem:s0], [sflag:$0x3], $0x400, s20, s26, $0x38;
	[tilespmem:$0x1F900] =	vst v63  }
0x148: {  	s2 =	sadd.s32 $0x1000, s9;
	s0 =	simm.s32 $0x1A100  }
0x149: {  	[hbm4b:s2+s26] =	stream.strided.scatter [tilespmem:s0], [sflag:$0x3], $0x400, s20, s26, $0x38;
	[tilespmem:$0x1F900] =	vst v63  }
0x14a: {  	s2 =	sadd.s32 $0x1080, s9;
	s0 =	simm.s32 $0x1A500  }
0x14b: {  	[hbm4b:s2+s26] =	stream.strided.scatter [tilespmem:s0], [sflag:$0x3], $0x400, s20, s26, $0x38;
	[tilespmem:$0x1F900] =	vst v63  }
0x14c: {  	s2 =	sadd.s32 $0x2000, s9;
	s0 =	simm.s32 $0x1A900  }
0x14d: {  	[hbm4b:s2+s26] =	stream.strided.scatter [tilespmem:s0], [sflag:$0x3], $0x400, s20, s26, $0x38;
	[tilespmem:$0x1F900] =	vst v63  }
0x14e: {  	s0 =	sadd.s32 $0x2080, s9;
	s9 =	simm.s32 $0x1AD00  }
0x14f: {  	[hbm4b:s0+s26] =	stream.strided.scatter [tilespmem:s9], [sflag:$0x3], $0x400, s20, s26, $0x38;
	[tilespmem:$0x1F900] =	vst v63  }
0x150: {  	v4 =	vld [tilespmem:$0x0];
	_ =	sdelay $0x4  }
0x151: {  	v5 =	vshll.u32 v4, $0x1  }
0x152: {  	v4 =	vand.u32 $0x7, v4;
	v5 =	vand.u32 $0xFFFFFFF0, v5  }
0x153: {  	v4 =	vor.u32 v4, v5  }
0x154: {  	v5 =	vperm.xlane v4, v1;
	_ =	sdelay $0x1  }
0x155: {  	v4 =	vperm.xlane v4, v3;
	v5 =	vadd.s32 v2, v5;
	_ =	sdelay $0x1  }
0x156: {  	v4 =	vadd.s32 v2, v4;
	_ =	sdelay $0x2  }
0x157: {  	[tilespmem:s22], [sflag:$0x5] =	stream.indirect_vreg.gather [hbm4b:s1+s3], $0x80, v5, vm0, $0xb8;
	[tilespmem:$0x1F900] =	vst v63  }
0x158: {  	s10 =	simm.s32 $0x1E900  }
0x159: {  	[tilespmem:s10], [sflag:$0x5] =	stream.indirect_vreg.gather [hbm4b:s1+s3], $0x80, v4, vm0, $0xb8;
	[tilespmem:$0x1F900] =	vst v63  }
0x15a: {  	v4 =	vld.msk [tilespmem:$0x10], $0xff;
	_ =	sdelay $0x4  }
0x15b: {  	v5 =	vshll.u32 v4, $0x1  }
0x15c: {  	v4 =	vand.u32 $0x7, v4;
	v5 =	vand.u32 $0xFFFFFFF0, v5  }
0x15d: {  	v4 =	vor.u32 v4, v5  }
0x15e: {  	v4 =	vperm.xlane v4, v1;
	_ =	sdelay $0x1  }
0x15f: {  	v4 =	vadd.s32 v2, v4;
	_ =	sdelay $0x3  }
0x160: {  	s0 =	simm.s32 $0x1F100  }
0x161: {  	[tilespmem:s0], [sflag:$0x5] =	stream.indirect_vreg.gather [hbm4b:s1+s3], $0x80, v4, vm0, $0xb8;
	[tilespmem:$0x1F900] =	vst v63  }
0x162: {  	_ =	swait.ge [sflag:s19], $0x1800  }
0x163: {  	[sflag:s19] =	ssyncset.done $0x0  }
0x164: {  	s9 =	rddreg [dreg:$0x12];
	[sflag:s19] =	ssyncadd.s32 $0xFFFFE800  }
0x165: {  	[hbm4b:s9+s3] =	stream.linear.scatter [tilespmem:s22], [sflag:$0x5], $0x1800, $0x38;
	[tilespmem:$0x1F900] =	vst v63  }
0x166: {  	_ =	swait.ge [sflag:s19], $0x1800  }
0x167: {  	[sflag:s19] =	ssyncset.done $0x0  }
0x168: {  	[sflag:s19] =	ssyncadd.s32 $0xFFFFE800  }
0x169: {  	_ =	swait.ge [sflag:s25], $0xC000  }
0x16a: {  	[sflag:s25] =	ssyncset.done $0x0  }
0x16b: {  	[sflag:s25] =	ssyncadd.s32 $0xFFFF4000  }
0x16c: {  	_ =	swait.ge [sflag:s25], $0x1800  }
0x16d: {  	[sflag:s25] =	ssyncset.done $0x0  }
0x16e: {  	[sflag:s25] =	ssyncadd.s32 $0xFFFFE800  }
0x16f: {  	_ =	swait.ge [sflag:s25], $0x1800  }
0x170: {  	[sflag:s25] =	ssyncset.done $0x0  }
0x171: {  	s10 =	rddreg [dreg:$0x13];
	[sflag:s25] =	ssyncadd.s32 $0xFFFFE800  }
0x172: {  	[tilespmem:s3], [sflag:$0x5] =	stream.linear.gather [hbm4b:s10+s3], $0x18, $0x38;
	[tilespmem:$0x1F900] =	vst v63  }
0x173: {  	_ =	swait.ge [sflag:s19], $0x18  }
0x174: {  	[sflag:s19] =	ssyncset.done $0x0  }
0x175: {  	[sflag:s19] =	ssyncadd.s32 $0xFFFFFFE8  }
0x176: {  	v4 =	vld [tilespmem:$0x0];
	_ =	sdelay $0x4  }
0x177: {  	v4 =	vshll.u32 v4, $0xC  }
0x178: {  	v4 =	vperm.xlane v4, v0;
	_ =	sdelay $0x5  }
0x179: {  	[tilespmem:s7], [sflag:$0x1] =	stream.indirect_vreg.gather [hbm4b:s4+s3], $0x800, v4, vm0, $0x38;
	[tilespmem:$0x1F900] =	vst v63  }
0x17a: {  	v4 =	vld.msk [tilespmem:$0x10], $0xff;
	_ =	sdelay $0x4  }
0x17b: {  	v4 =	vshll.u32 v4, $0xC  }
0x17c: {  	v4 =	vperm.xlane v4, v0;
	_ =	sdelay $0x4  }
0x17d: {  	s11 =	simm.s32 $0x8100  }
0x17e: {  	[tilespmem:s11], [sflag:$0x1] =	stream.indirect_vreg.gather [hbm4b:s4+s3], $0x800, v4, vm1, $0x38;
	[tilespmem:$0x1F900] =	vst v63  }
0x17f: {  	v4 =	vld [tilespmem:$0x0];
	_ =	sdelay $0x4  }
0x180: {  	v4 =	vshll.u32 v4, $0x5  }
0x181: {  	v5 =	vperm.xlane v4, v1;
	_ =	sdelay $0x1  }
0x182: {  	v4 =	vperm.xlane v4, v3;
	v5 =	vadd.s32 v2, v5;
	_ =	sdelay $0x1  }
0x183: {  	v4 =	vadd.s32 v2, v4;
	_ =	sdelay $0x2  }
0x184: {  	[tilespmem:s29], [sflag:$0x1] =	stream.indirect_vreg.gather [hbm4b:s5+s3], $0x80, v5, vm0, $0xb8;
	[tilespmem:$0x1F900] =	vst v63  }
0x185: {  	_ = 	snop  }
0x186: {  	[tilespmem:s23], [sflag:$0x1] =	stream.indirect_vreg.gather [hbm4b:s5+s3], $0x80, v4, vm0, $0xb8;
	[tilespmem:$0x1F900] =	vst v63  }
0x187: {  	v4 =	vld.msk [tilespmem:$0x10], $0xff;
	_ =	sdelay $0x4  }
0x188: {  	v4 =	vshll.u32 v4, $0x5  }
0x189: {  	v4 =	vperm.xlane v4, v1;
	_ =	sdelay $0x1  }
0x18a: {  	v4 =	vadd.s32 v2, v4;
	_ =	sdelay $0x4  }
0x18b: {  	[tilespmem:s24], [sflag:$0x1] =	stream.indirect_vreg.gather [hbm4b:s5+s3], $0x80, v4, vm0, $0xb8;
	[tilespmem:$0x1F900] =	vst v63  }
0x18c: {  	s11 =	rddreg [dreg:$0x14]  }
0x18d: {  	[tilespmem:s8], [sflag:$0x1] =	stream.linear.gather [hbm4b:s11+s3], $0x1800, $0x38;
	[tilespmem:$0x1F900] =	vst v63  }
0x18e: {  	_ =	swait.ge [sflag:s28], $0xC000  }
0x18f: {  	[sflag:s28] =	ssyncset.done $0x0  }
0x190: {  	[sflag:s28] =	ssyncadd.s32 $0xFFFF4000  }
0x191: {  	_ =	swait.ge [sflag:s28], $0x1800  }
0x192: {  	[sflag:s28] =	ssyncset.done $0x0  }
0x193: {  	[sflag:s28] =	ssyncadd.s32 $0xFFFFE800  }
0x194: {  	_ =	swait.ge [sflag:s28], $0x1800  }
0x195: {  	[sflag:s28] =	ssyncset.done $0x0  }
0x196: {  	s9 =	simm.s32 $0xC100;
	s23 =	rddreg [dreg:$0x15];
	[sflag:s28] =	ssyncadd.s32 $0xFFFFE800  }
0x197: {  	[hbm4b:s23+s6] =	stream.strided.scatter [tilespmem:s9], [sflag:$0x4], $0xC000, s20, s6, $0x38;
	[tilespmem:$0x1F900] =	vst v63  }
0x198: {  	s11 =	simm.s32 $0x1B100  }
0x199: {  	[hbm4b:s12+s26] =	stream.strided.scatter [tilespmem:s11], [sflag:$0x4], $0x400, s20, s26, $0x38;
	[tilespmem:$0x1F900] =	vst v63  }
0x19a: {  	s29 =	simm.s32 $0x1B500;
	s24 =	sadd.s32 $0x80, s12  }
0x19b: {  	[hbm4b:s24+s26] =	stream.strided.scatter [tilespmem:s29], [sflag:$0x4], $0x400, s20, s26, $0x38;
	[tilespmem:$0x1F900] =	vst v63  }
0x19c: {  	s31 =	simm.s32 $0x1B900;
	s6 =	sadd.s32 $0x1000, s12  }
0x19d: {  	[hbm4b:s6+s26] =	stream.strided.scatter [tilespmem:s31], [sflag:$0x4], $0x400, s20, s26, $0x38;
	[tilespmem:$0x1F900] =	vst v63  }
0x19e: {  	s7 =	sadd.s32 $0x1080, s12;
	s8 =	simm.s32 $0x1BD00  }
0x19f: {  	[hbm4b:s7+s26] =	stream.strided.scatter [tilespmem:s8], [sflag:$0x4], $0x400, s20, s26, $0x38;
	[tilespmem:$0x1F900] =	vst v63  }
0x1a0: {  	s10 =	sadd.s32 $0x2000, s12;
	s7 =	simm.s32 $0x1C100  }
0x1a1: {  	[hbm4b:s10+s26] =	stream.strided.scatter [tilespmem:s7], [sflag:$0x4], $0x400, s20, s26, $0x38;
	[tilespmem:$0x1F900] =	vst v63  }
0x1a2: {  	s29 =	sadd.s32 $0x2080, s12;
	s31 =	simm.s32 $0x1C500  }
0x1a3: {  	[hbm4b:s29+s26] =	stream.strided.scatter [tilespmem:s31], [sflag:$0x4], $0x400, s20, s26, $0x38;
	[tilespmem:$0x1F900] =	vst v63  }
0x1a4: {  	s10 =	simm.s32 $0x1C900  }
0x1a5: {  	[hbm4b:s13+s26] =	stream.strided.scatter [tilespmem:s10], [sflag:$0x4], $0x400, s20, s26, $0x38;
	[tilespmem:$0x1F900] =	vst v63  }
0x1a6: {  	s8 =	sadd.s32 $0x80, s13;
	s29 =	simm.s32 $0x1CD00  }
0x1a7: {  	[hbm4b:s8+s26] =	stream.strided.scatter [tilespmem:s29], [sflag:$0x4], $0x400, s20, s26, $0x38;
	[tilespmem:$0x1F900] =	vst v63  }
0x1a8: {  	s31 =	sadd.s32 $0x1000, s13;
	s29 =	simm.s32 $0x1D100  }
0x1a9: {  	[hbm4b:s31+s26] =	stream.strided.scatter [tilespmem:s29], [sflag:$0x4], $0x400, s20, s26, $0x38;
	[tilespmem:$0x1F900] =	vst v63  }
0x1aa: {  	s6 =	sadd.s32 $0x1080, s13;
	s8 =	simm.s32 $0x1D500  }
0x1ab: {  	[hbm4b:s6+s26] =	stream.strided.scatter [tilespmem:s8], [sflag:$0x4], $0x400, s20, s26, $0x38;
	[tilespmem:$0x1F900] =	vst v63  }
0x1ac: {  	s6 =	sadd.s32 $0x2000, s13;
	s8 =	simm.s32 $0x1D900  }
0x1ad: {  	[hbm4b:s6+s26] =	stream.strided.scatter [tilespmem:s8], [sflag:$0x4], $0x400, s20, s26, $0x38;
	[tilespmem:$0x1F900] =	vst v63  }
0x1ae: {  	s6 =	sadd.s32 $0x2080, s13;
	s8 =	simm.s32 $0x1DD00  }
0x1af: {  	[hbm4b:s6+s26] =	stream.strided.scatter [tilespmem:s8], [sflag:$0x4], $0x400, s20, s26, $0x38;
	[tilespmem:$0x1F900] =	vst v63  }
0x1b0: {  	v4 =	vld [tilespmem:$0x80];
	_ =	sdelay $0x4  }
0x1b1: {  	v5 =	vshll.u32 v4, $0x1  }
0x1b2: {  	v4 =	vand.u32 $0x7, v4;
	v5 =	vand.u32 $0xFFFFFFF0, v5  }
0x1b3: {  	v4 =	vor.u32 v4, v5  }
0x1b4: {  	v5 =	vperm.xlane v4, v1;
	_ =	sdelay $0x1  }
0x1b5: {  	v4 =	vperm.xlane v4, v3;
	v5 =	vadd.s32 v2, v5;
	_ =	sdelay $0x1  }
0x1b6: {  	v4 =	vadd.s32 v2, v4;
	_ =	sdelay $0x2  }
0x1b7: {  	[tilespmem:s22], [sflag:$0x5] =	stream.indirect_vreg.gather [hbm4b:s1+s3], $0x80, v5, vm0, $0xb8;
	[tilespmem:$0x1F900] =	vst v63  }
0x1b8: {  	s6 =	simm.s32 $0x1E900  }
0x1b9: {  	[tilespmem:s6], [sflag:$0x5] =	stream.indirect_vreg.gather [hbm4b:s1+s3], $0x80, v4, vm0, $0xb8;
	[tilespmem:$0x1F900] =	vst v63  }
0x1ba: {  	v4 =	vld.msk [tilespmem:$0x90], $0xff;
	_ =	sdelay $0x4  }
0x1bb: {  	v5 =	vshll.u32 v4, $0x1  }
0x1bc: {  	v4 =	vand.u32 $0x7, v4;
	v5 =	vand.u32 $0xFFFFFFF0, v5  }
0x1bd: {  	v4 =	vor.u32 v4, v5  }
0x1be: {  	v4 =	vperm.xlane v4, v1;
	_ =	sdelay $0x1  }
0x1bf: {  	v4 =	vadd.s32 v2, v4;
	_ =	sdelay $0x4  }
0x1c0: {  	[tilespmem:s0], [sflag:$0x5] =	stream.indirect_vreg.gather [hbm4b:s1+s3], $0x80, v4, vm0, $0xb8;
	[tilespmem:$0x1F900] =	vst v63  }
0x1c1: {  	_ =	swait.ge [sflag:s19], $0x1800  }
0x1c2: {  	[sflag:s19] =	ssyncset.done $0x0  }
0x1c3: {  	s8 =	rddreg [dreg:$0x16];
	[sflag:s19] =	ssyncadd.s32 $0xFFFFE800  }
0x1c4: {  	[hbm4b:s8+s3] =	stream.linear.scatter [tilespmem:s22], [sflag:$0x5], $0x1800, $0x38;
	[tilespmem:$0x1F900] =	vst v63  }
0x1c5: {  	_ =	swait.ge [sflag:s19], $0x1800  }
0x1c6: {  	[sflag:s19] =	ssyncset.done $0x0  }
0x1c7: {  	[sflag:s19] =	ssyncadd.s32 $0xFFFFE800  }
0x1c8: {  	_ =	swait.ge [sflag:s30], $0xC000  }
0x1c9: {  	[sflag:s30] =	ssyncset.done $0x0  }
0x1ca: {  	[sflag:s30] =	ssyncadd.s32 $0xFFFF4000  }
0x1cb: {  	_ =	swait.ge [sflag:s30], $0x1800  }
0x1cc: {  	[sflag:s30] =	ssyncset.done $0x0  }
0x1cd: {  	[sflag:s30] =	ssyncadd.s32 $0xFFFFE800  }
0x1ce: {  	_ =	swait.ge [sflag:s30], $0x1800  }
0x1cf: {  	[sflag:s30] =	ssyncset.done $0x0  }
0x1d0: {  	s0 =	rddreg [dreg:$0x17];
	[sflag:s30] =	ssyncadd.s32 $0xFFFFE800  }
0x1d1: {  	[tilespmem:s26], [sflag:$0x5] =	stream.linear.gather [hbm4b:s0+s3], $0x18, $0x38;
	[tilespmem:$0x1F900] =	vst v63  }
0x1d2: {  	_ =	swait.ge [sflag:s19], $0x18  }
0x1d3: {  	[sflag:s19] =	ssyncset.done $0x0  }
0x1d4: {  	[sflag:s19] =	ssyncadd.s32 $0xFFFFFFE8  }
0x1d5: {  	v4 =	vld [tilespmem:$0x80];
	_ =	sdelay $0x4  }
0x1d6: {  	v4 =	vshll.u32 v4, $0xC  }
0x1d7: {  	v4 =	vperm.xlane v4, v0;
	_ =	sdelay $0x5  }
0x1d8: {  	[tilespmem:s9], [sflag:$0x2] =	stream.indirect_vreg.gather [hbm4b:s4+s3], $0x800, v4, vm0, $0x38;
	[tilespmem:$0x1F900] =	vst v63  }
0x1d9: {  	v4 =	vld.msk [tilespmem:$0x90], $0xff;
	_ =	sdelay $0x4  }
0x1da: {  	v4 =	vshll.u32 v4, $0xC  }
0x1db: {  	v4 =	vperm.xlane v4, v0;
	_ =	sdelay $0x4  }
0x1dc: {  	s6 =	simm.s32 $0x14100  }
0x1dd: {  	[tilespmem:s6], [sflag:$0x2] =	stream.indirect_vreg.gather [hbm4b:s4+s3], $0x800, v4, vm1, $0x38;
	[tilespmem:$0x1F900] =	vst v63  }
0x1de: {  	v4 =	vld [tilespmem:$0x80];
	_ =	sdelay $0x4  }
0x1df: {  	v4 =	vshll.u32 v4, $0x5  }
0x1e0: {  	v5 =	vperm.xlane v4, v1;
	_ =	sdelay $0x1  }
0x1e1: {  	v4 =	vperm.xlane v4, v3;
	v5 =	vadd.s32 v2, v5;
	_ =	sdelay $0x1  }
0x1e2: {  	v4 =	vadd.s32 v2, v4;
	_ =	sdelay $0x2  }
0x1e3: {  	[tilespmem:s11], [sflag:$0x2] =	stream.indirect_vreg.gather [hbm4b:s5+s3], $0x80, v5, vm0, $0xb8;
	[tilespmem:$0x1F900] =	vst v63  }
0x1e4: {  	s24 =	simm.s32 $0x1B900  }
0x1e5: {  	[tilespmem:s24], [sflag:$0x2] =	stream.indirect_vreg.gather [hbm4b:s5+s3], $0x80, v4, vm0, $0xb8;
	[tilespmem:$0x1F900] =	vst v63  }
0x1e6: {  	v4 =	vld.msk [tilespmem:$0x90], $0xff;
	_ =	sdelay $0x4  }
0x1e7: {  	v4 =	vshll.u32 v4, $0x5  }
0x1e8: {  	v4 =	vperm.xlane v4, v1;
	_ =	sdelay $0x1  }
0x1e9: {  	v4 =	vadd.s32 v2, v4;
	_ =	sdelay $0x4  }
0x1ea: {  	[tilespmem:s7], [sflag:$0x2] =	stream.indirect_vreg.gather [hbm4b:s5+s3], $0x80, v4, vm0, $0xb8;
	[tilespmem:$0x1F900] =	vst v63  }
0x1eb: {  	s9 =	rddreg [dreg:$0x18]  }
0x1ec: {  	[tilespmem:s10], [sflag:$0x2] =	stream.linear.gather [hbm4b:s9+s3], $0x1800, $0x38;
	[tilespmem:$0x1F900] =	vst v63  }
0x1ed: {  	_ =	swait.ge [sflag:s21], $0xC000  }
0x1ee: {  	[sflag:s21] =	ssyncset.done $0x0  }
0x1ef: {  	[sflag:s21] =	ssyncadd.s32 $0xFFFF4000  }
0x1f0: {  	_ =	swait.ge [sflag:s21], $0x1800  }
0x1f1: {  	[sflag:s21] =	ssyncset.done $0x0  }
0x1f2: {  	[sflag:s21] =	ssyncadd.s32 $0xFFFFE800  }
0x1f3: {  	_ =	swait.ge [sflag:s21], $0x1800  }
0x1f4: {  	s23 =	simm.s32 $0x800;
	[sflag:s21] =	ssyncset.done $0x0  }
0x1f5: {  	s11 =	simm.s32 $0x100;
	s10 =	rddreg [dreg:$0x19];
	[sflag:s21] =	ssyncadd.s32 $0xFFFFE800  }
0x1f6: {  	[hbm4b:s10+s23] =	stream.strided.scatter [tilespmem:s11], [sflag:$0x3], $0xC000, s20, s23, $0x38;
	[tilespmem:$0x1F900] =	vst v63  }
0x1f7: {  	s2 =	simm.s32 $0x18100  }
0x1f8: {  	[hbm4b:s14+s26] =	stream.strided.scatter [tilespmem:s2], [sflag:$0x3], $0x400, s20, s26, $0x38;
	[tilespmem:$0x1F900] =	vst v63  }
0x1f9: {  	s10 =	sadd.s32 $0x80, s14;
	s11 =	simm.s32 $0x18500  }
0x1fa: {  	[hbm4b:s10+s26] =	stream.strided.scatter [tilespmem:s11], [sflag:$0x3], $0x400, s20, s26, $0x38;
	[tilespmem:$0x1F900] =	vst v63  }
0x1fb: {  	s10 =	sadd.s32 $0x1000, s14;
	s11 =	simm.s32 $0x18900  }
0x1fc: {  	[hbm4b:s10+s26] =	stream.strided.scatter [tilespmem:s11], [sflag:$0x3], $0x400, s20, s26, $0x38;
	[tilespmem:$0x1F900] =	vst v63  }
0x1fd: {  	s10 =	sadd.s32 $0x1080, s14;
	s11 =	simm.s32 $0x18D00  }
0x1fe: {  	[hbm4b:s10+s26] =	stream.strided.scatter [tilespmem:s11], [sflag:$0x3], $0x400, s20, s26, $0x38;
	[tilespmem:$0x1F900] =	vst v63  }
0x1ff: {  	s10 =	sadd.s32 $0x2000, s14;
	s11 =	simm.s32 $0x19100  }
0x200: {  	[hbm4b:s10+s26] =	stream.strided.scatter [tilespmem:s11], [sflag:$0x3], $0x400, s20, s26, $0x38;
	[tilespmem:$0x1F900] =	vst v63  }
0x201: {  	s10 =	sadd.s32 $0x2080, s14;
	s11 =	simm.s32 $0x19500  }
0x202: {  	[hbm4b:s10+s26] =	stream.strided.scatter [tilespmem:s11], [sflag:$0x3], $0x400, s20, s26, $0x38;
	[tilespmem:$0x1F900] =	vst v63  }
0x203: {  	s2 =	simm.s32 $0x19900  }
0x204: {  	[hbm4b:s15+s26] =	stream.strided.scatter [tilespmem:s2], [sflag:$0x3], $0x400, s20, s26, $0x38;
	[tilespmem:$0x1F900] =	vst v63  }
0x205: {  	s10 =	sadd.s32 $0x80, s15;
	s11 =	simm.s32 $0x19D00  }
0x206: {  	[hbm4b:s10+s26] =	stream.strided.scatter [tilespmem:s11], [sflag:$0x3], $0x400, s20, s26, $0x38;
	[tilespmem:$0x1F900] =	vst v63  }
0x207: {  	s10 =	sadd.s32 $0x1000, s15;
	s11 =	simm.s32 $0x1A100  }
0x208: {  	[hbm4b:s10+s26] =	stream.strided.scatter [tilespmem:s11], [sflag:$0x3], $0x400, s20, s26, $0x38;
	[tilespmem:$0x1F900] =	vst v63  }
0x209: {  	s10 =	sadd.s32 $0x1080, s15;
	s11 =	simm.s32 $0x1A500  }
0x20a: {  	[hbm4b:s10+s26] =	stream.strided.scatter [tilespmem:s11], [sflag:$0x3], $0x400, s20, s26, $0x38;
	[tilespmem:$0x1F900] =	vst v63  }
0x20b: {  	s10 =	sadd.s32 $0x2000, s15;
	s11 =	simm.s32 $0x1A900  }
0x20c: {  	[hbm4b:s10+s26] =	stream.strided.scatter [tilespmem:s11], [sflag:$0x3], $0x400, s20, s26, $0x38;
	[tilespmem:$0x1F900] =	vst v63  }
0x20d: {  	s0 =	sadd.s32 $0x2080, s15;
	s10 =	simm.s32 $0x1AD00  }
0x20e: {  	[hbm4b:s0+s26] =	stream.strided.scatter [tilespmem:s10], [sflag:$0x3], $0x400, s20, s26, $0x38;
	[tilespmem:$0x1F900] =	vst v63  }
0x20f: {  	v4 =	vld [tilespmem:$0x0];
	_ =	sdelay $0x4  }
0x210: {  	v5 =	vshll.u32 v4, $0x1  }
0x211: {  	v4 =	vand.u32 $0x7, v4;
	v5 =	vand.u32 $0xFFFFFFF0, v5  }
0x212: {  	v4 =	vor.u32 v4, v5  }
0x213: {  	v5 =	vperm.xlane v4, v1;
	_ =	sdelay $0x1  }
0x214: {  	v4 =	vperm.xlane v4, v3;
	v5 =	vadd.s32 v2, v5;
	_ =	sdelay $0x1  }
0x215: {  	v4 =	vadd.s32 v2, v4;
	_ =	sdelay $0x2  }
0x216: {  	[tilespmem:s22], [sflag:$0x5] =	stream.indirect_vreg.gather [hbm4b:s1+s3], $0x80, v5, vm0, $0xb8;
	[tilespmem:$0x1F900] =	vst v63  }
0x217: {  	s0 =	simm.s32 $0x1E900  }
0x218: {  	[tilespmem:s0], [sflag:$0x5] =	stream.indirect_vreg.gather [hbm4b:s1+s3], $0x80, v4, vm0, $0xb8;
	[tilespmem:$0x1F900] =	vst v63  }
0x219: {  	v4 =	vld.msk [tilespmem:$0x10], $0xff;
	_ =	sdelay $0x4  }
0x21a: {  	v5 =	vshll.u32 v4, $0x1  }
0x21b: {  	v4 =	vand.u32 $0x7, v4;
	v5 =	vand.u32 $0xFFFFFFF0, v5  }
0x21c: {  	v4 =	vor.u32 v4, v5  }
0x21d: {  	v4 =	vperm.xlane v4, v1;
	_ =	sdelay $0x1  }
0x21e: {  	v4 =	vadd.s32 v2, v4;
	_ =	sdelay $0x3  }
0x21f: {  	s31 =	simm.s32 $0x1F100  }
0x220: {  	[tilespmem:s31], [sflag:$0x5] =	stream.indirect_vreg.gather [hbm4b:s1+s3], $0x80, v4, vm0, $0xb8;
	[tilespmem:$0x1F900] =	vst v63  }
0x221: {  	_ =	swait.ge [sflag:s19], $0x1800  }
0x222: {  	[sflag:s19] =	ssyncset.done $0x0  }
0x223: {  	s11 =	rddreg [dreg:$0x1a];
	[sflag:s19] =	ssyncadd.s32 $0xFFFFE800  }
0x224: {  	[hbm4b:s11+s3] =	stream.linear.scatter [tilespmem:s22], [sflag:$0x5], $0x1800, $0x38;
	[tilespmem:$0x1F900] =	vst v63  }
0x225: {  	_ =	swait.ge [sflag:s19], $0x1800  }
0x226: {  	[sflag:s19] =	ssyncset.done $0x0  }
0x227: {  	[sflag:s19] =	ssyncadd.s32 $0xFFFFE800  }
0x228: {  	_ =	swait.ge [sflag:s28], $0xC000  }
0x229: {  	[sflag:s28] =	ssyncset.done $0x0  }
0x22a: {  	[sflag:s28] =	ssyncadd.s32 $0xFFFF4000  }
0x22b: {  	_ =	swait.ge [sflag:s28], $0x1800  }
0x22c: {  	[sflag:s28] =	ssyncset.done $0x0  }
0x22d: {  	[sflag:s28] =	ssyncadd.s32 $0xFFFFE800  }
0x22e: {  	_ =	swait.ge [sflag:s28], $0x1800  }
0x22f: {  	[sflag:s28] =	ssyncset.done $0x0  }
0x230: {  	s8 =	simm.s32 $0xC100;
	s10 =	rddreg [dreg:$0x1b];
	[sflag:s28] =	ssyncadd.s32 $0xFFFFE800  }
0x231: {  	[hbm4b:s10+s23] =	stream.strided.scatter [tilespmem:s8], [sflag:$0x4], $0xC000, s20, s23, $0x38;
	[tilespmem:$0x1F900] =	vst v63  }
0x232: {  	s6 =	simm.s32 $0x1B100  }
0x233: {  	[hbm4b:s16+s26] =	stream.strided.scatter [tilespmem:s6], [sflag:$0x4], $0x400, s20, s26, $0x38;
	[tilespmem:$0x1F900] =	vst v63  }
0x234: {  	s11 =	sadd.s32 $0x80, s16;
	s23 =	simm.s32 $0x1B500  }
0x235: {  	[hbm4b:s11+s26] =	stream.strided.scatter [tilespmem:s23], [sflag:$0x4], $0x400, s20, s26, $0x38;
	[tilespmem:$0x1F900] =	vst v63  }
0x236: {  	s6 =	sadd.s32 $0x1000, s16  }
0x237: {  	[hbm4b:s6+s26] =	stream.strided.scatter [tilespmem:s24], [sflag:$0x4], $0x400, s20, s26, $0x38;
	[tilespmem:$0x1F900] =	vst v63  }
0x238: {  	s8 =	sadd.s32 $0x1080, s16;
	s10 =	simm.s32 $0x1BD00  }
0x239: {  	[hbm4b:s8+s26] =	stream.strided.scatter [tilespmem:s10], [sflag:$0x4], $0x400, s20, s26, $0x38;
	[tilespmem:$0x1F900] =	vst v63  }
0x23a: {  	s7 =	simm.s32 $0x1C100;
	s11 =	sadd.s32 $0x2000, s16  }
0x23b: {  	[hbm4b:s11+s26] =	stream.strided.scatter [tilespmem:s7], [sflag:$0x4], $0x400, s20, s26, $0x38;
	[tilespmem:$0x1F900] =	vst v63  }
0x23c: {  	s23 =	sadd.s32 $0x2080, s16;
	s24 =	simm.s32 $0x1C500  }
0x23d: {  	[hbm4b:s23+s26] =	stream.strided.scatter [tilespmem:s24], [sflag:$0x4], $0x400, s20, s26, $0x38;
	[tilespmem:$0x1F900] =	vst v63  }
0x23e: {  	s9 =	simm.s32 $0x1C900  }
0x23f: {  	[hbm4b:s17+s26] =	stream.strided.scatter [tilespmem:s9], [sflag:$0x4], $0x400, s20, s26, $0x38;
	[tilespmem:$0x1F900] =	vst v63  }
0x240: {  	s6 =	sadd.s32 $0x80, s17;
	s7 =	simm.s32 $0x1CD00  }
0x241: {  	[hbm4b:s6+s26] =	stream.strided.scatter [tilespmem:s7], [sflag:$0x4], $0x400, s20, s26, $0x38;
	[tilespmem:$0x1F900] =	vst v63  }
0x242: {  	s8 =	sadd.s32 $0x1000, s17  }
0x243: {  	[hbm4b:s8+s26] =	stream.strided.scatter [tilespmem:s29], [sflag:$0x4], $0x400, s20, s26, $0x38;
	[tilespmem:$0x1F900] =	vst v63  }
0x244: {  	s10 =	simm.s32 $0x1D500;
	s9 =	sadd.s32 $0x1080, s17  }
0x245: {  	[hbm4b:s9+s26] =	stream.strided.scatter [tilespmem:s10], [sflag:$0x4], $0x400, s20, s26, $0x38;
	[tilespmem:$0x1F900] =	vst v63  }
0x246: {  	s11 =	sadd.s32 $0x2000, s17;
	s23 =	simm.s32 $0x1D900  }
0x247: {  	[hbm4b:s11+s26] =	stream.strided.scatter [tilespmem:s23], [sflag:$0x4], $0x400, s20, s26, $0x38;
	[tilespmem:$0x1F900] =	vst v63  }
0x248: {  	s24 =	sadd.s32 $0x2080, s17;
	s29 =	simm.s32 $0x1DD00  }
0x249: {  	[hbm4b:s24+s26] =	stream.strided.scatter [tilespmem:s29], [sflag:$0x4], $0x400, s20, s26, $0x38;
	[tilespmem:$0x1F900] =	vst v63  }
0x24a: {  	v4 =	vld [tilespmem:$0x80];
	_ =	sdelay $0x4  }
0x24b: {  	v5 =	vshll.u32 v4, $0x1  }
0x24c: {  	v4 =	vand.u32 $0x7, v4;
	v5 =	vand.u32 $0xFFFFFFF0, v5  }
0x24d: {  	v4 =	vor.u32 v4, v5  }
0x24e: {  	v5 =	vperm.xlane v4, v1;
	_ =	sdelay $0x1  }
0x24f: {  	v4 =	vperm.xlane v4, v3;
	v5 =	vadd.s32 v2, v5;
	_ =	sdelay $0x1  }
0x250: {  	v4 =	vadd.s32 v2, v4;
	_ =	sdelay $0x2  }
0x251: {  	[tilespmem:s22], [sflag:$0x5] =	stream.indirect_vreg.gather [hbm4b:s1+s3], $0x80, v5, vm0, $0xb8;
	[tilespmem:$0x1F900] =	vst v63  }
0x252: {  	_ = 	snop  }
0x253: {  	[tilespmem:s0], [sflag:$0x5] =	stream.indirect_vreg.gather [hbm4b:s1+s3], $0x80, v4, vm0, $0xb8;
	[tilespmem:$0x1F900] =	vst v63  }
0x254: {  	v4 =	vld.msk [tilespmem:$0x90], $0xff;
	_ =	sdelay $0x4  }
0x255: {  	v5 =	vshll.u32 v4, $0x1  }
0x256: {  	v4 =	vand.u32 $0x7, v4;
	v5 =	vand.u32 $0xFFFFFFF0, v5  }
0x257: {  	v4 =	vor.u32 v4, v5  }
0x258: {  	v4 =	vperm.xlane v4, v1;
	_ =	sdelay $0x1  }
0x259: {  	v4 =	vadd.s32 v2, v4;
	_ =	sdelay $0x4  }
0x25a: {  	[tilespmem:s31], [sflag:$0x5] =	stream.indirect_vreg.gather [hbm4b:s1+s3], $0x80, v4, vm0, $0xb8;
	[tilespmem:$0x1F900] =	vst v63  }
0x25b: {  	_ =	swait.ge [sflag:s19], $0x1800  }
0x25c: {  	[sflag:s19] =	ssyncset.done $0x0  }
0x25d: {  	s31 =	rddreg [dreg:$0x1c];
	[sflag:s19] =	ssyncadd.s32 $0xFFFFE800  }
0x25e: {  	[hbm4b:s31+s3] =	stream.linear.scatter [tilespmem:s22], [sflag:$0x5], $0x1800, $0x38;
	[tilespmem:$0x1F900] =	vst v63  }
0x25f: {  	_ =	swait.ge [sflag:s19], $0x1800  }
0x260: {  	[sflag:s19] =	ssyncset.done $0x0  }
0x261: {  	[sflag:s19] =	ssyncadd.s32 $0xFFFFE800  }
0x262: {  	_ =	swait.ge [sflag:s25], $0xC000  }
0x263: {  	[sflag:s25] =	ssyncset.done $0x0  }
0x264: {  	[sflag:s25] =	ssyncadd.s32 $0xFFFF4000  }
0x265: {  	_ =	swait.ge [sflag:s25], $0x1800  }
0x266: {  	[sflag:s25] =	ssyncset.done $0x0  }
0x267: {  	[sflag:s25] =	ssyncadd.s32 $0xFFFFE800  }
0x268: {  	_ =	swait.ge [sflag:s25], $0x1800  }
0x269: {  	[sflag:s25] =	ssyncset.done $0x0  }
0x26a: {  	[sflag:s25] =	ssyncadd.s32 $0xFFFFE800  }
0x26b: {  	_ =	swait.ge [sflag:s30], $0xC000  }
0x26c: {  	[sflag:s30] =	ssyncset.done $0x0  }
0x26d: {  	[sflag:s30] =	ssyncadd.s32 $0xFFFF4000  }
0x26e: {  	p0 =	sne.s32 s18, $0x1;
	_ =	swait.ge [sflag:s30], $0x1800  }
.Ltmp0:
0x26f: {  	[sflag:s30] =	ssyncset.done $0x0;
	(pc) =	sbr.rel @p0 .LBB2_1-.Ltmp0, $4  }
0x270: {  	[sflag:s30] =	ssyncadd.s32 $0xFFFFE800  }
0x271: {  	_ =	swait.ge [sflag:s30], $0x1800  }
0x272: {  	[sflag:s30] =	ssyncset.done $0x0  }
0x273: {  	s18 =	sadd.s32 $0xFFFFFFFF, s18;
	[sflag:s30] =	ssyncadd.s32 $0xFFFFE800  }
0x274: {  	_ =	sfence.sel $0x180000  }
0x275: {  	[bflag:$0x0] =	sbarrier.arrive $0xFFFF  }
0x276: {  	_ =	strace $0x90000047  }
0x277: {  	s0 =	stileid.u32;
	[bflag:$0x2] =	sbarrier.arrive $0xFFFF  }
0x278: {  	p0 =	sne.s32 s0, $0x0;
	s0 =	rddreg [dreg:$0x4]  }
0x279: {  	s0 =	sadd.s32 @!p0 $0x100000, s0  }
0x27a: {  	[sflag:s0] =	ssyncadd.tile.s32 @!p0 $0x1;
	_ =	shalt  }
.Lfunc_end2:
_tile_overlayer_lowered:
.L_overlay_start_2:
0x27b: {  	(tag) =	ssettag $0x2  }
0x27c: {  	s0 =	rddreg [dreg:$0x0];
	s2 =	stileid.u32  }
0x27d: {  	s1 =	rddreg [dreg:$0x1];
	p0 =	sne.s32 s2, $0x0  }
0x27e: {  	s3 =	rddreg [dreg:$0x2];
	[bflag:$0x3] =	sbarrier.arrive $0xFFFF;
	s2 =	simm.s32 @!p0 $0x1C05  }
0x27f: {  	[timem:s3], [sflag:s2] =	dma.local @!p0 [hbm:s0], s1  }
0x280: {  	s0 =	simm.s32 @!p0 $0x5  }
0x281: {  	_ =	swait.ge @!p0 [sflag:s0], s1  }
0x282: {  	s1 =	ssub.s32 @!p0 $0x0, s1;
	[sflag:s0] =	ssyncset.done @!p0 $0x0  }
0x283: {  	[sflag:s0] =	ssyncadd.s32 @!p0 s1  }
0x284: {  	[bflag:$0x3] =	sbarrier.arrive $0xFFFF  }
0x285: {  	_ =	shalt  }

</sc_bundles>
